<compile_context>
chip_gen: v7x
topology: tpu7x:2x2x1
jax: 0.10.2.dev20260603
libtpu: 0.0.44.dev20260713+nightly
codegen_flags: <defaults>
</compile_context>

<pallas_src>
import functools

import jax
import jax.numpy as jnp
from jax import lax
from jax.experimental import pallas as pl
from jax.experimental.pallas import tpu as pltpu
from jax.experimental.pallas import tpu_sc as plsc

_NC = 2
_NS = 16
_NW = _NC * _NS
_L = 16


def _sc_fm(table, gidx3d, B, F, D):
    CB = 128
    IW = 64
    RPC = CB * F
    G = RPC // IW
    b_per_w = B // _NW
    n_chunks = b_per_w // CB

    mesh = plsc.VectorSubcoreMesh(
        core_axis_name="c", subcore_axis_name="s",
        num_cores=_NC, num_subcores=_NS)

    @functools.partial(
        pl.kernel,
        mesh=mesh,
        out_type=jax.ShapeDtypeStruct((B, D), jnp.float32),
        scratch_types=[
            pltpu.VMEM((G, IW), jnp.int32),
            pltpu.VMEM((RPC, D), jnp.float32),
            pltpu.VMEM((CB, D), jnp.float32),
            pltpu.SemaphoreType.DMA,
        ],
        compiler_params=pltpu.CompilerParams(use_tc_tiling_on_sc=False),
    )
    def k(tab_hbm, idx_hbm, out_hbm, gidx_v, rows_v, fm_v, sem):
        wid = lax.axis_index("s") * _NC + lax.axis_index("c")

        def do_chunk(c, _):
            pltpu.sync_copy(idx_hbm.at[wid * n_chunks + c], gidx_v)
            cps = [
                pltpu.async_copy(tab_hbm.at[gidx_v.at[g]],
                                 rows_v.at[pl.ds(g * IW, IW)], sem)
                for g in range(G)
            ]
            for cp in cps:
                cp.wait()

            def body(b, _):
                r0 = rows_v[b * F]
                s1 = r0
                s2 = r0 * r0
                for f in range(1, F):
                    r = rows_v[b * F + f]
                    s1 = s1 + r
                    s2 = s2 + r * r
                fm_v[b] = 0.5 * (s1 * s1 - s2)
                return 0

            lax.fori_loop(0, CB, body, 0)
            pltpu.sync_copy(fm_v,
                            out_hbm.at[pl.ds((wid * n_chunks + c) * CB, CB)])
            return 0

        lax.fori_loop(0, n_chunks, do_chunk, 0)

    return k(table, gidx3d)


def _tc_dense(x, fm, W1, b1, W2, b2, W3a, W3b, b3):
    B, F = x.shape
    D = fm.shape[1]
    H = W1.shape[1]
    C = W3a.shape[1]
    BB = 512
    grid = (B // BB,)

    def body(x_ref, fm_ref, w1_ref, b1_ref, w2_ref, b2_ref, w3a_ref,
             w3b_ref, b3_ref, o_ref):
        h = jnp.maximum(
            jnp.dot(x_ref[...], w1_ref[...],
                    preferred_element_type=jnp.float32,
                    precision=lax.Precision.HIGHEST) + b1_ref[...], 0.0)
        h = jnp.maximum(
            jnp.dot(h, w2_ref[...], preferred_element_type=jnp.float32,
                    precision=lax.Precision.HIGHEST) + b2_ref[...], 0.0)
        o_ref[...] = (
            jnp.dot(fm_ref[...], w3a_ref[...],
                    preferred_element_type=jnp.float32,
                    precision=lax.Precision.HIGHEST)
            + jnp.dot(h, w3b_ref[...], preferred_element_type=jnp.float32,
                      precision=lax.Precision.HIGHEST)
            + b3_ref[...])

    full = lambda s: pl.BlockSpec(s, lambda i: (0,) * len(s))
    return pl.pallas_call(
        body,
        grid=grid,
        in_specs=[
            pl.BlockSpec((BB, F), lambda i: (i, 0)),
            pl.BlockSpec((BB, D), lambda i: (i, 0)),
            full((F, H)), full((1, H)), full((H, H)), full((1, H)),
            full((D, C)), full((H, C)), full((1, C)),
        ],
        out_specs=pl.BlockSpec((BB, C), lambda i: (i, 0)),
        out_shape=jax.ShapeDtypeStruct((B, C), jnp.float32),
    )(x, fm, W1, b1.reshape(1, H), W2, b2.reshape(1, H),
      W3a, W3b, b3.reshape(1, C))


def kernel(x, tables, W1, b1, W2, b2, W3, b3):
    B, F = x.shape
    _, V, D = tables.shape
    CB = 128
    idx = x.astype(jnp.int32)
    gidx = idx + (jnp.arange(F, dtype=jnp.int32) * V)[None, :]
    gidx3d = gidx.reshape(B // CB, (CB * F) // 64, 64)
    table = tables.reshape(F * V, D)
    fm = _sc_fm(table, gidx3d, B, F, D)
    return _tc_dense(x, fm, W1, b1, W2, b2, W3[:D], W3[D:], b3)

# --- scband reference (transcript-rebuilt; emitter-appended) ---
"""Pipeline reference for scband-deep-fm-2774548873803 (READ-ONLY COPY).

The authoritative reference and input builder live on the scoring server;
editing this copy changes nothing except your own understanding.
"""

import jax, jax.numpy as jnp
import numpy as np

B = 16384   # batch
F = 26      # number of sparse fields (X_train.shape[1])
V = 100000  # num_features (vocab per field)
D = 16      # embed_dim
H = 64      # hidden_dim
C = 1000    # number of output classes (unique job IDs)


def setup_inputs(seed: int = 0) -> dict:
    key = jax.random.key(seed)
    ks = jax.random.split(key, 8)
    # forward input: float tensor whose entries are integer ids in [0, V)
    x = jax.random.randint(ks[0], (B, F), 0, V).astype(jnp.float32)
    # learned parameters
    tables = jax.random.normal(ks[1], (F, V, D), dtype=jnp.float32) * 0.01  # one embedding table per field
    W1 = jax.random.normal(ks[2], (F, H), dtype=jnp.float32) * 0.05
    b1 = jnp.zeros((H,), dtype=jnp.float32)
    W2 = jax.random.normal(ks[3], (H, H), dtype=jnp.float32) * 0.05
    b2 = jnp.zeros((H,), dtype=jnp.float32)
    W3 = jax.random.normal(ks[4], (D + H, C), dtype=jnp.float32) * 0.05
    b3 = jnp.zeros((C,), dtype=jnp.float32)
    return {"x": x, "tables": tables, "W1": W1, "b1": b1, "W2": W2, "b2": b2, "W3": W3, "b3": b3}


def reference(x, tables, W1, b1, W2, b2, W3, b3):
    idx = x.astype(jnp.int32)  # x[:, i].long()
    # per-field embedding lookup -> [B, F, D]
    emb = jax.vmap(lambda t, i: jnp.take(t, i, axis=0), in_axes=(0, 1), out_axes=1)(tables, idx)
    fm_term_1 = jnp.sum(emb, axis=1)          # [B, D]
    fm_term_2 = jnp.sum(emb ** 2, axis=1)     # [B, D]
    fm_output = 0.5 * (fm_term_1 ** 2 - fm_term_2)
    # DNN tower on raw float ids (faithful to original forward)
    h = jax.nn.relu(x @ W1 + b1)
    h = jax.nn.relu(h @ W2 + b2)
    final = jnp.concatenate([fm_output, h], axis=1)
    out = final @ W3 + b3                     # [B, C]
    return out

if __name__ == "__main__":
    import jax
    _d = setup_inputs()
    print(jax.jit(kernel)(*tuple(_d.values())))

</pallas_src>

<mosaic_0001>
#map = affine_map<(d0, d1) -> (0, 0)>
#map1 = affine_map<(d0, d1) -> (0, 0, 0)>
module attributes {stable_mosaic.version = 14 : i64} {
  func.func @k(%arg0: i32, %arg1: i32, %arg2: memref<2600000x16xf32, #tpu.memory_space<hbm>>, %arg3: memref<128x52x64xi32, #tpu.memory_space<hbm>>, %arg4: memref<16384x16xf32, #tpu.memory_space<hbm>>, %arg5: memref<52x64xi32, #tpu.memory_space<vmem>>, %arg6: memref<3328x16xf32, #tpu.memory_space<vmem>>, %arg7: memref<128x16xf32, #tpu.memory_space<vmem>>, %arg8: memref<!tpu.dma_semaphore, #tpu.memory_space<semaphore_mem>>) attributes {dimension_semantics = [#tpu.dimension_semantics<core_parallel>, #tpu.dimension_semantics<subcore_parallel>], iteration_bounds = array<i64: 2, 16>, scalar_prefetch = 0 : i64, scratch_operands = 4 : i64, tpu.core_type = #tpu.core_type<sc_vector_subcore>, window_params = [{transform_indices = #map}, {transform_indices = #map1}, {transform_indices = #map}]} {
    %mul3A = arith.constant 2 : i32
    %mul3A_0 = arith.muli %arg1, %mul3A : i32
    %add3A = arith.addi %mul3A_0, %arg0 : i32
    %scan3A = arith.constant 0 : i32
    %scan3A_1 = arith.constant 0 : i32
    %scan3A_2 = arith.constant 4 : i32
    %scan3A_3 = arith.addi %scan3A_1, %scan3A_2 : i32
    %scan3A_4 = arith.constant 1 : i32
    %scan3A_5 = scf.for %scan3A_7 = %scan3A_1 to %scan3A_3 step %scan3A_4 iter_args(%scan3A_8 = %scan3A) -> (i32)  : i32 {
      %mul3A_9 = arith.constant 4 : i32
      %mul3A_10 = arith.muli %add3A, %mul3A_9 : i32
      %add3A_11 = arith.addi %mul3A_10, %scan3A_7 : i32
      "tpu.region"() ({
        %run_scoped3A = tpu.sem_alloc : memref<!tpu.dma_semaphore, #tpu.memory_space<semaphore_mem>>
        %dma_start3A_1063 = arith.constant 0 : i32
        %dma_start3A_1064 = arith.constant 0 : i32
        %dma_start3A_1065 = tpu.memref_slice %arg3[%add3A_11, %dma_start3A_1063, %dma_start3A_1064] : memref<128x52x64xi32, #tpu.memory_space<hbm>> -> memref<1x52x64xi32, #tpu.memory_space<hbm>>
        %dma_start3A_1066 = tpu.memref_squeeze %dma_start3A_1065 : memref<1x52x64xi32, #tpu.memory_space<hbm>> -> memref<52x64xi32, #tpu.memory_space<hbm>>
        %dma_start3A_1067 = arith.constant 0 : i32
        %dma_start3A_1068 = arith.constant 0 : i32
        %dma_start3A_1069 = tpu.memref_slice %arg3[%add3A_11, %dma_start3A_1067, %dma_start3A_1068] : memref<128x52x64xi32, #tpu.memory_space<hbm>> -> memref<1x52x64xi32, #tpu.memory_space<hbm>>
        %dma_start3A_1070 = tpu.memref_squeeze %dma_start3A_1069 : memref<1x52x64xi32, #tpu.memory_space<hbm>> -> memref<52x64xi32, #tpu.memory_space<hbm>>
        tpu.enqueue_dma source(%dma_start3A_1070 : memref<52x64xi32, #tpu.memory_space<hbm>>) target(%arg5 : memref<52x64xi32, #tpu.memory_space<vmem>>) target_semaphore(%run_scoped3A : memref<!tpu.dma_semaphore, #tpu.memory_space<semaphore_mem>>)
        %dma_wait3A_1071 = arith.constant 0 : i32
        %dma_wait3A_1072 = arith.constant 0 : i32
        %dma_wait3A_1073 = tpu.memref_slice %arg3[%add3A_11, %dma_wait3A_1071, %dma_wait3A_1072] : memref<128x52x64xi32, #tpu.memory_space<hbm>> -> memref<1x52x64xi32, #tpu.memory_space<hbm>>
        %dma_wait3A_1074 = tpu.memref_squeeze %dma_wait3A_1073 : memref<1x52x64xi32, #tpu.memory_space<hbm>> -> memref<52x64xi32, #tpu.memory_space<hbm>>
        %dma_wait3A_1075 = arith.constant 0 : i32
        %dma_wait3A_1076 = arith.constant 0 : i32
        %dma_wait3A_1077 = tpu.memref_slice %arg3[%add3A_11, %dma_wait3A_1075, %dma_wait3A_1076] : memref<128x52x64xi32, #tpu.memory_space<hbm>> -> memref<1x52x64xi32, #tpu.memory_space<hbm>>
        %dma_wait3A_1078 = tpu.memref_squeeze %dma_wait3A_1077 : memref<1x52x64xi32, #tpu.memory_space<hbm>> -> memref<52x64xi32, #tpu.memory_space<hbm>>
        tpu.wait_dma2 semaphore(%run_scoped3A : memref<!tpu.dma_semaphore, #tpu.memory_space<semaphore_mem>>) src(%dma_wait3A_1078 : memref<52x64xi32, #tpu.memory_space<hbm>>) dst(%arg5 : memref<52x64xi32, #tpu.memory_space<vmem>>)
        tpu.yield
      }) : () -> ()
      %dma_start3A = arith.constant 0 : i32
      %dma_start3A_12 = arith.constant 0 : i32
      %dma_start3A_13 = arith.constant 0 : i32
      %dma_start3A_14 = tpu.memref_slice %arg6[%dma_start3A_12, %dma_start3A_13] : memref<3328x16xf32, #tpu.memory_space<vmem>> -> memref<64x16xf32, #tpu.memory_space<vmem>>
      %dma_start3A_15 = arith.constant 0 : i32
      %dma_start3A_16 = tpu.memref_slice %arg5[%dma_start3A, %dma_start3A_15] : memref<52x64xi32, #tpu.memory_space<vmem>> -> memref<1x64xi32, #tpu.memory_space<vmem>>
      %dma_start3A_17 = tpu.memref_squeeze %dma_start3A_16 : memref<1x64xi32, #tpu.memory_space<vmem>> -> memref<64xi32, #tpu.memory_space<vmem>>
      %dma_start3A_18 = arith.constant 0 : i32
      %dma_start3A_19 = arith.constant 0 : i32
      %dma_start3A_20 = tpu.memref_slice %arg2[%dma_start3A_18, %dma_start3A_19] : memref<2600000x16xf32, #tpu.memory_space<hbm>> -> memref<2600000x16xf32, #tpu.memory_space<hbm>>
      tpu.enqueue_indirect_dma source(%dma_start3A_20 : memref<2600000x16xf32, #tpu.memory_space<hbm>>) target(%dma_start3A_14 : memref<64x16xf32, #tpu.memory_space<vmem>>) offsets(%dma_start3A_17 : memref<64xi32, #tpu.memory_space<vmem>>) semaphore(%arg8 : memref<!tpu.dma_semaphore, #tpu.memory_space<semaphore_mem>>)
      %dma_start3A_21 = arith.constant 1 : i32
      %dma_start3A_22 = arith.constant 64 : i32
      %dma_start3A_23 = arith.constant 0 : i32
      %dma_start3A_24 = tpu.memref_slice %arg6[%dma_start3A_22, %dma_start3A_23] : memref<3328x16xf32, #tpu.memory_space<vmem>> -> memref<64x16xf32, #tpu.memory_space<vmem>>
      %dma_start3A_25 = arith.constant 0 : i32
      %dma_start3A_26 = tpu.memref_slice %arg5[%dma_start3A_21, %dma_start3A_25] : memref<52x64xi32, #tpu.memory_space<vmem>> -> memref<1x64xi32, #tpu.memory_space<vmem>>
      %dma_start3A_27 = tpu.memref_squeeze %dma_start3A_26 : memref<1x64xi32, #tpu.memory_space<vmem>> -> memref<64xi32, #tpu.memory_space<vmem>>
      %dma_start3A_28 = arith.constant 0 : i32
      %dma_start3A_29 = arith.constant 0 : i32
      %dma_start3A_30 = tpu.memref_slice %arg2[%dma_start3A_28, %dma_start3A_29] : memref<2600000x16xf32, #tpu.memory_space<hbm>> -> memref<2600000x16xf32, #tpu.memory_space<hbm>>
      tpu.enqueue_indirect_dma source(%dma_start3A_30 : memref<2600000x16xf32, #tpu.memory_space<hbm>>) target(%dma_start3A_24 : memref<64x16xf32, #tpu.memory_space<vmem>>) offsets(%dma_start3A_27 : memref<64xi32, #tpu.memory_space<vmem>>) semaphore(%arg8 : memref<!tpu.dma_semaphore, #tpu.memory_space<semaphore_mem>>)
      %dma_start3A_31 = arith.constant 2 : i32
      %dma_start3A_32 = arith.constant 128 : i32
      %dma_start3A_33 = arith.constant 0 : i32
      %dma_start3A_34 = tpu.memref_slice %arg6[%dma_start3A_32, %dma_start3A_33] : memref<3328x16xf32, #tpu.memory_space<vmem>> -> memref<64x16xf32, #tpu.memory_space<vmem>>
      %dma_start3A_35 = arith.constant 0 : i32
      %dma_start3A_36 = tpu.memref_slice %arg5[%dma_start3A_31, %dma_start3A_35] : memref<52x64xi32, #tpu.memory_space<vmem>> -> memref<1x64xi32, #tpu.memory_space<vmem>>
      %dma_start3A_37 = tpu.memref_squeeze %dma_start3A_36 : memref<1x64xi32, #tpu.memory_space<vmem>> -> memref<64xi32, #tpu.memory_space<vmem>>
      %dma_start3A_38 = arith.constant 0 : i32
      %dma_start3A_39 = arith.constant 0 : i32
      %dma_start3A_40 = tpu.memref_slice %arg2[%dma_start3A_38, %dma_start3A_39] : memref<2600000x16xf32, #tpu.memory_space<hbm>> -> memref<2600000x16xf32, #tpu.memory_space<hbm>>
      tpu.enqueue_indirect_dma source(%dma_start3A_40 : memref<2600000x16xf32, #tpu.memory_space<hbm>>) target(%dma_start3A_34 : memref<64x16xf32, #tpu.memory_space<vmem>>) offsets(%dma_start3A_37 : memref<64xi32, #tpu.memory_space<vmem>>) semaphore(%arg8 : memref<!tpu.dma_semaphore, #tpu.memory_space<semaphore_mem>>)
      %dma_start3A_41 = arith.constant 3 : i32
      %dma_start3A_42 = arith.constant 192 : i32
      %dma_start3A_43 = arith.constant 0 : i32
      %dma_start3A_44 = tpu.memref_slice %arg6[%dma_start3A_42, %dma_start3A_43] : memref<3328x16xf32, #tpu.memory_space<vmem>> -> memref<64x16xf32, #tpu.memory_space<vmem>>
      %dma_start3A_45 = arith.constant 0 : i32
      %dma_start3A_46 = tpu.memref_slice %arg5[%dma_start3A_41, %dma_start3A_45] : memref<52x64xi32, #tpu.memory_space<vmem>> -> memref<1x64xi32, #tpu.memory_space<vmem>>
      %dma_start3A_47 = tpu.memref_squeeze %dma_start3A_46 : memref<1x64xi32, #tpu.memory_space<vmem>> -> memref<64xi32, #tpu.memory_space<vmem>>
      %dma_start3A_48 = arith.constant 0 : i32
      %dma_start3A_49 = arith.constant 0 : i32
      %dma_start3A_50 = tpu.memref_slice %arg2[%dma_start3A_48, %dma_start3A_49] : memref<2600000x16xf32, #tpu.memory_space<hbm>> -> memref<2600000x16xf32, #tpu.memory_space<hbm>>
      tpu.enqueue_indirect_dma source(%dma_start3A_50 : memref<2600000x16xf32, #tpu.memory_space<hbm>>) target(%dma_start3A_44 : memref<64x16xf32, #tpu.memory_space<vmem>>) offsets(%dma_start3A_47 : memref<64xi32, #tpu.memory_space<vmem>>) semaphore(%arg8 : memref<!tpu.dma_semaphore, #tpu.memory_space<semaphore_mem>>)
      %dma_start3A_51 = arith.constant 4 : i32
      %dma_start3A_52 = arith.constant 256 : i32
      %dma_start3A_53 = arith.constant 0 : i32
      %dma_start3A_54 = tpu.memref_slice %arg6[%dma_start3A_52, %dma_start3A_53] : memref<3328x16xf32, #tpu.memory_space<vmem>> -> memref<64x16xf32, #tpu.memory_space<vmem>>
      %dma_start3A_55 = arith.constant 0 : i32
      %dma_start3A_56 = tpu.memref_slice %arg5[%dma_start3A_51, %dma_start3A_55] : memref<52x64xi32, #tpu.memory_space<vmem>> -> memref<1x64xi32, #tpu.memory_space<vmem>>
      %dma_start3A_57 = tpu.memref_squeeze %dma_start3A_56 : memref<1x64xi32, #tpu.memory_space<vmem>> -> memref<64xi32, #tpu.memory_space<vmem>>
      %dma_start3A_58 = arith.constant 0 : i32
      %dma_start3A_59 = arith.constant 0 : i32
      %dma_start3A_60 = tpu.memref_slice %arg2[%dma_start3A_58, %dma_start3A_59] : memref<2600000x16xf32, #tpu.memory_space<hbm>> -> memref<2600000x16xf32, #tpu.memory_space<hbm>>
      tpu.enqueue_indirect_dma source(%dma_start3A_60 : memref<2600000x16xf32, #tpu.memory_space<hbm>>) target(%dma_start3A_54 : memref<64x16xf32, #tpu.memory_space<vmem>>) offsets(%dma_start3A_57 : memref<64xi32, #tpu.memory_space<vmem>>) semaphore(%arg8 : memref<!tpu.dma_semaphore, #tpu.memory_space<semaphore_mem>>)
      %dma_start3A_61 = arith.constant 5 : i32
      %dma_start3A_62 = arith.constant 320 : i32
      %dma_start3A_63 = arith.constant 0 : i32
      %dma_start3A_64 = tpu.memref_slice %arg6[%dma_start3A_62, %dma_start3A_63] : memref<3328x16xf32, #tpu.memory_space<vmem>> -> memref<64x16xf32, #tpu.memory_space<vmem>>
      %dma_start3A_65 = arith.constant 0 : i32
      %dma_start3A_66 = tpu.memref_slice %arg5[%dma_start3A_61, %dma_start3A_65] : memref<52x64xi32, #tpu.memory_space<vmem>> -> memref<1x64xi32, #tpu.memory_space<vmem>>
      %dma_start3A_67 = tpu.memref_squeeze %dma_start3A_66 : memref<1x64xi32, #tpu.memory_space<vmem>> -> memref<64xi32, #tpu.memory_space<vmem>>
      %dma_start3A_68 = arith.constant 0 : i32
      %dma_start3A_69 = arith.constant 0 : i32
      %dma_start3A_70 = tpu.memref_slice %arg2[%dma_start3A_68, %dma_start3A_69] : memref<2600000x16xf32, #tpu.memory_space<hbm>> -> memref<2600000x16xf32, #tpu.memory_space<hbm>>
      tpu.enqueue_indirect_dma source(%dma_start3A_70 : memref<2600000x16xf32, #tpu.memory_space<hbm>>) target(%dma_start3A_64 : memref<64x16xf32, #tpu.memory_space<vmem>>) offsets(%dma_start3A_67 : memref<64xi32, #tpu.memory_space<vmem>>) semaphore(%arg8 : memref<!tpu.dma_semaphore, #tpu.memory_space<semaphore_mem>>)
      %dma_start3A_71 = arith.constant 6 : i32
      %dma_start3A_72 = arith.constant 384 : i32
      %dma_start3A_73 = arith.constant 0 : i32
      %dma_start3A_74 = tpu.memref_slice %arg6[%dma_start3A_72, %dma_start3A_73] : memref<3328x16xf32, #tpu.memory_space<vmem>> -> memref<64x16xf32, #tpu.memory_space<vmem>>
      %dma_start3A_75 = arith.constant 0 : i32
      %dma_start3A_76 = tpu.memref_slice %arg5[%dma_start3A_71, %dma_start3A_75] : memref<52x64xi32, #tpu.memory_space<vmem>> -> memref<1x64xi32, #tpu.memory_space<vmem>>
      %dma_start3A_77 = tpu.memref_squeeze %dma_start3A_76 : memref<1x64xi32, #tpu.memory_space<vmem>> -> memref<64xi32, #tpu.memory_space<vmem>>
      %dma_start3A_78 = arith.constant 0 : i32
      %dma_start3A_79 = arith.constant 0 : i32
      %dma_start3A_80 = tpu.memref_slice %arg2[%dma_start3A_78, %dma_start3A_79] : memref<2600000x16xf32, #tpu.memory_space<hbm>> -> memref<2600000x16xf32, #tpu.memory_space<hbm>>
      tpu.enqueue_indirect_dma source(%dma_start3A_80 : memref<2600000x16xf32, #tpu.memory_space<hbm>>) target(%dma_start3A_74 : memref<64x16xf32, #tpu.memory_space<vmem>>) offsets(%dma_start3A_77 : memref<64xi32, #tpu.memory_space<vmem>>) semaphore(%arg8 : memref<!tpu.dma_semaphore, #tpu.memory_space<semaphore_mem>>)
      %dma_start3A_81 = arith.constant 7 : i32
      %dma_start3A_82 = arith.constant 448 : i32
      %dma_start3A_83 = arith.constant 0 : i32
      %dma_start3A_84 = tpu.memref_slice %arg6[%dma_start3A_82, %dma_start3A_83] : memref<3328x16xf32, #tpu.memory_space<vmem>> -> memref<64x16xf32, #tpu.memory_space<vmem>>
      %dma_start3A_85 = arith.constant 0 : i32
      %dma_start3A_86 = tpu.memref_slice %arg5[%dma_start3A_81, %dma_start3A_85] : memref<52x64xi32, #tpu.memory_space<vmem>> -> memref<1x64xi32, #tpu.memory_space<vmem>>
      %dma_start3A_87 = tpu.memref_squeeze %dma_start3A_86 : memref<1x64xi32, #tpu.memory_space<vmem>> -> memref<64xi32, #tpu.memory_space<vmem>>
      %dma_start3A_88 = arith.constant 0 : i32
      %dma_start3A_89 = arith.constant 0 : i32
      %dma_start3A_90 = tpu.memref_slice %arg2[%dma_start3A_88, %dma_start3A_89] : memref<2600000x16xf32, #tpu.memory_space<hbm>> -> memref<2600000x16xf32, #tpu.memory_space<hbm>>
      tpu.enqueue_indirect_dma source(%dma_start3A_90 : memref<2600000x16xf32, #tpu.memory_space<hbm>>) target(%dma_start3A_84 : memref<64x16xf32, #tpu.memory_space<vmem>>) offsets(%dma_start3A_87 : memref<64xi32, #tpu.memory_space<vmem>>) semaphore(%arg8 : memref<!tpu.dma_semaphore, #tpu.memory_space<semaphore_mem>>)
      %dma_start3A_91 = arith.constant 8 : i32
      %dma_start3A_92 = arith.constant 512 : i32
      %dma_start3A_93 = arith.constant 0 : i32
      %dma_start3A_94 = tpu.memref_slice %arg6[%dma_start3A_92, %dma_start3A_93] : memref<3328x16xf32, #tpu.memory_space<vmem>> -> memref<64x16xf32, #tpu.memory_space<vmem>>
      %dma_start3A_95 = arith.constant 0 : i32
      %dma_start3A_96 = tpu.memref_slice %arg5[%dma_start3A_91, %dma_start3A_95] : memref<52x64xi32, #tpu.memory_space<vmem>> -> memref<1x64xi32, #tpu.memory_space<vmem>>
      %dma_start3A_97 = tpu.memref_squeeze %dma_start3A_96 : memref<1x64xi32, #tpu.memory_space<vmem>> -> memref<64xi32, #tpu.memory_space<vmem>>
      %dma_start3A_98 = arith.constant 0 : i32
      %dma_start3A_99 = arith.constant 0 : i32
      %dma_start3A_100 = tpu.memref_slice %arg2[%dma_start3A_98, %dma_start3A_99] : memref<2600000x16xf32, #tpu.memory_space<hbm>> -> memref<2600000x16xf32, #tpu.memory_space<hbm>>
      tpu.enqueue_indirect_dma source(%dma_start3A_100 : memref<2600000x16xf32, #tpu.memory_space<hbm>>) target(%dma_start3A_94 : memref<64x16xf32, #tpu.memory_space<vmem>>) offsets(%dma_start3A_97 : memref<64xi32, #tpu.memory_space<vmem>>) semaphore(%arg8 : memref<!tpu.dma_semaphore, #tpu.memory_space<semaphore_mem>>)
      %dma_start3A_101 = arith.constant 9 : i32
      %dma_start3A_102 = arith.constant 576 : i32
      %dma_start3A_103 = arith.constant 0 : i32
      %dma_start3A_104 = tpu.memref_slice %arg6[%dma_start3A_102, %dma_start3A_103] : memref<3328x16xf32, #tpu.memory_space<vmem>> -> memref<64x16xf32, #tpu.memory_space<vmem>>
      %dma_start3A_105 = arith.constant 0 : i32
      %dma_start3A_106 = tpu.memref_slice %arg5[%dma_start3A_101, %dma_start3A_105] : memref<52x64xi32, #tpu.memory_space<vmem>> -> memref<1x64xi32, #tpu.memory_space<vmem>>
      %dma_start3A_107 = tpu.memref_squeeze %dma_start3A_106 : memref<1x64xi32, #tpu.memory_space<vmem>> -> memref<64xi32, #tpu.memory_space<vmem>>
      %dma_start3A_108 = arith.constant 0 : i32
      %dma_start3A_109 = arith.constant 0 : i32
      %dma_start3A_110 = tpu.memref_slice %arg2[%dma_start3A_108, %dma_start3A_109] : memref<2600000x16xf32, #tpu.memory_space<hbm>> -> memref<2600000x16xf32, #tpu.memory_space<hbm>>
      tpu.enqueue_indirect_dma source(%dma_start3A_110 : memref<2600000x16xf32, #tpu.memory_space<hbm>>) target(%dma_start3A_104 : memref<64x16xf32, #tpu.memory_space<vmem>>) offsets(%dma_start3A_107 : memref<64xi32, #tpu.memory_space<vmem>>) semaphore(%arg8 : memref<!tpu.dma_semaphore, #tpu.memory_space<semaphore_mem>>)
      %dma_start3A_111 = arith.constant 10 : i32
      %dma_start3A_112 = arith.constant 640 : i32
      %dma_start3A_113 = arith.constant 0 : i32
      %dma_start3A_114 = tpu.memref_slice %arg6[%dma_start3A_112, %dma_start3A_113] : memref<3328x16xf32, #tpu.memory_space<vmem>> -> memref<64x16xf32, #tpu.memory_space<vmem>>
      %dma_start3A_115 = arith.constant 0 : i32
      %dma_start3A_116 = tpu.memref_slice %arg5[%dma_start3A_111, %dma_start3A_115] : memref<52x64xi32, #tpu.memory_space<vmem>> -> memref<1x64xi32, #tpu.memory_space<vmem>>
      %dma_start3A_117 = tpu.memref_squeeze %dma_start3A_116 : memref<1x64xi32, #tpu.memory_space<vmem>> -> memref<64xi32, #tpu.memory_space<vmem>>
      %dma_start3A_118 = arith.constant 0 : i32
      %dma_start3A_119 = arith.constant 0 : i32
      %dma_start3A_120 = tpu.memref_slice %arg2[%dma_start3A_118, %dma_start3A_119] : memref<2600000x16xf32, #tpu.memory_space<hbm>> -> memref<2600000x16xf32, #tpu.memory_space<hbm>>
      tpu.enqueue_indirect_dma source(%dma_start3A_120 : memref<2600000x16xf32, #tpu.memory_space<hbm>>) target(%dma_start3A_114 : memref<64x16xf32, #tpu.memory_space<vmem>>) offsets(%dma_start3A_117 : memref<64xi32, #tpu.memory_space<vmem>>) semaphore(%arg8 : memref<!tpu.dma_semaphore, #tpu.memory_space<semaphore_mem>>)
      %dma_start3A_121 = arith.constant 11 : i32
      %dma_start3A_122 = arith.constant 704 : i32
      %dma_start3A_123 = arith.constant 0 : i32
      %dma_start3A_124 = tpu.memref_slice %arg6[%dma_start3A_122, %dma_start3A_123] : memref<3328x16xf32, #tpu.memory_space<vmem>> -> memref<64x16xf32, #tpu.memory_space<vmem>>
      %dma_start3A_125 = arith.constant 0 : i32
      %dma_start3A_126 = tpu.memref_slice %arg5[%dma_start3A_121, %dma_start3A_125] : memref<52x64xi32, #tpu.memory_space<vmem>> -> memref<1x64xi32, #tpu.memory_space<vmem>>
      %dma_start3A_127 = tpu.memref_squeeze %dma_start3A_126 : memref<1x64xi32, #tpu.memory_space<vmem>> -> memref<64xi32, #tpu.memory_space<vmem>>
      %dma_start3A_128 = arith.constant 0 : i32
      %dma_start3A_129 = arith.constant 0 : i32
      %dma_start3A_130 = tpu.memref_slice %arg2[%dma_start3A_128, %dma_start3A_129] : memref<2600000x16xf32, #tpu.memory_space<hbm>> -> memref<2600000x16xf32, #tpu.memory_space<hbm>>
      tpu.enqueue_indirect_dma source(%dma_start3A_130 : memref<2600000x16xf32, #tpu.memory_space<hbm>>) target(%dma_start3A_124 : memref<64x16xf32, #tpu.memory_space<vmem>>) offsets(%dma_start3A_127 : memref<64xi32, #tpu.memory_space<vmem>>) semaphore(%arg8 : memref<!tpu.dma_semaphore, #tpu.memory_space<semaphore_mem>>)
      %dma_start3A_131 = arith.constant 12 : i32
      %dma_start3A_132 = arith.constant 768 : i32
      %dma_start3A_133 = arith.constant 0 : i32
      %dma_start3A_134 = tpu.memref_slice %arg6[%dma_start3A_132, %dma_start3A_133] : memref<3328x16xf32, #tpu.memory_space<vmem>> -> memref<64x16xf32, #tpu.memory_space<vmem>>
      %dma_start3A_135 = arith.constant 0 : i32
      %dma_start3A_136 = tpu.memref_slice %arg5[%dma_start3A_131, %dma_start3A_135] : memref<52x64xi32, #tpu.memory_space<vmem>> -> memref<1x64xi32, #tpu.memory_space<vmem>>
      %dma_start3A_137 = tpu.memref_squeeze %dma_start3A_136 : memref<1x64xi32, #tpu.memory_space<vmem>> -> memref<64xi32, #tpu.memory_space<vmem>>
      %dma_start3A_138 = arith.constant 0 : i32
      %dma_start3A_139 = arith.constant 0 : i32
      %dma_start3A_140 = tpu.memref_slice %arg2[%dma_start3A_138, %dma_start3A_139] : memref<2600000x16xf32, #tpu.memory_space<hbm>> -> memref<2600000x16xf32, #tpu.memory_space<hbm>>
      tpu.enqueue_indirect_dma source(%dma_start3A_140 : memref<2600000x16xf32, #tpu.memory_space<hbm>>) target(%dma_start3A_134 : memref<64x16xf32, #tpu.memory_space<vmem>>) offsets(%dma_start3A_137 : memref<64xi32, #tpu.memory_space<vmem>>) semaphore(%arg8 : memref<!tpu.dma_semaphore, #tpu.memory_space<semaphore_mem>>)
      %dma_start3A_141 = arith.constant 13 : i32
      %dma_start3A_142 = arith.constant 832 : i32
      %dma_start3A_143 = arith.constant 0 : i32
      %dma_start3A_144 = tpu.memref_slice %arg6[%dma_start3A_142, %dma_start3A_143] : memref<3328x16xf32, #tpu.memory_space<vmem>> -> memref<64x16xf32, #tpu.memory_space<vmem>>
      %dma_start3A_145 = arith.constant 0 : i32
      %dma_start3A_146 = tpu.memref_slice %arg5[%dma_start3A_141, %dma_start3A_145] : memref<52x64xi32, #tpu.memory_space<vmem>> -> memref<1x64xi32, #tpu.memory_space<vmem>>
      %dma_start3A_147 = tpu.memref_squeeze %dma_start3A_146 : memref<1x64xi32, #tpu.memory_space<vmem>> -> memref<64xi32, #tpu.memory_space<vmem>>
      %dma_start3A_148 = arith.constant 0 : i32
      %dma_start3A_149 = arith.constant 0 : i32
      %dma_start3A_150 = tpu.memref_slice %arg2[%dma_start3A_148, %dma_start3A_149] : memref<2600000x16xf32, #tpu.memory_space<hbm>> -> memref<2600000x16xf32, #tpu.memory_space<hbm>>
      tpu.enqueue_indirect_dma source(%dma_start3A_150 : memref<2600000x16xf32, #tpu.memory_space<hbm>>) target(%dma_start3A_144 : memref<64x16xf32, #tpu.memory_space<vmem>>) offsets(%dma_start3A_147 : memref<64xi32, #tpu.memory_space<vmem>>) semaphore(%arg8 : memref<!tpu.dma_semaphore, #tpu.memory_space<semaphore_mem>>)
      %dma_start3A_151 = arith.constant 14 : i32
      %dma_start3A_152 = arith.constant 896 : i32
      %dma_start3A_153 = arith.constant 0 : i32
      %dma_start3A_154 = tpu.memref_slice %arg6[%dma_start3A_152, %dma_start3A_153] : memref<3328x16xf32, #tpu.memory_space<vmem>> -> memref<64x16xf32, #tpu.memory_space<vmem>>
      %dma_start3A_155 = arith.constant 0 : i32
      %dma_start3A_156 = tpu.memref_slice %arg5[%dma_start3A_151, %dma_start3A_155] : memref<52x64xi32, #tpu.memory_space<vmem>> -> memref<1x64xi32, #tpu.memory_space<vmem>>
      %dma_start3A_157 = tpu.memref_squeeze %dma_start3A_156 : memref<1x64xi32, #tpu.memory_space<vmem>> -> memref<64xi32, #tpu.memory_space<vmem>>
      %dma_start3A_158 = arith.constant 0 : i32
      %dma_start3A_159 = arith.constant 0 : i32
      %dma_start3A_160 = tpu.memref_slice %arg2[%dma_start3A_158, %dma_start3A_159] : memref<2600000x16xf32, #tpu.memory_space<hbm>> -> memref<2600000x16xf32, #tpu.memory_space<hbm>>
      tpu.enqueue_indirect_dma source(%dma_start3A_160 : memref<2600000x16xf32, #tpu.memory_space<hbm>>) target(%dma_start3A_154 : memref<64x16xf32, #tpu.memory_space<vmem>>) offsets(%dma_start3A_157 : memref<64xi32, #tpu.memory_space<vmem>>) semaphore(%arg8 : memref<!tpu.dma_semaphore, #tpu.memory_space<semaphore_mem>>)
      %dma_start3A_161 = arith.constant 15 : i32
      %dma_start3A_162 = arith.constant 960 : i32
      %dma_start3A_163 = arith.constant 0 : i32
      %dma_start3A_164 = tpu.memref_slice %arg6[%dma_start3A_162, %dma_start3A_163] : memref<3328x16xf32, #tpu.memory_space<vmem>> -> memref<64x16xf32, #tpu.memory_space<vmem>>
      %dma_start3A_165 = arith.constant 0 : i32
      %dma_start3A_166 = tpu.memref_slice %arg5[%dma_start3A_161, %dma_start3A_165] : memref<52x64xi32, #tpu.memory_space<vmem>> -> memref<1x64xi32, #tpu.memory_space<vmem>>
      %dma_start3A_167 = tpu.memref_squeeze %dma_start3A_166 : memref<1x64xi32, #tpu.memory_space<vmem>> -> memref<64xi32, #tpu.memory_space<vmem>>
      %dma_start3A_168 = arith.constant 0 : i32
      %dma_start3A_169 = arith.constant 0 : i32
      %dma_start3A_170 = tpu.memref_slice %arg2[%dma_start3A_168, %dma_start3A_169] : memref<2600000x16xf32, #tpu.memory_space<hbm>> -> memref<2600000x16xf32, #tpu.memory_space<hbm>>
      tpu.enqueue_indirect_dma source(%dma_start3A_170 : memref<2600000x16xf32, #tpu.memory_space<hbm>>) target(%dma_start3A_164 : memref<64x16xf32, #tpu.memory_space<vmem>>) offsets(%dma_start3A_167 : memref<64xi32, #tpu.memory_space<vmem>>) semaphore(%arg8 : memref<!tpu.dma_semaphore, #tpu.memory_space<semaphore_mem>>)
      %dma_start3A_171 = arith.constant 16 : i32
      %dma_start3A_172 = arith.constant 1024 : i32
      %dma_start3A_173 = arith.constant 0 : i32
      %dma_start3A_174 = tpu.memref_slice %arg6[%dma_start3A_172, %dma_start3A_173] : memref<3328x16xf32, #tpu.memory_space<vmem>> -> memref<64x16xf32, #tpu.memory_space<vmem>>
      %dma_start3A_175 = arith.constant 0 : i32
      %dma_start3A_176 = tpu.memref_slice %arg5[%dma_start3A_171, %dma_start3A_175] : memref<52x64xi32, #tpu.memory_space<vmem>> -> memref<1x64xi32, #tpu.memory_space<vmem>>
      %dma_start3A_177 = tpu.memref_squeeze %dma_start3A_176 : memref<1x64xi32, #tpu.memory_space<vmem>> -> memref<64xi32, #tpu.memory_space<vmem>>
      %dma_start3A_178 = arith.constant 0 : i32
      %dma_start3A_179 = arith.constant 0 : i32
      %dma_start3A_180 = tpu.memref_slice %arg2[%dma_start3A_178, %dma_start3A_179] : memref<2600000x16xf32, #tpu.memory_space<hbm>> -> memref<2600000x16xf32, #tpu.memory_space<hbm>>
      tpu.enqueue_indirect_dma source(%dma_start3A_180 : memref<2600000x16xf32, #tpu.memory_space<hbm>>) target(%dma_start3A_174 : memref<64x16xf32, #tpu.memory_space<vmem>>) offsets(%dma_start3A_177 : memref<64xi32, #tpu.memory_space<vmem>>) semaphore(%arg8 : memref<!tpu.dma_semaphore, #tpu.memory_space<semaphore_mem>>)
      %dma_start3A_181 = arith.constant 17 : i32
      %dma_start3A_182 = arith.constant 1088 : i32
      %dma_start3A_183 = arith.constant 0 : i32
      %dma_start3A_184 = tpu.memref_slice %arg6[%dma_start3A_182, %dma_start3A_183] : memref<3328x16xf32, #tpu.memory_space<vmem>> -> memref<64x16xf32, #tpu.memory_space<vmem>>
      %dma_start3A_185 = arith.constant 0 : i32
      %dma_start3A_186 = tpu.memref_slice %arg5[%dma_start3A_181, %dma_start3A_185] : memref<52x64xi32, #tpu.memory_space<vmem>> -> memref<1x64xi32, #tpu.memory_space<vmem>>
      %dma_start3A_187 = tpu.memref_squeeze %dma_start3A_186 : memref<1x64xi32, #tpu.memory_space<vmem>> -> memref<64xi32, #tpu.memory_space<vmem>>
      %dma_start3A_188 = arith.constant 0 : i32
      %dma_start3A_189 = arith.constant 0 : i32
      %dma_start3A_190 = tpu.memref_slice %arg2[%dma_start3A_188, %dma_start3A_189] : memref<2600000x16xf32, #tpu.memory_space<hbm>> -> memref<2600000x16xf32, #tpu.memory_space<hbm>>
      tpu.enqueue_indirect_dma source(%dma_start3A_190 : memref<2600000x16xf32, #tpu.memory_space<hbm>>) target(%dma_start3A_184 : memref<64x16xf32, #tpu.memory_space<vmem>>) offsets(%dma_start3A_187 : memref<64xi32, #tpu.memory_space<vmem>>) semaphore(%arg8 : memref<!tpu.dma_semaphore, #tpu.memory_space<semaphore_mem>>)
      %dma_start3A_191 = arith.constant 18 : i32
      %dma_start3A_192 = arith.constant 1152 : i32
      %dma_start3A_193 = arith.constant 0 : i32
      %dma_start3A_194 = tpu.memref_slice %arg6[%dma_start3A_192, %dma_start3A_193] : memref<3328x16xf32, #tpu.memory_space<vmem>> -> memref<64x16xf32, #tpu.memory_space<vmem>>
      %dma_start3A_195 = arith.constant 0 : i32
      %dma_start3A_196 = tpu.memref_slice %arg5[%dma_start3A_191, %dma_start3A_195] : memref<52x64xi32, #tpu.memory_space<vmem>> -> memref<1x64xi32, #tpu.memory_space<vmem>>
      %dma_start3A_197 = tpu.memref_squeeze %dma_start3A_196 : memref<1x64xi32, #tpu.memory_space<vmem>> -> memref<64xi32, #tpu.memory_space<vmem>>
      %dma_start3A_198 = arith.constant 0 : i32
      %dma_start3A_199 = arith.constant 0 : i32
      %dma_start3A_200 = tpu.memref_slice %arg2[%dma_start3A_198, %dma_start3A_199] : memref<2600000x16xf32, #tpu.memory_space<hbm>> -> memref<2600000x16xf32, #tpu.memory_space<hbm>>
      tpu.enqueue_indirect_dma source(%dma_start3A_200 : memref<2600000x16xf32, #tpu.memory_space<hbm>>) target(%dma_start3A_194 : memref<64x16xf32, #tpu.memory_space<vmem>>) offsets(%dma_start3A_197 : memref<64xi32, #tpu.memory_space<vmem>>) semaphore(%arg8 : memref<!tpu.dma_semaphore, #tpu.memory_space<semaphore_mem>>)
      %dma_start3A_201 = arith.constant 19 : i32
      %dma_start3A_202 = arith.constant 1216 : i32
      %dma_start3A_203 = arith.constant 0 : i32
      %dma_start3A_204 = tpu.memref_slice %arg6[%dma_start3A_202, %dma_start3A_203] : memref<3328x16xf32, #tpu.memory_space<vmem>> -> memref<64x16xf32, #tpu.memory_space<vmem>>
      %dma_start3A_205 = arith.constant 0 : i32
      %dma_start3A_206 = tpu.memref_slice %arg5[%dma_start3A_201, %dma_start3A_205] : memref<52x64xi32, #tpu.memory_space<vmem>> -> memref<1x64xi32, #tpu.memory_space<vmem>>
      %dma_start3A_207 = tpu.memref_squeeze %dma_start3A_206 : memref<1x64xi32, #tpu.memory_space<vmem>> -> memref<64xi32, #tpu.memory_space<vmem>>
      %dma_start3A_208 = arith.constant 0 : i32
      %dma_start3A_209 = arith.constant 0 : i32
      %dma_start3A_210 = tpu.memref_slice %arg2[%dma_start3A_208, %dma_start3A_209] : memref<2600000x16xf32, #tpu.memory_space<hbm>> -> memref<2600000x16xf32, #tpu.memory_space<hbm>>
      tpu.enqueue_indirect_dma source(%dma_start3A_210 : memref<2600000x16xf32, #tpu.memory_space<hbm>>) target(%dma_start3A_204 : memref<64x16xf32, #tpu.memory_space<vmem>>) offsets(%dma_start3A_207 : memref<64xi32, #tpu.memory_space<vmem>>) semaphore(%arg8 : memref<!tpu.dma_semaphore, #tpu.memory_space<semaphore_mem>>)
      %dma_start3A_211 = arith.constant 20 : i32
      %dma_start3A_212 = arith.constant 1280 : i32
      %dma_start3A_213 = arith.constant 0 : i32
      %dma_start3A_214 = tpu.memref_slice %arg6[%dma_start3A_212, %dma_start3A_213] : memref<3328x16xf32, #tpu.memory_space<vmem>> -> memref<64x16xf32, #tpu.memory_space<vmem>>
      %dma_start3A_215 = arith.constant 0 : i32
      %dma_start3A_216 = tpu.memref_slice %arg5[%dma_start3A_211, %dma_start3A_215] : memref<52x64xi32, #tpu.memory_space<vmem>> -> memref<1x64xi32, #tpu.memory_space<vmem>>
      %dma_start3A_217 = tpu.memref_squeeze %dma_start3A_216 : memref<1x64xi32, #tpu.memory_space<vmem>> -> memref<64xi32, #tpu.memory_space<vmem>>
      %dma_start3A_218 = arith.constant 0 : i32
      %dma_start3A_219 = arith.constant 0 : i32
      %dma_start3A_220 = tpu.memref_slice %arg2[%dma_start3A_218, %dma_start3A_219] : memref<2600000x16xf32, #tpu.memory_space<hbm>> -> memref<2600000x16xf32, #tpu.memory_space<hbm>>
      tpu.enqueue_indirect_dma source(%dma_start3A_220 : memref<2600000x16xf32, #tpu.memory_space<hbm>>) target(%dma_start3A_214 : memref<64x16xf32, #tpu.memory_space<vmem>>) offsets(%dma_start3A_217 : memref<64xi32, #tpu.memory_space<vmem>>) semaphore(%arg8 : memref<!tpu.dma_semaphore, #tpu.memory_space<semaphore_mem>>)
      %dma_start3A_221 = arith.constant 21 : i32
      %dma_start3A_222 = arith.constant 1344 : i32
      %dma_start3A_223 = arith.constant 0 : i32
      %dma_start3A_224 = tpu.memref_slice %arg6[%dma_start3A_222, %dma_start3A_223] : memref<3328x16xf32, #tpu.memory_space<vmem>> -> memref<64x16xf32, #tpu.memory_space<vmem>>
      %dma_start3A_225 = arith.constant 0 : i32
      %dma_start3A_226 = tpu.memref_slice %arg5[%dma_start3A_221, %dma_start3A_225] : memref<52x64xi32, #tpu.memory_space<vmem>> -> memref<1x64xi32, #tpu.memory_space<vmem>>
      %dma_start3A_227 = tpu.memref_squeeze %dma_start3A_226 : memref<1x64xi32, #tpu.memory_space<vmem>> -> memref<64xi32, #tpu.memory_space<vmem>>
      %dma_start3A_228 = arith.constant 0 : i32
      %dma_start3A_229 = arith.constant 0 : i32
      %dma_start3A_230 = tpu.memref_slice %arg2[%dma_start3A_228, %dma_start3A_229] : memref<2600000x16xf32, #tpu.memory_space<hbm>> -> memref<2600000x16xf32, #tpu.memory_space<hbm>>
      tpu.enqueue_indirect_dma source(%dma_start3A_230 : memref<2600000x16xf32, #tpu.memory_space<hbm>>) target(%dma_start3A_224 : memref<64x16xf32, #tpu.memory_space<vmem>>) offsets(%dma_start3A_227 : memref<64xi32, #tpu.memory_space<vmem>>) semaphore(%arg8 : memref<!tpu.dma_semaphore, #tpu.memory_space<semaphore_mem>>)
      %dma_start3A_231 = arith.constant 22 : i32
      %dma_start3A_232 = arith.constant 1408 : i32
      %dma_start3A_233 = arith.constant 0 : i32
      %dma_start3A_234 = tpu.memref_slice %arg6[%dma_start3A_232, %dma_start3A_233] : memref<3328x16xf32, #tpu.memory_space<vmem>> -> memref<64x16xf32, #tpu.memory_space<vmem>>
      %dma_start3A_235 = arith.constant 0 : i32
      %dma_start3A_236 = tpu.memref_slice %arg5[%dma_start3A_231, %dma_start3A_235] : memref<52x64xi32, #tpu.memory_space<vmem>> -> memref<1x64xi32, #tpu.memory_space<vmem>>
      %dma_start3A_237 = tpu.memref_squeeze %dma_start3A_236 : memref<1x64xi32, #tpu.memory_space<vmem>> -> memref<64xi32, #tpu.memory_space<vmem>>
      %dma_start3A_238 = arith.constant 0 : i32
      %dma_start3A_239 = arith.constant 0 : i32
      %dma_start3A_240 = tpu.memref_slice %arg2[%dma_start3A_238, %dma_start3A_239] : memref<2600000x16xf32, #tpu.memory_space<hbm>> -> memref<2600000x16xf32, #tpu.memory_space<hbm>>
      tpu.enqueue_indirect_dma source(%dma_start3A_240 : memref<2600000x16xf32, #tpu.memory_space<hbm>>) target(%dma_start3A_234 : memref<64x16xf32, #tpu.memory_space<vmem>>) offsets(%dma_start3A_237 : memref<64xi32, #tpu.memory_space<vmem>>) semaphore(%arg8 : memref<!tpu.dma_semaphore, #tpu.memory_space<semaphore_mem>>)
      %dma_start3A_241 = arith.constant 23 : i32
      %dma_start3A_242 = arith.constant 1472 : i32
      %dma_start3A_243 = arith.constant 0 : i32
      %dma_start3A_244 = tpu.memref_slice %arg6[%dma_start3A_242, %dma_start3A_243] : memref<3328x16xf32, #tpu.memory_space<vmem>> -> memref<64x16xf32, #tpu.memory_space<vmem>>
      %dma_start3A_245 = arith.constant 0 : i32
      %dma_start3A_246 = tpu.memref_slice %arg5[%dma_start3A_241, %dma_start3A_245] : memref<52x64xi32, #tpu.memory_space<vmem>> -> memref<1x64xi32, #tpu.memory_space<vmem>>
      %dma_start3A_247 = tpu.memref_squeeze %dma_start3A_246 : memref<1x64xi32, #tpu.memory_space<vmem>> -> memref<64xi32, #tpu.memory_space<vmem>>
      %dma_start3A_248 = arith.constant 0 : i32
      %dma_start3A_249 = arith.constant 0 : i32
      %dma_start3A_250 = tpu.memref_slice %arg2[%dma_start3A_248, %dma_start3A_249] : memref<2600000x16xf32, #tpu.memory_space<hbm>> -> memref<2600000x16xf32, #tpu.memory_space<hbm>>
      tpu.enqueue_indirect_dma source(%dma_start3A_250 : memref<2600000x16xf32, #tpu.memory_space<hbm>>) target(%dma_start3A_244 : memref<64x16xf32, #tpu.memory_space<vmem>>) offsets(%dma_start3A_247 : memref<64xi32, #tpu.memory_space<vmem>>) semaphore(%arg8 : memref<!tpu.dma_semaphore, #tpu.memory_space<semaphore_mem>>)
      %dma_start3A_251 = arith.constant 24 : i32
      %dma_start3A_252 = arith.constant 1536 : i32
      %dma_start3A_253 = arith.constant 0 : i32
      %dma_start3A_254 = tpu.memref_slice %arg6[%dma_start3A_252, %dma_start3A_253] : memref<3328x16xf32, #tpu.memory_space<vmem>> -> memref<64x16xf32, #tpu.memory_space<vmem>>
      %dma_start3A_255 = arith.constant 0 : i32
      %dma_start3A_256 = tpu.memref_slice %arg5[%dma_start3A_251, %dma_start3A_255] : memref<52x64xi32, #tpu.memory_space<vmem>> -> memref<1x64xi32, #tpu.memory_space<vmem>>
      %dma_start3A_257 = tpu.memref_squeeze %dma_start3A_256 : memref<1x64xi32, #tpu.memory_space<vmem>> -> memref<64xi32, #tpu.memory_space<vmem>>
      %dma_start3A_258 = arith.constant 0 : i32
      %dma_start3A_259 = arith.constant 0 : i32
      %dma_start3A_260 = tpu.memref_slice %arg2[%dma_start3A_258, %dma_start3A_259] : memref<2600000x16xf32, #tpu.memory_space<hbm>> -> memref<2600000x16xf32, #tpu.memory_space<hbm>>
      tpu.enqueue_indirect_dma source(%dma_start3A_260 : memref<2600000x16xf32, #tpu.memory_space<hbm>>) target(%dma_start3A_254 : memref<64x16xf32, #tpu.memory_space<vmem>>) offsets(%dma_start3A_257 : memref<64xi32, #tpu.memory_space<vmem>>) semaphore(%arg8 : memref<!tpu.dma_semaphore, #tpu.memory_space<semaphore_mem>>)
      %dma_start3A_261 = arith.constant 25 : i32
      %dma_start3A_262 = arith.constant 1600 : i32
      %dma_start3A_263 = arith.constant 0 : i32
      %dma_start3A_264 = tpu.memref_slice %arg6[%dma_start3A_262, %dma_start3A_263] : memref<3328x16xf32, #tpu.memory_space<vmem>> -> memref<64x16xf32, #tpu.memory_space<vmem>>
      %dma_start3A_265 = arith.constant 0 : i32
      %dma_start3A_266 = tpu.memref_slice %arg5[%dma_start3A_261, %dma_start3A_265] : memref<52x64xi32, #tpu.memory_space<vmem>> -> memref<1x64xi32, #tpu.memory_space<vmem>>
      %dma_start3A_267 = tpu.memref_squeeze %dma_start3A_266 : memref<1x64xi32, #tpu.memory_space<vmem>> -> memref<64xi32, #tpu.memory_space<vmem>>
      %dma_start3A_268 = arith.constant 0 : i32
      %dma_start3A_269 = arith.constant 0 : i32
      %dma_start3A_270 = tpu.memref_slice %arg2[%dma_start3A_268, %dma_start3A_269] : memref<2600000x16xf32, #tpu.memory_space<hbm>> -> memref<2600000x16xf32, #tpu.memory_space<hbm>>
      tpu.enqueue_indirect_dma source(%dma_start3A_270 : memref<2600000x16xf32, #tpu.memory_space<hbm>>) target(%dma_start3A_264 : memref<64x16xf32, #tpu.memory_space<vmem>>) offsets(%dma_start3A_267 : memref<64xi32, #tpu.memory_space<vmem>>) semaphore(%arg8 : memref<!tpu.dma_semaphore, #tpu.memory_space<semaphore_mem>>)
      %dma_start3A_271 = arith.constant 26 : i32
      %dma_start3A_272 = arith.constant 1664 : i32
      %dma_start3A_273 = arith.constant 0 : i32
      %dma_start3A_274 = tpu.memref_slice %arg6[%dma_start3A_272, %dma_start3A_273] : memref<3328x16xf32, #tpu.memory_space<vmem>> -> memref<64x16xf32, #tpu.memory_space<vmem>>
      %dma_start3A_275 = arith.constant 0 : i32
      %dma_start3A_276 = tpu.memref_slice %arg5[%dma_start3A_271, %dma_start3A_275] : memref<52x64xi32, #tpu.memory_space<vmem>> -> memref<1x64xi32, #tpu.memory_space<vmem>>
      %dma_start3A_277 = tpu.memref_squeeze %dma_start3A_276 : memref<1x64xi32, #tpu.memory_space<vmem>> -> memref<64xi32, #tpu.memory_space<vmem>>
      %dma_start3A_278 = arith.constant 0 : i32
      %dma_start3A_279 = arith.constant 0 : i32
      %dma_start3A_280 = tpu.memref_slice %arg2[%dma_start3A_278, %dma_start3A_279] : memref<2600000x16xf32, #tpu.memory_space<hbm>> -> memref<2600000x16xf32, #tpu.memory_space<hbm>>
      tpu.enqueue_indirect_dma source(%dma_start3A_280 : memref<2600000x16xf32, #tpu.memory_space<hbm>>) target(%dma_start3A_274 : memref<64x16xf32, #tpu.memory_space<vmem>>) offsets(%dma_start3A_277 : memref<64xi32, #tpu.memory_space<vmem>>) semaphore(%arg8 : memref<!tpu.dma_semaphore, #tpu.memory_space<semaphore_mem>>)
      %dma_start3A_281 = arith.constant 27 : i32
      %dma_start3A_282 = arith.constant 1728 : i32
      %dma_start3A_283 = arith.constant 0 : i32
      %dma_start3A_284 = tpu.memref_slice %arg6[%dma_start3A_282, %dma_start3A_283] : memref<3328x16xf32, #tpu.memory_space<vmem>> -> memref<64x16xf32, #tpu.memory_space<vmem>>
      %dma_start3A_285 = arith.constant 0 : i32
      %dma_start3A_286 = tpu.memref_slice %arg5[%dma_start3A_281, %dma_start3A_285] : memref<52x64xi32, #tpu.memory_space<vmem>> -> memref<1x64xi32, #tpu.memory_space<vmem>>
      %dma_start3A_287 = tpu.memref_squeeze %dma_start3A_286 : memref<1x64xi32, #tpu.memory_space<vmem>> -> memref<64xi32, #tpu.memory_space<vmem>>
      %dma_start3A_288 = arith.constant 0 : i32
      %dma_start3A_289 = arith.constant 0 : i32
      %dma_start3A_290 = tpu.memref_slice %arg2[%dma_start3A_288, %dma_start3A_289] : memref<2600000x16xf32, #tpu.memory_space<hbm>> -> memref<2600000x16xf32, #tpu.memory_space<hbm>>
      tpu.enqueue_indirect_dma source(%dma_start3A_290 : memref<2600000x16xf32, #tpu.memory_space<hbm>>) target(%dma_start3A_284 : memref<64x16xf32, #tpu.memory_space<vmem>>) offsets(%dma_start3A_287 : memref<64xi32, #tpu.memory_space<vmem>>) semaphore(%arg8 : memref<!tpu.dma_semaphore, #tpu.memory_space<semaphore_mem>>)
      %dma_start3A_291 = arith.constant 28 : i32
      %dma_start3A_292 = arith.constant 1792 : i32
      %dma_start3A_293 = arith.constant 0 : i32
      %dma_start3A_294 = tpu.memref_slice %arg6[%dma_start3A_292, %dma_start3A_293] : memref<3328x16xf32, #tpu.memory_space<vmem>> -> memref<64x16xf32, #tpu.memory_space<vmem>>
      %dma_start3A_295 = arith.constant 0 : i32
      %dma_start3A_296 = tpu.memref_slice %arg5[%dma_start3A_291, %dma_start3A_295] : memref<52x64xi32, #tpu.memory_space<vmem>> -> memref<1x64xi32, #tpu.memory_space<vmem>>
      %dma_start3A_297 = tpu.memref_squeeze %dma_start3A_296 : memref<1x64xi32, #tpu.memory_space<vmem>> -> memref<64xi32, #tpu.memory_space<vmem>>
      %dma_start3A_298 = arith.constant 0 : i32
      %dma_start3A_299 = arith.constant 0 : i32
      %dma_start3A_300 = tpu.memref_slice %arg2[%dma_start3A_298, %dma_start3A_299] : memref<2600000x16xf32, #tpu.memory_space<hbm>> -> memref<2600000x16xf32, #tpu.memory_space<hbm>>
      tpu.enqueue_indirect_dma source(%dma_start3A_300 : memref<2600000x16xf32, #tpu.memory_space<hbm>>) target(%dma_start3A_294 : memref<64x16xf32, #tpu.memory_space<vmem>>) offsets(%dma_start3A_297 : memref<64xi32, #tpu.memory_space<vmem>>) semaphore(%arg8 : memref<!tpu.dma_semaphore, #tpu.memory_space<semaphore_mem>>)
      %dma_start3A_301 = arith.constant 29 : i32
      %dma_start3A_302 = arith.constant 1856 : i32
      %dma_start3A_303 = arith.constant 0 : i32
      %dma_start3A_304 = tpu.memref_slice %arg6[%dma_start3A_302, %dma_start3A_303] : memref<3328x16xf32, #tpu.memory_space<vmem>> -> memref<64x16xf32, #tpu.memory_space<vmem>>
      %dma_start3A_305 = arith.constant 0 : i32
      %dma_start3A_306 = tpu.memref_slice %arg5[%dma_start3A_301, %dma_start3A_305] : memref<52x64xi32, #tpu.memory_space<vmem>> -> memref<1x64xi32, #tpu.memory_space<vmem>>
      %dma_start3A_307 = tpu.memref_squeeze %dma_start3A_306 : memref<1x64xi32, #tpu.memory_space<vmem>> -> memref<64xi32, #tpu.memory_space<vmem>>
      %dma_start3A_308 = arith.constant 0 : i32
      %dma_start3A_309 = arith.constant 0 : i32
      %dma_start3A_310 = tpu.memref_slice %arg2[%dma_start3A_308, %dma_start3A_309] : memref<2600000x16xf32, #tpu.memory_space<hbm>> -> memref<2600000x16xf32, #tpu.memory_space<hbm>>
      tpu.enqueue_indirect_dma source(%dma_start3A_310 : memref<2600000x16xf32, #tpu.memory_space<hbm>>) target(%dma_start3A_304 : memref<64x16xf32, #tpu.memory_space<vmem>>) offsets(%dma_start3A_307 : memref<64xi32, #tpu.memory_space<vmem>>) semaphore(%arg8 : memref<!tpu.dma_semaphore, #tpu.memory_space<semaphore_mem>>)
      %dma_start3A_311 = arith.constant 30 : i32
      %dma_start3A_312 = arith.constant 1920 : i32
      %dma_start3A_313 = arith.constant 0 : i32
      %dma_start3A_314 = tpu.memref_slice %arg6[%dma_start3A_312, %dma_start3A_313] : memref<3328x16xf32, #tpu.memory_space<vmem>> -> memref<64x16xf32, #tpu.memory_space<vmem>>
      %dma_start3A_315 = arith.constant 0 : i32
      %dma_start3A_316 = tpu.memref_slice %arg5[%dma_start3A_311, %dma_start3A_315] : memref<52x64xi32, #tpu.memory_space<vmem>> -> memref<1x64xi32, #tpu.memory_space<vmem>>
      %dma_start3A_317 = tpu.memref_squeeze %dma_start3A_316 : memref<1x64xi32, #tpu.memory_space<vmem>> -> memref<64xi32, #tpu.memory_space<vmem>>
      %dma_start3A_318 = arith.constant 0 : i32
      %dma_start3A_319 = arith.constant 0 : i32
      %dma_start3A_320 = tpu.memref_slice %arg2[%dma_start3A_318, %dma_start3A_319] : memref<2600000x16xf32, #tpu.memory_space<hbm>> -> memref<2600000x16xf32, #tpu.memory_space<hbm>>
      tpu.enqueue_indirect_dma source(%dma_start3A_320 : memref<2600000x16xf32, #tpu.memory_space<hbm>>) target(%dma_start3A_314 : memref<64x16xf32, #tpu.memory_space<vmem>>) offsets(%dma_start3A_317 : memref<64xi32, #tpu.memory_space<vmem>>) semaphore(%arg8 : memref<!tpu.dma_semaphore, #tpu.memory_space<semaphore_mem>>)
      %dma_start3A_321 = arith.constant 31 : i32
      %dma_start3A_322 = arith.constant 1984 : i32
      %dma_start3A_323 = arith.constant 0 : i32
      %dma_start3A_324 = tpu.memref_slice %arg6[%dma_start3A_322, %dma_start3A_323] : memref<3328x16xf32, #tpu.memory_space<vmem>> -> memref<64x16xf32, #tpu.memory_space<vmem>>
      %dma_start3A_325 = arith.constant 0 : i32
      %dma_start3A_326 = tpu.memref_slice %arg5[%dma_start3A_321, %dma_start3A_325] : memref<52x64xi32, #tpu.memory_space<vmem>> -> memref<1x64xi32, #tpu.memory_space<vmem>>
      %dma_start3A_327 = tpu.memref_squeeze %dma_start3A_326 : memref<1x64xi32, #tpu.memory_space<vmem>> -> memref<64xi32, #tpu.memory_space<vmem>>
      %dma_start3A_328 = arith.constant 0 : i32
      %dma_start3A_329 = arith.constant 0 : i32
      %dma_start3A_330 = tpu.memref_slice %arg2[%dma_start3A_328, %dma_start3A_329] : memref<2600000x16xf32, #tpu.memory_space<hbm>> -> memref<2600000x16xf32, #tpu.memory_space<hbm>>
      tpu.enqueue_indirect_dma source(%dma_start3A_330 : memref<2600000x16xf32, #tpu.memory_space<hbm>>) target(%dma_start3A_324 : memref<64x16xf32, #tpu.memory_space<vmem>>) offsets(%dma_start3A_327 : memref<64xi32, #tpu.memory_space<vmem>>) semaphore(%arg8 : memref<!tpu.dma_semaphore, #tpu.memory_space<semaphore_mem>>)
      %dma_start3A_331 = arith.constant 32 : i32
      %dma_start3A_332 = arith.constant 2048 : i32
      %dma_start3A_333 = arith.constant 0 : i32
      %dma_start3A_334 = tpu.memref_slice %arg6[%dma_start3A_332, %dma_start3A_333] : memref<3328x16xf32, #tpu.memory_space<vmem>> -> memref<64x16xf32, #tpu.memory_space<vmem>>
      %dma_start3A_335 = arith.constant 0 : i32
      %dma_start3A_336 = tpu.memref_slice %arg5[%dma_start3A_331, %dma_start3A_335] : memref<52x64xi32, #tpu.memory_space<vmem>> -> memref<1x64xi32, #tpu.memory_space<vmem>>
      %dma_start3A_337 = tpu.memref_squeeze %dma_start3A_336 : memref<1x64xi32, #tpu.memory_space<vmem>> -> memref<64xi32, #tpu.memory_space<vmem>>
      %dma_start3A_338 = arith.constant 0 : i32
      %dma_start3A_339 = arith.constant 0 : i32
      %dma_start3A_340 = tpu.memref_slice %arg2[%dma_start3A_338, %dma_start3A_339] : memref<2600000x16xf32, #tpu.memory_space<hbm>> -> memref<2600000x16xf32, #tpu.memory_space<hbm>>
      tpu.enqueue_indirect_dma source(%dma_start3A_340 : memref<2600000x16xf32, #tpu.memory_space<hbm>>) target(%dma_start3A_334 : memref<64x16xf32, #tpu.memory_space<vmem>>) offsets(%dma_start3A_337 : memref<64xi32, #tpu.memory_space<vmem>>) semaphore(%arg8 : memref<!tpu.dma_semaphore, #tpu.memory_space<semaphore_mem>>)
      %dma_start3A_341 = arith.constant 33 : i32
      %dma_start3A_342 = arith.constant 2112 : i32
      %dma_start3A_343 = arith.constant 0 : i32
      %dma_start3A_344 = tpu.memref_slice %arg6[%dma_start3A_342, %dma_start3A_343] : memref<3328x16xf32, #tpu.memory_space<vmem>> -> memref<64x16xf32, #tpu.memory_space<vmem>>
      %dma_start3A_345 = arith.constant 0 : i32
      %dma_start3A_346 = tpu.memref_slice %arg5[%dma_start3A_341, %dma_start3A_345] : memref<52x64xi32, #tpu.memory_space<vmem>> -> memref<1x64xi32, #tpu.memory_space<vmem>>
      %dma_start3A_347 = tpu.memref_squeeze %dma_start3A_346 : memref<1x64xi32, #tpu.memory_space<vmem>> -> memref<64xi32, #tpu.memory_space<vmem>>
      %dma_start3A_348 = arith.constant 0 : i32
      %dma_start3A_349 = arith.constant 0 : i32
      %dma_start3A_350 = tpu.memref_slice %arg2[%dma_start3A_348, %dma_start3A_349] : memref<2600000x16xf32, #tpu.memory_space<hbm>> -> memref<2600000x16xf32, #tpu.memory_space<hbm>>
      tpu.enqueue_indirect_dma source(%dma_start3A_350 : memref<2600000x16xf32, #tpu.memory_space<hbm>>) target(%dma_start3A_344 : memref<64x16xf32, #tpu.memory_space<vmem>>) offsets(%dma_start3A_347 : memref<64xi32, #tpu.memory_space<vmem>>) semaphore(%arg8 : memref<!tpu.dma_semaphore, #tpu.memory_space<semaphore_mem>>)
      %dma_start3A_351 = arith.constant 34 : i32
      %dma_start3A_352 = arith.constant 2176 : i32
      %dma_start3A_353 = arith.constant 0 : i32
      %dma_start3A_354 = tpu.memref_slice %arg6[%dma_start3A_352, %dma_start3A_353] : memref<3328x16xf32, #tpu.memory_space<vmem>> -> memref<64x16xf32, #tpu.memory_space<vmem>>
      %dma_start3A_355 = arith.constant 0 : i32
      %dma_start3A_356 = tpu.memref_slice %arg5[%dma_start3A_351, %dma_start3A_355] : memref<52x64xi32, #tpu.memory_space<vmem>> -> memref<1x64xi32, #tpu.memory_space<vmem>>
      %dma_start3A_357 = tpu.memref_squeeze %dma_start3A_356 : memref<1x64xi32, #tpu.memory_space<vmem>> -> memref<64xi32, #tpu.memory_space<vmem>>
      %dma_start3A_358 = arith.constant 0 : i32
      %dma_start3A_359 = arith.constant 0 : i32
      %dma_start3A_360 = tpu.memref_slice %arg2[%dma_start3A_358, %dma_start3A_359] : memref<2600000x16xf32, #tpu.memory_space<hbm>> -> memref<2600000x16xf32, #tpu.memory_space<hbm>>
      tpu.enqueue_indirect_dma source(%dma_start3A_360 : memref<2600000x16xf32, #tpu.memory_space<hbm>>) target(%dma_start3A_354 : memref<64x16xf32, #tpu.memory_space<vmem>>) offsets(%dma_start3A_357 : memref<64xi32, #tpu.memory_space<vmem>>) semaphore(%arg8 : memref<!tpu.dma_semaphore, #tpu.memory_space<semaphore_mem>>)
      %dma_start3A_361 = arith.constant 35 : i32
      %dma_start3A_362 = arith.constant 2240 : i32
      %dma_start3A_363 = arith.constant 0 : i32
      %dma_start3A_364 = tpu.memref_slice %arg6[%dma_start3A_362, %dma_start3A_363] : memref<3328x16xf32, #tpu.memory_space<vmem>> -> memref<64x16xf32, #tpu.memory_space<vmem>>
      %dma_start3A_365 = arith.constant 0 : i32
      %dma_start3A_366 = tpu.memref_slice %arg5[%dma_start3A_361, %dma_start3A_365] : memref<52x64xi32, #tpu.memory_space<vmem>> -> memref<1x64xi32, #tpu.memory_space<vmem>>
      %dma_start3A_367 = tpu.memref_squeeze %dma_start3A_366 : memref<1x64xi32, #tpu.memory_space<vmem>> -> memref<64xi32, #tpu.memory_space<vmem>>
      %dma_start3A_368 = arith.constant 0 : i32
      %dma_start3A_369 = arith.constant 0 : i32
      %dma_start3A_370 = tpu.memref_slice %arg2[%dma_start3A_368, %dma_start3A_369] : memref<2600000x16xf32, #tpu.memory_space<hbm>> -> memref<2600000x16xf32, #tpu.memory_space<hbm>>
      tpu.enqueue_indirect_dma source(%dma_start3A_370 : memref<2600000x16xf32, #tpu.memory_space<hbm>>) target(%dma_start3A_364 : memref<64x16xf32, #tpu.memory_space<vmem>>) offsets(%dma_start3A_367 : memref<64xi32, #tpu.memory_space<vmem>>) semaphore(%arg8 : memref<!tpu.dma_semaphore, #tpu.memory_space<semaphore_mem>>)
      %dma_start3A_371 = arith.constant 36 : i32
      %dma_start3A_372 = arith.constant 2304 : i32
      %dma_start3A_373 = arith.constant 0 : i32
      %dma_start3A_374 = tpu.memref_slice %arg6[%dma_start3A_372, %dma_start3A_373] : memref<3328x16xf32, #tpu.memory_space<vmem>> -> memref<64x16xf32, #tpu.memory_space<vmem>>
      %dma_start3A_375 = arith.constant 0 : i32
      %dma_start3A_376 = tpu.memref_slice %arg5[%dma_start3A_371, %dma_start3A_375] : memref<52x64xi32, #tpu.memory_space<vmem>> -> memref<1x64xi32, #tpu.memory_space<vmem>>
      %dma_start3A_377 = tpu.memref_squeeze %dma_start3A_376 : memref<1x64xi32, #tpu.memory_space<vmem>> -> memref<64xi32, #tpu.memory_space<vmem>>
      %dma_start3A_378 = arith.constant 0 : i32
      %dma_start3A_379 = arith.constant 0 : i32
      %dma_start3A_380 = tpu.memref_slice %arg2[%dma_start3A_378, %dma_start3A_379] : memref<2600000x16xf32, #tpu.memory_space<hbm>> -> memref<2600000x16xf32, #tpu.memory_space<hbm>>
      tpu.enqueue_indirect_dma source(%dma_start3A_380 : memref<2600000x16xf32, #tpu.memory_space<hbm>>) target(%dma_start3A_374 : memref<64x16xf32, #tpu.memory_space<vmem>>) offsets(%dma_start3A_377 : memref<64xi32, #tpu.memory_space<vmem>>) semaphore(%arg8 : memref<!tpu.dma_semaphore, #tpu.memory_space<semaphore_mem>>)
      %dma_start3A_381 = arith.constant 37 : i32
      %dma_start3A_382 = arith.constant 2368 : i32
      %dma_start3A_383 = arith.constant 0 : i32
      %dma_start3A_384 = tpu.memref_slice %arg6[%dma_start3A_382, %dma_start3A_383] : memref<3328x16xf32, #tpu.memory_space<vmem>> -> memref<64x16xf32, #tpu.memory_space<vmem>>
      %dma_start3A_385 = arith.constant 0 : i32
      %dma_start3A_386 = tpu.memref_slice %arg5[%dma_start3A_381, %dma_start3A_385] : memref<52x64xi32, #tpu.memory_space<vmem>> -> memref<1x64xi32, #tpu.memory_space<vmem>>
      %dma_start3A_387 = tpu.memref_squeeze %dma_start3A_386 : memref<1x64xi32, #tpu.memory_space<vmem>> -> memref<64xi32, #tpu.memory_space<vmem>>
      %dma_start3A_388 = arith.constant 0 : i32
      %dma_start3A_389 = arith.constant 0 : i32
      %dma_start3A_390 = tpu.memref_slice %arg2[%dma_start3A_388, %dma_start3A_389] : memref<2600000x16xf32, #tpu.memory_space<hbm>> -> memref<2600000x16xf32, #tpu.memory_space<hbm>>
      tpu.enqueue_indirect_dma source(%dma_start3A_390 : memref<2600000x16xf32, #tpu.memory_space<hbm>>) target(%dma_start3A_384 : memref<64x16xf32, #tpu.memory_space<vmem>>) offsets(%dma_start3A_387 : memref<64xi32, #tpu.memory_space<vmem>>) semaphore(%arg8 : memref<!tpu.dma_semaphore, #tpu.memory_space<semaphore_mem>>)
      %dma_start3A_391 = arith.constant 38 : i32
      %dma_start3A_392 = arith.constant 2432 : i32
      %dma_start3A_393 = arith.constant 0 : i32
      %dma_start3A_394 = tpu.memref_slice %arg6[%dma_start3A_392, %dma_start3A_393] : memref<3328x16xf32, #tpu.memory_space<vmem>> -> memref<64x16xf32, #tpu.memory_space<vmem>>
      %dma_start3A_395 = arith.constant 0 : i32
      %dma_start3A_396 = tpu.memref_slice %arg5[%dma_start3A_391, %dma_start3A_395] : memref<52x64xi32, #tpu.memory_space<vmem>> -> memref<1x64xi32, #tpu.memory_space<vmem>>
      %dma_start3A_397 = tpu.memref_squeeze %dma_start3A_396 : memref<1x64xi32, #tpu.memory_space<vmem>> -> memref<64xi32, #tpu.memory_space<vmem>>
      %dma_start3A_398 = arith.constant 0 : i32
      %dma_start3A_399 = arith.constant 0 : i32
      %dma_start3A_400 = tpu.memref_slice %arg2[%dma_start3A_398, %dma_start3A_399] : memref<2600000x16xf32, #tpu.memory_space<hbm>> -> memref<2600000x16xf32, #tpu.memory_space<hbm>>
      tpu.enqueue_indirect_dma source(%dma_start3A_400 : memref<2600000x16xf32, #tpu.memory_space<hbm>>) target(%dma_start3A_394 : memref<64x16xf32, #tpu.memory_space<vmem>>) offsets(%dma_start3A_397 : memref<64xi32, #tpu.memory_space<vmem>>) semaphore(%arg8 : memref<!tpu.dma_semaphore, #tpu.memory_space<semaphore_mem>>)
      %dma_start3A_401 = arith.constant 39 : i32
      %dma_start3A_402 = arith.constant 2496 : i32
      %dma_start3A_403 = arith.constant 0 : i32
      %dma_start3A_404 = tpu.memref_slice %arg6[%dma_start3A_402, %dma_start3A_403] : memref<3328x16xf32, #tpu.memory_space<vmem>> -> memref<64x16xf32, #tpu.memory_space<vmem>>
      %dma_start3A_405 = arith.constant 0 : i32
      %dma_start3A_406 = tpu.memref_slice %arg5[%dma_start3A_401, %dma_start3A_405] : memref<52x64xi32, #tpu.memory_space<vmem>> -> memref<1x64xi32, #tpu.memory_space<vmem>>
      %dma_start3A_407 = tpu.memref_squeeze %dma_start3A_406 : memref<1x64xi32, #tpu.memory_space<vmem>> -> memref<64xi32, #tpu.memory_space<vmem>>
      %dma_start3A_408 = arith.constant 0 : i32
      %dma_start3A_409 = arith.constant 0 : i32
      %dma_start3A_410 = tpu.memref_slice %arg2[%dma_start3A_408, %dma_start3A_409] : memref<2600000x16xf32, #tpu.memory_space<hbm>> -> memref<2600000x16xf32, #tpu.memory_space<hbm>>
      tpu.enqueue_indirect_dma source(%dma_start3A_410 : memref<2600000x16xf32, #tpu.memory_space<hbm>>) target(%dma_start3A_404 : memref<64x16xf32, #tpu.memory_space<vmem>>) offsets(%dma_start3A_407 : memref<64xi32, #tpu.memory_space<vmem>>) semaphore(%arg8 : memref<!tpu.dma_semaphore, #tpu.memory_space<semaphore_mem>>)
      %dma_start3A_411 = arith.constant 40 : i32
      %dma_start3A_412 = arith.constant 2560 : i32
      %dma_start3A_413 = arith.constant 0 : i32
      %dma_start3A_414 = tpu.memref_slice %arg6[%dma_start3A_412, %dma_start3A_413] : memref<3328x16xf32, #tpu.memory_space<vmem>> -> memref<64x16xf32, #tpu.memory_space<vmem>>
      %dma_start3A_415 = arith.constant 0 : i32
      %dma_start3A_416 = tpu.memref_slice %arg5[%dma_start3A_411, %dma_start3A_415] : memref<52x64xi32, #tpu.memory_space<vmem>> -> memref<1x64xi32, #tpu.memory_space<vmem>>
      %dma_start3A_417 = tpu.memref_squeeze %dma_start3A_416 : memref<1x64xi32, #tpu.memory_space<vmem>> -> memref<64xi32, #tpu.memory_space<vmem>>
      %dma_start3A_418 = arith.constant 0 : i32
      %dma_start3A_419 = arith.constant 0 : i32
      %dma_start3A_420 = tpu.memref_slice %arg2[%dma_start3A_418, %dma_start3A_419] : memref<2600000x16xf32, #tpu.memory_space<hbm>> -> memref<2600000x16xf32, #tpu.memory_space<hbm>>
      tpu.enqueue_indirect_dma source(%dma_start3A_420 : memref<2600000x16xf32, #tpu.memory_space<hbm>>) target(%dma_start3A_414 : memref<64x16xf32, #tpu.memory_space<vmem>>) offsets(%dma_start3A_417 : memref<64xi32, #tpu.memory_space<vmem>>) semaphore(%arg8 : memref<!tpu.dma_semaphore, #tpu.memory_space<semaphore_mem>>)
      %dma_start3A_421 = arith.constant 41 : i32
      %dma_start3A_422 = arith.constant 2624 : i32
      %dma_start3A_423 = arith.constant 0 : i32
      %dma_start3A_424 = tpu.memref_slice %arg6[%dma_start3A_422, %dma_start3A_423] : memref<3328x16xf32, #tpu.memory_space<vmem>> -> memref<64x16xf32, #tpu.memory_space<vmem>>
      %dma_start3A_425 = arith.constant 0 : i32
      %dma_start3A_426 = tpu.memref_slice %arg5[%dma_start3A_421, %dma_start3A_425] : memref<52x64xi32, #tpu.memory_space<vmem>> -> memref<1x64xi32, #tpu.memory_space<vmem>>
      %dma_start3A_427 = tpu.memref_squeeze %dma_start3A_426 : memref<1x64xi32, #tpu.memory_space<vmem>> -> memref<64xi32, #tpu.memory_space<vmem>>
      %dma_start3A_428 = arith.constant 0 : i32
      %dma_start3A_429 = arith.constant 0 : i32
      %dma_start3A_430 = tpu.memref_slice %arg2[%dma_start3A_428, %dma_start3A_429] : memref<2600000x16xf32, #tpu.memory_space<hbm>> -> memref<2600000x16xf32, #tpu.memory_space<hbm>>
      tpu.enqueue_indirect_dma source(%dma_start3A_430 : memref<2600000x16xf32, #tpu.memory_space<hbm>>) target(%dma_start3A_424 : memref<64x16xf32, #tpu.memory_space<vmem>>) offsets(%dma_start3A_427 : memref<64xi32, #tpu.memory_space<vmem>>) semaphore(%arg8 : memref<!tpu.dma_semaphore, #tpu.memory_space<semaphore_mem>>)
      %dma_start3A_431 = arith.constant 42 : i32
      %dma_start3A_432 = arith.constant 2688 : i32
      %dma_start3A_433 = arith.constant 0 : i32
      %dma_start3A_434 = tpu.memref_slice %arg6[%dma_start3A_432, %dma_start3A_433] : memref<3328x16xf32, #tpu.memory_space<vmem>> -> memref<64x16xf32, #tpu.memory_space<vmem>>
      %dma_start3A_435 = arith.constant 0 : i32
      %dma_start3A_436 = tpu.memref_slice %arg5[%dma_start3A_431, %dma_start3A_435] : memref<52x64xi32, #tpu.memory_space<vmem>> -> memref<1x64xi32, #tpu.memory_space<vmem>>
      %dma_start3A_437 = tpu.memref_squeeze %dma_start3A_436 : memref<1x64xi32, #tpu.memory_space<vmem>> -> memref<64xi32, #tpu.memory_space<vmem>>
      %dma_start3A_438 = arith.constant 0 : i32
      %dma_start3A_439 = arith.constant 0 : i32
      %dma_start3A_440 = tpu.memref_slice %arg2[%dma_start3A_438, %dma_start3A_439] : memref<2600000x16xf32, #tpu.memory_space<hbm>> -> memref<2600000x16xf32, #tpu.memory_space<hbm>>
      tpu.enqueue_indirect_dma source(%dma_start3A_440 : memref<2600000x16xf32, #tpu.memory_space<hbm>>) target(%dma_start3A_434 : memref<64x16xf32, #tpu.memory_space<vmem>>) offsets(%dma_start3A_437 : memref<64xi32, #tpu.memory_space<vmem>>) semaphore(%arg8 : memref<!tpu.dma_semaphore, #tpu.memory_space<semaphore_mem>>)
      %dma_start3A_441 = arith.constant 43 : i32
      %dma_start3A_442 = arith.constant 2752 : i32
      %dma_start3A_443 = arith.constant 0 : i32
      %dma_start3A_444 = tpu.memref_slice %arg6[%dma_start3A_442, %dma_start3A_443] : memref<3328x16xf32, #tpu.memory_space<vmem>> -> memref<64x16xf32, #tpu.memory_space<vmem>>
      %dma_start3A_445 = arith.constant 0 : i32
      %dma_start3A_446 = tpu.memref_slice %arg5[%dma_start3A_441, %dma_start3A_445] : memref<52x64xi32, #tpu.memory_space<vmem>> -> memref<1x64xi32, #tpu.memory_space<vmem>>
      %dma_start3A_447 = tpu.memref_squeeze %dma_start3A_446 : memref<1x64xi32, #tpu.memory_space<vmem>> -> memref<64xi32, #tpu.memory_space<vmem>>
      %dma_start3A_448 = arith.constant 0 : i32
      %dma_start3A_449 = arith.constant 0 : i32
      %dma_start3A_450 = tpu.memref_slice %arg2[%dma_start3A_448, %dma_start3A_449] : memref<2600000x16xf32, #tpu.memory_space<hbm>> -> memref<2600000x16xf32, #tpu.memory_space<hbm>>
      tpu.enqueue_indirect_dma source(%dma_start3A_450 : memref<2600000x16xf32, #tpu.memory_space<hbm>>) target(%dma_start3A_444 : memref<64x16xf32, #tpu.memory_space<vmem>>) offsets(%dma_start3A_447 : memref<64xi32, #tpu.memory_space<vmem>>) semaphore(%arg8 : memref<!tpu.dma_semaphore, #tpu.memory_space<semaphore_mem>>)
      %dma_start3A_451 = arith.constant 44 : i32
      %dma_start3A_452 = arith.constant 2816 : i32
      %dma_start3A_453 = arith.constant 0 : i32
      %dma_start3A_454 = tpu.memref_slice %arg6[%dma_start3A_452, %dma_start3A_453] : memref<3328x16xf32, #tpu.memory_space<vmem>> -> memref<64x16xf32, #tpu.memory_space<vmem>>
      %dma_start3A_455 = arith.constant 0 : i32
      %dma_start3A_456 = tpu.memref_slice %arg5[%dma_start3A_451, %dma_start3A_455] : memref<52x64xi32, #tpu.memory_space<vmem>> -> memref<1x64xi32, #tpu.memory_space<vmem>>
      %dma_start3A_457 = tpu.memref_squeeze %dma_start3A_456 : memref<1x64xi32, #tpu.memory_space<vmem>> -> memref<64xi32, #tpu.memory_space<vmem>>
      %dma_start3A_458 = arith.constant 0 : i32
      %dma_start3A_459 = arith.constant 0 : i32
      %dma_start3A_460 = tpu.memref_slice %arg2[%dma_start3A_458, %dma_start3A_459] : memref<2600000x16xf32, #tpu.memory_space<hbm>> -> memref<2600000x16xf32, #tpu.memory_space<hbm>>
      tpu.enqueue_indirect_dma source(%dma_start3A_460 : memref<2600000x16xf32, #tpu.memory_space<hbm>>) target(%dma_start3A_454 : memref<64x16xf32, #tpu.memory_space<vmem>>) offsets(%dma_start3A_457 : memref<64xi32, #tpu.memory_space<vmem>>) semaphore(%arg8 : memref<!tpu.dma_semaphore, #tpu.memory_space<semaphore_mem>>)
      %dma_start3A_461 = arith.constant 45 : i32
      %dma_start3A_462 = arith.constant 2880 : i32
      %dma_start3A_463 = arith.constant 0 : i32
      %dma_start3A_464 = tpu.memref_slice %arg6[%dma_start3A_462, %dma_start3A_463] : memref<3328x16xf32, #tpu.memory_space<vmem>> -> memref<64x16xf32, #tpu.memory_space<vmem>>
      %dma_start3A_465 = arith.constant 0 : i32
      %dma_start3A_466 = tpu.memref_slice %arg5[%dma_start3A_461, %dma_start3A_465] : memref<52x64xi32, #tpu.memory_space<vmem>> -> memref<1x64xi32, #tpu.memory_space<vmem>>
      %dma_start3A_467 = tpu.memref_squeeze %dma_start3A_466 : memref<1x64xi32, #tpu.memory_space<vmem>> -> memref<64xi32, #tpu.memory_space<vmem>>
      %dma_start3A_468 = arith.constant 0 : i32
      %dma_start3A_469 = arith.constant 0 : i32
      %dma_start3A_470 = tpu.memref_slice %arg2[%dma_start3A_468, %dma_start3A_469] : memref<2600000x16xf32, #tpu.memory_space<hbm>> -> memref<2600000x16xf32, #tpu.memory_space<hbm>>
      tpu.enqueue_indirect_dma source(%dma_start3A_470 : memref<2600000x16xf32, #tpu.memory_space<hbm>>) target(%dma_start3A_464 : memref<64x16xf32, #tpu.memory_space<vmem>>) offsets(%dma_start3A_467 : memref<64xi32, #tpu.memory_space<vmem>>) semaphore(%arg8 : memref<!tpu.dma_semaphore, #tpu.memory_space<semaphore_mem>>)
      %dma_start3A_471 = arith.constant 46 : i32
      %dma_start3A_472 = arith.constant 2944 : i32
      %dma_start3A_473 = arith.constant 0 : i32
      %dma_start3A_474 = tpu.memref_slice %arg6[%dma_start3A_472, %dma_start3A_473] : memref<3328x16xf32, #tpu.memory_space<vmem>> -> memref<64x16xf32, #tpu.memory_space<vmem>>
      %dma_start3A_475 = arith.constant 0 : i32
      %dma_start3A_476 = tpu.memref_slice %arg5[%dma_start3A_471, %dma_start3A_475] : memref<52x64xi32, #tpu.memory_space<vmem>> -> memref<1x64xi32, #tpu.memory_space<vmem>>
      %dma_start3A_477 = tpu.memref_squeeze %dma_start3A_476 : memref<1x64xi32, #tpu.memory_space<vmem>> -> memref<64xi32, #tpu.memory_space<vmem>>
      %dma_start3A_478 = arith.constant 0 : i32
      %dma_start3A_479 = arith.constant 0 : i32
      %dma_start3A_480 = tpu.memref_slice %arg2[%dma_start3A_478, %dma_start3A_479] : memref<2600000x16xf32, #tpu.memory_space<hbm>> -> memref<2600000x16xf32, #tpu.memory_space<hbm>>
      tpu.enqueue_indirect_dma source(%dma_start3A_480 : memref<2600000x16xf32, #tpu.memory_space<hbm>>) target(%dma_start3A_474 : memref<64x16xf32, #tpu.memory_space<vmem>>) offsets(%dma_start3A_477 : memref<64xi32, #tpu.memory_space<vmem>>) semaphore(%arg8 : memref<!tpu.dma_semaphore, #tpu.memory_space<semaphore_mem>>)
      %dma_start3A_481 = arith.constant 47 : i32
      %dma_start3A_482 = arith.constant 3008 : i32
      %dma_start3A_483 = arith.constant 0 : i32
      %dma_start3A_484 = tpu.memref_slice %arg6[%dma_start3A_482, %dma_start3A_483] : memref<3328x16xf32, #tpu.memory_space<vmem>> -> memref<64x16xf32, #tpu.memory_space<vmem>>
      %dma_start3A_485 = arith.constant 0 : i32
      %dma_start3A_486 = tpu.memref_slice %arg5[%dma_start3A_481, %dma_start3A_485] : memref<52x64xi32, #tpu.memory_space<vmem>> -> memref<1x64xi32, #tpu.memory_space<vmem>>
      %dma_start3A_487 = tpu.memref_squeeze %dma_start3A_486 : memref<1x64xi32, #tpu.memory_space<vmem>> -> memref<64xi32, #tpu.memory_space<vmem>>
      %dma_start3A_488 = arith.constant 0 : i32
      %dma_start3A_489 = arith.constant 0 : i32
      %dma_start3A_490 = tpu.memref_slice %arg2[%dma_start3A_488, %dma_start3A_489] : memref<2600000x16xf32, #tpu.memory_space<hbm>> -> memref<2600000x16xf32, #tpu.memory_space<hbm>>
      tpu.enqueue_indirect_dma source(%dma_start3A_490 : memref<2600000x16xf32, #tpu.memory_space<hbm>>) target(%dma_start3A_484 : memref<64x16xf32, #tpu.memory_space<vmem>>) offsets(%dma_start3A_487 : memref<64xi32, #tpu.memory_space<vmem>>) semaphore(%arg8 : memref<!tpu.dma_semaphore, #tpu.memory_space<semaphore_mem>>)
      %dma_start3A_491 = arith.constant 48 : i32
      %dma_start3A_492 = arith.constant 3072 : i32
      %dma_start3A_493 = arith.constant 0 : i32
      %dma_start3A_494 = tpu.memref_slice %arg6[%dma_start3A_492, %dma_start3A_493] : memref<3328x16xf32, #tpu.memory_space<vmem>> -> memref<64x16xf32, #tpu.memory_space<vmem>>
      %dma_start3A_495 = arith.constant 0 : i32
      %dma_start3A_496 = tpu.memref_slice %arg5[%dma_start3A_491, %dma_start3A_495] : memref<52x64xi32, #tpu.memory_space<vmem>> -> memref<1x64xi32, #tpu.memory_space<vmem>>
      %dma_start3A_497 = tpu.memref_squeeze %dma_start3A_496 : memref<1x64xi32, #tpu.memory_space<vmem>> -> memref<64xi32, #tpu.memory_space<vmem>>
      %dma_start3A_498 = arith.constant 0 : i32
      %dma_start3A_499 = arith.constant 0 : i32
      %dma_start3A_500 = tpu.memref_slice %arg2[%dma_start3A_498, %dma_start3A_499] : memref<2600000x16xf32, #tpu.memory_space<hbm>> -> memref<2600000x16xf32, #tpu.memory_space<hbm>>
      tpu.enqueue_indirect_dma source(%dma_start3A_500 : memref<2600000x16xf32, #tpu.memory_space<hbm>>) target(%dma_start3A_494 : memref<64x16xf32, #tpu.memory_space<vmem>>) offsets(%dma_start3A_497 : memref<64xi32, #tpu.memory_space<vmem>>) semaphore(%arg8 : memref<!tpu.dma_semaphore, #tpu.memory_space<semaphore_mem>>)
      %dma_start3A_501 = arith.constant 49 : i32
      %dma_start3A_502 = arith.constant 3136 : i32
      %dma_start3A_503 = arith.constant 0 : i32
      %dma_start3A_504 = tpu.memref_slice %arg6[%dma_start3A_502, %dma_start3A_503] : memref<3328x16xf32, #tpu.memory_space<vmem>> -> memref<64x16xf32, #tpu.memory_space<vmem>>
      %dma_start3A_505 = arith.constant 0 : i32
      %dma_start3A_506 = tpu.memref_slice %arg5[%dma_start3A_501, %dma_start3A_505] : memref<52x64xi32, #tpu.memory_space<vmem>> -> memref<1x64xi32, #tpu.memory_space<vmem>>
      %dma_start3A_507 = tpu.memref_squeeze %dma_start3A_506 : memref<1x64xi32, #tpu.memory_space<vmem>> -> memref<64xi32, #tpu.memory_space<vmem>>
      %dma_start3A_508 = arith.constant 0 : i32
      %dma_start3A_509 = arith.constant 0 : i32
      %dma_start3A_510 = tpu.memref_slice %arg2[%dma_start3A_508, %dma_start3A_509] : memref<2600000x16xf32, #tpu.memory_space<hbm>> -> memref<2600000x16xf32, #tpu.memory_space<hbm>>
      tpu.enqueue_indirect_dma source(%dma_start3A_510 : memref<2600000x16xf32, #tpu.memory_space<hbm>>) target(%dma_start3A_504 : memref<64x16xf32, #tpu.memory_space<vmem>>) offsets(%dma_start3A_507 : memref<64xi32, #tpu.memory_space<vmem>>) semaphore(%arg8 : memref<!tpu.dma_semaphore, #tpu.memory_space<semaphore_mem>>)
      %dma_start3A_511 = arith.constant 50 : i32
      %dma_start3A_512 = arith.constant 3200 : i32
      %dma_start3A_513 = arith.constant 0 : i32
      %dma_start3A_514 = tpu.memref_slice %arg6[%dma_start3A_512, %dma_start3A_513] : memref<3328x16xf32, #tpu.memory_space<vmem>> -> memref<64x16xf32, #tpu.memory_space<vmem>>
      %dma_start3A_515 = arith.constant 0 : i32
      %dma_start3A_516 = tpu.memref_slice %arg5[%dma_start3A_511, %dma_start3A_515] : memref<52x64xi32, #tpu.memory_space<vmem>> -> memref<1x64xi32, #tpu.memory_space<vmem>>
      %dma_start3A_517 = tpu.memref_squeeze %dma_start3A_516 : memref<1x64xi32, #tpu.memory_space<vmem>> -> memref<64xi32, #tpu.memory_space<vmem>>
      %dma_start3A_518 = arith.constant 0 : i32
      %dma_start3A_519 = arith.constant 0 : i32
      %dma_start3A_520 = tpu.memref_slice %arg2[%dma_start3A_518, %dma_start3A_519] : memref<2600000x16xf32, #tpu.memory_space<hbm>> -> memref<2600000x16xf32, #tpu.memory_space<hbm>>
      tpu.enqueue_indirect_dma source(%dma_start3A_520 : memref<2600000x16xf32, #tpu.memory_space<hbm>>) target(%dma_start3A_514 : memref<64x16xf32, #tpu.memory_space<vmem>>) offsets(%dma_start3A_517 : memref<64xi32, #tpu.memory_space<vmem>>) semaphore(%arg8 : memref<!tpu.dma_semaphore, #tpu.memory_space<semaphore_mem>>)
      %dma_start3A_521 = arith.constant 51 : i32
      %dma_start3A_522 = arith.constant 3264 : i32
      %dma_start3A_523 = arith.constant 0 : i32
      %dma_start3A_524 = tpu.memref_slice %arg6[%dma_start3A_522, %dma_start3A_523] : memref<3328x16xf32, #tpu.memory_space<vmem>> -> memref<64x16xf32, #tpu.memory_space<vmem>>
      %dma_start3A_525 = arith.constant 0 : i32
      %dma_start3A_526 = tpu.memref_slice %arg5[%dma_start3A_521, %dma_start3A_525] : memref<52x64xi32, #tpu.memory_space<vmem>> -> memref<1x64xi32, #tpu.memory_space<vmem>>
      %dma_start3A_527 = tpu.memref_squeeze %dma_start3A_526 : memref<1x64xi32, #tpu.memory_space<vmem>> -> memref<64xi32, #tpu.memory_space<vmem>>
      %dma_start3A_528 = arith.constant 0 : i32
      %dma_start3A_529 = arith.constant 0 : i32
      %dma_start3A_530 = tpu.memref_slice %arg2[%dma_start3A_528, %dma_start3A_529] : memref<2600000x16xf32, #tpu.memory_space<hbm>> -> memref<2600000x16xf32, #tpu.memory_space<hbm>>
      tpu.enqueue_indirect_dma source(%dma_start3A_530 : memref<2600000x16xf32, #tpu.memory_space<hbm>>) target(%dma_start3A_524 : memref<64x16xf32, #tpu.memory_space<vmem>>) offsets(%dma_start3A_527 : memref<64xi32, #tpu.memory_space<vmem>>) semaphore(%arg8 : memref<!tpu.dma_semaphore, #tpu.memory_space<semaphore_mem>>)
      %dma_wait3A = arith.constant 0 : i32
      %dma_wait3A_531 = arith.constant 0 : i32
      %dma_wait3A_532 = arith.constant 0 : i32
      %dma_wait3A_533 = tpu.memref_slice %arg6[%dma_wait3A_531, %dma_wait3A_532] : memref<3328x16xf32, #tpu.memory_space<vmem>> -> memref<64x16xf32, #tpu.memory_space<vmem>>
      %dma_wait3A_534 = arith.constant 0 : i32
      %dma_wait3A_535 = tpu.memref_slice %arg5[%dma_wait3A, %dma_wait3A_534] : memref<52x64xi32, #tpu.memory_space<vmem>> -> memref<1x64xi32, #tpu.memory_space<vmem>>
      %dma_wait3A_536 = tpu.memref_squeeze %dma_wait3A_535 : memref<1x64xi32, #tpu.memory_space<vmem>> -> memref<64xi32, #tpu.memory_space<vmem>>
      %dma_wait3A_537 = arith.constant 0 : i32
      %dma_wait3A_538 = arith.constant 0 : i32
      %dma_wait3A_539 = tpu.memref_slice %arg2[%dma_wait3A_537, %dma_wait3A_538] : memref<2600000x16xf32, #tpu.memory_space<hbm>> -> memref<2600000x16xf32, #tpu.memory_space<hbm>>
      tpu.wait_indirect_dma semaphore(%arg8 : memref<!tpu.dma_semaphore, #tpu.memory_space<semaphore_mem>>) src(%dma_wait3A_539 : memref<2600000x16xf32, #tpu.memory_space<hbm>>) dst(%dma_wait3A_533 : memref<64x16xf32, #tpu.memory_space<vmem>>)
      %dma_wait3A_540 = arith.constant 1 : i32
      %dma_wait3A_541 = arith.constant 64 : i32
      %dma_wait3A_542 = arith.constant 0 : i32
      %dma_wait3A_543 = tpu.memref_slice %arg6[%dma_wait3A_541, %dma_wait3A_542] : memref<3328x16xf32, #tpu.memory_space<vmem>> -> memref<64x16xf32, #tpu.memory_space<vmem>>
      %dma_wait3A_544 = arith.constant 0 : i32
      %dma_wait3A_545 = tpu.memref_slice %arg5[%dma_wait3A_540, %dma_wait3A_544] : memref<52x64xi32, #tpu.memory_space<vmem>> -> memref<1x64xi32, #tpu.memory_space<vmem>>
      %dma_wait3A_546 = tpu.memref_squeeze %dma_wait3A_545 : memref<1x64xi32, #tpu.memory_space<vmem>> -> memref<64xi32, #tpu.memory_space<vmem>>
      %dma_wait3A_547 = arith.constant 0 : i32
      %dma_wait3A_548 = arith.constant 0 : i32
      %dma_wait3A_549 = tpu.memref_slice %arg2[%dma_wait3A_547, %dma_wait3A_548] : memref<2600000x16xf32, #tpu.memory_space<hbm>> -> memref<2600000x16xf32, #tpu.memory_space<hbm>>
      tpu.wait_indirect_dma semaphore(%arg8 : memref<!tpu.dma_semaphore, #tpu.memory_space<semaphore_mem>>) src(%dma_wait3A_549 : memref<2600000x16xf32, #tpu.memory_space<hbm>>) dst(%dma_wait3A_543 : memref<64x16xf32, #tpu.memory_space<vmem>>)
      %dma_wait3A_550 = arith.constant 2 : i32
      %dma_wait3A_551 = arith.constant 128 : i32
      %dma_wait3A_552 = arith.constant 0 : i32
      %dma_wait3A_553 = tpu.memref_slice %arg6[%dma_wait3A_551, %dma_wait3A_552] : memref<3328x16xf32, #tpu.memory_space<vmem>> -> memref<64x16xf32, #tpu.memory_space<vmem>>
      %dma_wait3A_554 = arith.constant 0 : i32
      %dma_wait3A_555 = tpu.memref_slice %arg5[%dma_wait3A_550, %dma_wait3A_554] : memref<52x64xi32, #tpu.memory_space<vmem>> -> memref<1x64xi32, #tpu.memory_space<vmem>>
      %dma_wait3A_556 = tpu.memref_squeeze %dma_wait3A_555 : memref<1x64xi32, #tpu.memory_space<vmem>> -> memref<64xi32, #tpu.memory_space<vmem>>
      %dma_wait3A_557 = arith.constant 0 : i32
      %dma_wait3A_558 = arith.constant 0 : i32
      %dma_wait3A_559 = tpu.memref_slice %arg2[%dma_wait3A_557, %dma_wait3A_558] : memref<2600000x16xf32, #tpu.memory_space<hbm>> -> memref<2600000x16xf32, #tpu.memory_space<hbm>>
      tpu.wait_indirect_dma semaphore(%arg8 : memref<!tpu.dma_semaphore, #tpu.memory_space<semaphore_mem>>) src(%dma_wait3A_559 : memref<2600000x16xf32, #tpu.memory_space<hbm>>) dst(%dma_wait3A_553 : memref<64x16xf32, #tpu.memory_space<vmem>>)
      %dma_wait3A_560 = arith.constant 3 : i32
      %dma_wait3A_561 = arith.constant 192 : i32
      %dma_wait3A_562 = arith.constant 0 : i32
      %dma_wait3A_563 = tpu.memref_slice %arg6[%dma_wait3A_561, %dma_wait3A_562] : memref<3328x16xf32, #tpu.memory_space<vmem>> -> memref<64x16xf32, #tpu.memory_space<vmem>>
      %dma_wait3A_564 = arith.constant 0 : i32
      %dma_wait3A_565 = tpu.memref_slice %arg5[%dma_wait3A_560, %dma_wait3A_564] : memref<52x64xi32, #tpu.memory_space<vmem>> -> memref<1x64xi32, #tpu.memory_space<vmem>>
      %dma_wait3A_566 = tpu.memref_squeeze %dma_wait3A_565 : memref<1x64xi32, #tpu.memory_space<vmem>> -> memref<64xi32, #tpu.memory_space<vmem>>
      %dma_wait3A_567 = arith.constant 0 : i32
      %dma_wait3A_568 = arith.constant 0 : i32
      %dma_wait3A_569 = tpu.memref_slice %arg2[%dma_wait3A_567, %dma_wait3A_568] : memref<2600000x16xf32, #tpu.memory_space<hbm>> -> memref<2600000x16xf32, #tpu.memory_space<hbm>>
      tpu.wait_indirect_dma semaphore(%arg8 : memref<!tpu.dma_semaphore, #tpu.memory_space<semaphore_mem>>) src(%dma_wait3A_569 : memref<2600000x16xf32, #tpu.memory_space<hbm>>) dst(%dma_wait3A_563 : memref<64x16xf32, #tpu.memory_space<vmem>>)
      %dma_wait3A_570 = arith.constant 4 : i32
      %dma_wait3A_571 = arith.constant 256 : i32
      %dma_wait3A_572 = arith.constant 0 : i32
      %dma_wait3A_573 = tpu.memref_slice %arg6[%dma_wait3A_571, %dma_wait3A_572] : memref<3328x16xf32, #tpu.memory_space<vmem>> -> memref<64x16xf32, #tpu.memory_space<vmem>>
      %dma_wait3A_574 = arith.constant 0 : i32
      %dma_wait3A_575 = tpu.memref_slice %arg5[%dma_wait3A_570, %dma_wait3A_574] : memref<52x64xi32, #tpu.memory_space<vmem>> -> memref<1x64xi32, #tpu.memory_space<vmem>>
      %dma_wait3A_576 = tpu.memref_squeeze %dma_wait3A_575 : memref<1x64xi32, #tpu.memory_space<vmem>> -> memref<64xi32, #tpu.memory_space<vmem>>
      %dma_wait3A_577 = arith.constant 0 : i32
      %dma_wait3A_578 = arith.constant 0 : i32
      %dma_wait3A_579 = tpu.memref_slice %arg2[%dma_wait3A_577, %dma_wait3A_578] : memref<2600000x16xf32, #tpu.memory_space<hbm>> -> memref<2600000x16xf32, #tpu.memory_space<hbm>>
      tpu.wait_indirect_dma semaphore(%arg8 : memref<!tpu.dma_semaphore, #tpu.memory_space<semaphore_mem>>) src(%dma_wait3A_579 : memref<2600000x16xf32, #tpu.memory_space<hbm>>) dst(%dma_wait3A_573 : memref<64x16xf32, #tpu.memory_space<vmem>>)
      %dma_wait3A_580 = arith.constant 5 : i32
      %dma_wait3A_581 = arith.constant 320 : i32
      %dma_wait3A_582 = arith.constant 0 : i32
      %dma_wait3A_583 = tpu.memref_slice %arg6[%dma_wait3A_581, %dma_wait3A_582] : memref<3328x16xf32, #tpu.memory_space<vmem>> -> memref<64x16xf32, #tpu.memory_space<vmem>>
      %dma_wait3A_584 = arith.constant 0 : i32
      %dma_wait3A_585 = tpu.memref_slice %arg5[%dma_wait3A_580, %dma_wait3A_584] : memref<52x64xi32, #tpu.memory_space<vmem>> -> memref<1x64xi32, #tpu.memory_space<vmem>>
      %dma_wait3A_586 = tpu.memref_squeeze %dma_wait3A_585 : memref<1x64xi32, #tpu.memory_space<vmem>> -> memref<64xi32, #tpu.memory_space<vmem>>
      %dma_wait3A_587 = arith.constant 0 : i32
      %dma_wait3A_588 = arith.constant 0 : i32
      %dma_wait3A_589 = tpu.memref_slice %arg2[%dma_wait3A_587, %dma_wait3A_588] : memref<2600000x16xf32, #tpu.memory_space<hbm>> -> memref<2600000x16xf32, #tpu.memory_space<hbm>>
      tpu.wait_indirect_dma semaphore(%arg8 : memref<!tpu.dma_semaphore, #tpu.memory_space<semaphore_mem>>) src(%dma_wait3A_589 : memref<2600000x16xf32, #tpu.memory_space<hbm>>) dst(%dma_wait3A_583 : memref<64x16xf32, #tpu.memory_space<vmem>>)
      %dma_wait3A_590 = arith.constant 6 : i32
      %dma_wait3A_591 = arith.constant 384 : i32
      %dma_wait3A_592 = arith.constant 0 : i32
      %dma_wait3A_593 = tpu.memref_slice %arg6[%dma_wait3A_591, %dma_wait3A_592] : memref<3328x16xf32, #tpu.memory_space<vmem>> -> memref<64x16xf32, #tpu.memory_space<vmem>>
      %dma_wait3A_594 = arith.constant 0 : i32
      %dma_wait3A_595 = tpu.memref_slice %arg5[%dma_wait3A_590, %dma_wait3A_594] : memref<52x64xi32, #tpu.memory_space<vmem>> -> memref<1x64xi32, #tpu.memory_space<vmem>>
      %dma_wait3A_596 = tpu.memref_squeeze %dma_wait3A_595 : memref<1x64xi32, #tpu.memory_space<vmem>> -> memref<64xi32, #tpu.memory_space<vmem>>
      %dma_wait3A_597 = arith.constant 0 : i32
      %dma_wait3A_598 = arith.constant 0 : i32
      %dma_wait3A_599 = tpu.memref_slice %arg2[%dma_wait3A_597, %dma_wait3A_598] : memref<2600000x16xf32, #tpu.memory_space<hbm>> -> memref<2600000x16xf32, #tpu.memory_space<hbm>>
      tpu.wait_indirect_dma semaphore(%arg8 : memref<!tpu.dma_semaphore, #tpu.memory_space<semaphore_mem>>) src(%dma_wait3A_599 : memref<2600000x16xf32, #tpu.memory_space<hbm>>) dst(%dma_wait3A_593 : memref<64x16xf32, #tpu.memory_space<vmem>>)
      %dma_wait3A_600 = arith.constant 7 : i32
      %dma_wait3A_601 = arith.constant 448 : i32
      %dma_wait3A_602 = arith.constant 0 : i32
      %dma_wait3A_603 = tpu.memref_slice %arg6[%dma_wait3A_601, %dma_wait3A_602] : memref<3328x16xf32, #tpu.memory_space<vmem>> -> memref<64x16xf32, #tpu.memory_space<vmem>>
      %dma_wait3A_604 = arith.constant 0 : i32
      %dma_wait3A_605 = tpu.memref_slice %arg5[%dma_wait3A_600, %dma_wait3A_604] : memref<52x64xi32, #tpu.memory_space<vmem>> -> memref<1x64xi32, #tpu.memory_space<vmem>>
      %dma_wait3A_606 = tpu.memref_squeeze %dma_wait3A_605 : memref<1x64xi32, #tpu.memory_space<vmem>> -> memref<64xi32, #tpu.memory_space<vmem>>
      %dma_wait3A_607 = arith.constant 0 : i32
      %dma_wait3A_608 = arith.constant 0 : i32
      %dma_wait3A_609 = tpu.memref_slice %arg2[%dma_wait3A_607, %dma_wait3A_608] : memref<2600000x16xf32, #tpu.memory_space<hbm>> -> memref<2600000x16xf32, #tpu.memory_space<hbm>>
      tpu.wait_indirect_dma semaphore(%arg8 : memref<!tpu.dma_semaphore, #tpu.memory_space<semaphore_mem>>) src(%dma_wait3A_609 : memref<2600000x16xf32, #tpu.memory_space<hbm>>) dst(%dma_wait3A_603 : memref<64x16xf32, #tpu.memory_space<vmem>>)
      %dma_wait3A_610 = arith.constant 8 : i32
      %dma_wait3A_611 = arith.constant 512 : i32
      %dma_wait3A_612 = arith.constant 0 : i32
      %dma_wait3A_613 = tpu.memref_slice %arg6[%dma_wait3A_611, %dma_wait3A_612] : memref<3328x16xf32, #tpu.memory_space<vmem>> -> memref<64x16xf32, #tpu.memory_space<vmem>>
      %dma_wait3A_614 = arith.constant 0 : i32
      %dma_wait3A_615 = tpu.memref_slice %arg5[%dma_wait3A_610, %dma_wait3A_614] : memref<52x64xi32, #tpu.memory_space<vmem>> -> memref<1x64xi32, #tpu.memory_space<vmem>>
      %dma_wait3A_616 = tpu.memref_squeeze %dma_wait3A_615 : memref<1x64xi32, #tpu.memory_space<vmem>> -> memref<64xi32, #tpu.memory_space<vmem>>
      %dma_wait3A_617 = arith.constant 0 : i32
      %dma_wait3A_618 = arith.constant 0 : i32
      %dma_wait3A_619 = tpu.memref_slice %arg2[%dma_wait3A_617, %dma_wait3A_618] : memref<2600000x16xf32, #tpu.memory_space<hbm>> -> memref<2600000x16xf32, #tpu.memory_space<hbm>>
      tpu.wait_indirect_dma semaphore(%arg8 : memref<!tpu.dma_semaphore, #tpu.memory_space<semaphore_mem>>) src(%dma_wait3A_619 : memref<2600000x16xf32, #tpu.memory_space<hbm>>) dst(%dma_wait3A_613 : memref<64x16xf32, #tpu.memory_space<vmem>>)
      %dma_wait3A_620 = arith.constant 9 : i32
      %dma_wait3A_621 = arith.constant 576 : i32
      %dma_wait3A_622 = arith.constant 0 : i32
      %dma_wait3A_623 = tpu.memref_slice %arg6[%dma_wait3A_621, %dma_wait3A_622] : memref<3328x16xf32, #tpu.memory_space<vmem>> -> memref<64x16xf32, #tpu.memory_space<vmem>>
      %dma_wait3A_624 = arith.constant 0 : i32
      %dma_wait3A_625 = tpu.memref_slice %arg5[%dma_wait3A_620, %dma_wait3A_624] : memref<52x64xi32, #tpu.memory_space<vmem>> -> memref<1x64xi32, #tpu.memory_space<vmem>>
      %dma_wait3A_626 = tpu.memref_squeeze %dma_wait3A_625 : memref<1x64xi32, #tpu.memory_space<vmem>> -> memref<64xi32, #tpu.memory_space<vmem>>
      %dma_wait3A_627 = arith.constant 0 : i32
      %dma_wait3A_628 = arith.constant 0 : i32
      %dma_wait3A_629 = tpu.memref_slice %arg2[%dma_wait3A_627, %dma_wait3A_628] : memref<2600000x16xf32, #tpu.memory_space<hbm>> -> memref<2600000x16xf32, #tpu.memory_space<hbm>>
      tpu.wait_indirect_dma semaphore(%arg8 : memref<!tpu.dma_semaphore, #tpu.memory_space<semaphore_mem>>) src(%dma_wait3A_629 : memref<2600000x16xf32, #tpu.memory_space<hbm>>) dst(%dma_wait3A_623 : memref<64x16xf32, #tpu.memory_space<vmem>>)
      %dma_wait3A_630 = arith.constant 10 : i32
      %dma_wait3A_631 = arith.constant 640 : i32
      %dma_wait3A_632 = arith.constant 0 : i32
      %dma_wait3A_633 = tpu.memref_slice %arg6[%dma_wait3A_631, %dma_wait3A_632] : memref<3328x16xf32, #tpu.memory_space<vmem>> -> memref<64x16xf32, #tpu.memory_space<vmem>>
      %dma_wait3A_634 = arith.constant 0 : i32
      %dma_wait3A_635 = tpu.memref_slice %arg5[%dma_wait3A_630, %dma_wait3A_634] : memref<52x64xi32, #tpu.memory_space<vmem>> -> memref<1x64xi32, #tpu.memory_space<vmem>>
      %dma_wait3A_636 = tpu.memref_squeeze %dma_wait3A_635 : memref<1x64xi32, #tpu.memory_space<vmem>> -> memref<64xi32, #tpu.memory_space<vmem>>
      %dma_wait3A_637 = arith.constant 0 : i32
      %dma_wait3A_638 = arith.constant 0 : i32
      %dma_wait3A_639 = tpu.memref_slice %arg2[%dma_wait3A_637, %dma_wait3A_638] : memref<2600000x16xf32, #tpu.memory_space<hbm>> -> memref<2600000x16xf32, #tpu.memory_space<hbm>>
      tpu.wait_indirect_dma semaphore(%arg8 : memref<!tpu.dma_semaphore, #tpu.memory_space<semaphore_mem>>) src(%dma_wait3A_639 : memref<2600000x16xf32, #tpu.memory_space<hbm>>) dst(%dma_wait3A_633 : memref<64x16xf32, #tpu.memory_space<vmem>>)
      %dma_wait3A_640 = arith.constant 11 : i32
      %dma_wait3A_641 = arith.constant 704 : i32
      %dma_wait3A_642 = arith.constant 0 : i32
      %dma_wait3A_643 = tpu.memref_slice %arg6[%dma_wait3A_641, %dma_wait3A_642] : memref<3328x16xf32, #tpu.memory_space<vmem>> -> memref<64x16xf32, #tpu.memory_space<vmem>>
      %dma_wait3A_644 = arith.constant 0 : i32
      %dma_wait3A_645 = tpu.memref_slice %arg5[%dma_wait3A_640, %dma_wait3A_644] : memref<52x64xi32, #tpu.memory_space<vmem>> -> memref<1x64xi32, #tpu.memory_space<vmem>>
      %dma_wait3A_646 = tpu.memref_squeeze %dma_wait3A_645 : memref<1x64xi32, #tpu.memory_space<vmem>> -> memref<64xi32, #tpu.memory_space<vmem>>
      %dma_wait3A_647 = arith.constant 0 : i32
      %dma_wait3A_648 = arith.constant 0 : i32
      %dma_wait3A_649 = tpu.memref_slice %arg2[%dma_wait3A_647, %dma_wait3A_648] : memref<2600000x16xf32, #tpu.memory_space<hbm>> -> memref<2600000x16xf32, #tpu.memory_space<hbm>>
      tpu.wait_indirect_dma semaphore(%arg8 : memref<!tpu.dma_semaphore, #tpu.memory_space<semaphore_mem>>) src(%dma_wait3A_649 : memref<2600000x16xf32, #tpu.memory_space<hbm>>) dst(%dma_wait3A_643 : memref<64x16xf32, #tpu.memory_space<vmem>>)
      %dma_wait3A_650 = arith.constant 12 : i32
      %dma_wait3A_651 = arith.constant 768 : i32
      %dma_wait3A_652 = arith.constant 0 : i32
      %dma_wait3A_653 = tpu.memref_slice %arg6[%dma_wait3A_651, %dma_wait3A_652] : memref<3328x16xf32, #tpu.memory_space<vmem>> -> memref<64x16xf32, #tpu.memory_space<vmem>>
      %dma_wait3A_654 = arith.constant 0 : i32
      %dma_wait3A_655 = tpu.memref_slice %arg5[%dma_wait3A_650, %dma_wait3A_654] : memref<52x64xi32, #tpu.memory_space<vmem>> -> memref<1x64xi32, #tpu.memory_space<vmem>>
      %dma_wait3A_656 = tpu.memref_squeeze %dma_wait3A_655 : memref<1x64xi32, #tpu.memory_space<vmem>> -> memref<64xi32, #tpu.memory_space<vmem>>
      %dma_wait3A_657 = arith.constant 0 : i32
      %dma_wait3A_658 = arith.constant 0 : i32
      %dma_wait3A_659 = tpu.memref_slice %arg2[%dma_wait3A_657, %dma_wait3A_658] : memref<2600000x16xf32, #tpu.memory_space<hbm>> -> memref<2600000x16xf32, #tpu.memory_space<hbm>>
      tpu.wait_indirect_dma semaphore(%arg8 : memref<!tpu.dma_semaphore, #tpu.memory_space<semaphore_mem>>) src(%dma_wait3A_659 : memref<2600000x16xf32, #tpu.memory_space<hbm>>) dst(%dma_wait3A_653 : memref<64x16xf32, #tpu.memory_space<vmem>>)
      %dma_wait3A_660 = arith.constant 13 : i32
      %dma_wait3A_661 = arith.constant 832 : i32
      %dma_wait3A_662 = arith.constant 0 : i32
      %dma_wait3A_663 = tpu.memref_slice %arg6[%dma_wait3A_661, %dma_wait3A_662] : memref<3328x16xf32, #tpu.memory_space<vmem>> -> memref<64x16xf32, #tpu.memory_space<vmem>>
      %dma_wait3A_664 = arith.constant 0 : i32
      %dma_wait3A_665 = tpu.memref_slice %arg5[%dma_wait3A_660, %dma_wait3A_664] : memref<52x64xi32, #tpu.memory_space<vmem>> -> memref<1x64xi32, #tpu.memory_space<vmem>>
      %dma_wait3A_666 = tpu.memref_squeeze %dma_wait3A_665 : memref<1x64xi32, #tpu.memory_space<vmem>> -> memref<64xi32, #tpu.memory_space<vmem>>
      %dma_wait3A_667 = arith.constant 0 : i32
      %dma_wait3A_668 = arith.constant 0 : i32
      %dma_wait3A_669 = tpu.memref_slice %arg2[%dma_wait3A_667, %dma_wait3A_668] : memref<2600000x16xf32, #tpu.memory_space<hbm>> -> memref<2600000x16xf32, #tpu.memory_space<hbm>>
      tpu.wait_indirect_dma semaphore(%arg8 : memref<!tpu.dma_semaphore, #tpu.memory_space<semaphore_mem>>) src(%dma_wait3A_669 : memref<2600000x16xf32, #tpu.memory_space<hbm>>) dst(%dma_wait3A_663 : memref<64x16xf32, #tpu.memory_space<vmem>>)
      %dma_wait3A_670 = arith.constant 14 : i32
      %dma_wait3A_671 = arith.constant 896 : i32
      %dma_wait3A_672 = arith.constant 0 : i32
      %dma_wait3A_673 = tpu.memref_slice %arg6[%dma_wait3A_671, %dma_wait3A_672] : memref<3328x16xf32, #tpu.memory_space<vmem>> -> memref<64x16xf32, #tpu.memory_space<vmem>>
      %dma_wait3A_674 = arith.constant 0 : i32
      %dma_wait3A_675 = tpu.memref_slice %arg5[%dma_wait3A_670, %dma_wait3A_674] : memref<52x64xi32, #tpu.memory_space<vmem>> -> memref<1x64xi32, #tpu.memory_space<vmem>>
      %dma_wait3A_676 = tpu.memref_squeeze %dma_wait3A_675 : memref<1x64xi32, #tpu.memory_space<vmem>> -> memref<64xi32, #tpu.memory_space<vmem>>
      %dma_wait3A_677 = arith.constant 0 : i32
      %dma_wait3A_678 = arith.constant 0 : i32
      %dma_wait3A_679 = tpu.memref_slice %arg2[%dma_wait3A_677, %dma_wait3A_678] : memref<2600000x16xf32, #tpu.memory_space<hbm>> -> memref<2600000x16xf32, #tpu.memory_space<hbm>>
      tpu.wait_indirect_dma semaphore(%arg8 : memref<!tpu.dma_semaphore, #tpu.memory_space<semaphore_mem>>) src(%dma_wait3A_679 : memref<2600000x16xf32, #tpu.memory_space<hbm>>) dst(%dma_wait3A_673 : memref<64x16xf32, #tpu.memory_space<vmem>>)
      %dma_wait3A_680 = arith.constant 15 : i32
      %dma_wait3A_681 = arith.constant 960 : i32
      %dma_wait3A_682 = arith.constant 0 : i32
      %dma_wait3A_683 = tpu.memref_slice %arg6[%dma_wait3A_681, %dma_wait3A_682] : memref<3328x16xf32, #tpu.memory_space<vmem>> -> memref<64x16xf32, #tpu.memory_space<vmem>>
      %dma_wait3A_684 = arith.constant 0 : i32
      %dma_wait3A_685 = tpu.memref_slice %arg5[%dma_wait3A_680, %dma_wait3A_684] : memref<52x64xi32, #tpu.memory_space<vmem>> -> memref<1x64xi32, #tpu.memory_space<vmem>>
      %dma_wait3A_686 = tpu.memref_squeeze %dma_wait3A_685 : memref<1x64xi32, #tpu.memory_space<vmem>> -> memref<64xi32, #tpu.memory_space<vmem>>
      %dma_wait3A_687 = arith.constant 0 : i32
      %dma_wait3A_688 = arith.constant 0 : i32
      %dma_wait3A_689 = tpu.memref_slice %arg2[%dma_wait3A_687, %dma_wait3A_688] : memref<2600000x16xf32, #tpu.memory_space<hbm>> -> memref<2600000x16xf32, #tpu.memory_space<hbm>>
      tpu.wait_indirect_dma semaphore(%arg8 : memref<!tpu.dma_semaphore, #tpu.memory_space<semaphore_mem>>) src(%dma_wait3A_689 : memref<2600000x16xf32, #tpu.memory_space<hbm>>) dst(%dma_wait3A_683 : memref<64x16xf32, #tpu.memory_space<vmem>>)
      %dma_wait3A_690 = arith.constant 16 : i32
      %dma_wait3A_691 = arith.constant 1024 : i32
      %dma_wait3A_692 = arith.constant 0 : i32
      %dma_wait3A_693 = tpu.memref_slice %arg6[%dma_wait3A_691, %dma_wait3A_692] : memref<3328x16xf32, #tpu.memory_space<vmem>> -> memref<64x16xf32, #tpu.memory_space<vmem>>
      %dma_wait3A_694 = arith.constant 0 : i32
      %dma_wait3A_695 = tpu.memref_slice %arg5[%dma_wait3A_690, %dma_wait3A_694] : memref<52x64xi32, #tpu.memory_space<vmem>> -> memref<1x64xi32, #tpu.memory_space<vmem>>
      %dma_wait3A_696 = tpu.memref_squeeze %dma_wait3A_695 : memref<1x64xi32, #tpu.memory_space<vmem>> -> memref<64xi32, #tpu.memory_space<vmem>>
      %dma_wait3A_697 = arith.constant 0 : i32
      %dma_wait3A_698 = arith.constant 0 : i32
      %dma_wait3A_699 = tpu.memref_slice %arg2[%dma_wait3A_697, %dma_wait3A_698] : memref<2600000x16xf32, #tpu.memory_space<hbm>> -> memref<2600000x16xf32, #tpu.memory_space<hbm>>
      tpu.wait_indirect_dma semaphore(%arg8 : memref<!tpu.dma_semaphore, #tpu.memory_space<semaphore_mem>>) src(%dma_wait3A_699 : memref<2600000x16xf32, #tpu.memory_space<hbm>>) dst(%dma_wait3A_693 : memref<64x16xf32, #tpu.memory_space<vmem>>)
      %dma_wait3A_700 = arith.constant 17 : i32
      %dma_wait3A_701 = arith.constant 1088 : i32
      %dma_wait3A_702 = arith.constant 0 : i32
      %dma_wait3A_703 = tpu.memref_slice %arg6[%dma_wait3A_701, %dma_wait3A_702] : memref<3328x16xf32, #tpu.memory_space<vmem>> -> memref<64x16xf32, #tpu.memory_space<vmem>>
      %dma_wait3A_704 = arith.constant 0 : i32
      %dma_wait3A_705 = tpu.memref_slice %arg5[%dma_wait3A_700, %dma_wait3A_704] : memref<52x64xi32, #tpu.memory_space<vmem>> -> memref<1x64xi32, #tpu.memory_space<vmem>>
      %dma_wait3A_706 = tpu.memref_squeeze %dma_wait3A_705 : memref<1x64xi32, #tpu.memory_space<vmem>> -> memref<64xi32, #tpu.memory_space<vmem>>
      %dma_wait3A_707 = arith.constant 0 : i32
      %dma_wait3A_708 = arith.constant 0 : i32
      %dma_wait3A_709 = tpu.memref_slice %arg2[%dma_wait3A_707, %dma_wait3A_708] : memref<2600000x16xf32, #tpu.memory_space<hbm>> -> memref<2600000x16xf32, #tpu.memory_space<hbm>>
      tpu.wait_indirect_dma semaphore(%arg8 : memref<!tpu.dma_semaphore, #tpu.memory_space<semaphore_mem>>) src(%dma_wait3A_709 : memref<2600000x16xf32, #tpu.memory_space<hbm>>) dst(%dma_wait3A_703 : memref<64x16xf32, #tpu.memory_space<vmem>>)
      %dma_wait3A_710 = arith.constant 18 : i32
      %dma_wait3A_711 = arith.constant 1152 : i32
      %dma_wait3A_712 = arith.constant 0 : i32
      %dma_wait3A_713 = tpu.memref_slice %arg6[%dma_wait3A_711, %dma_wait3A_712] : memref<3328x16xf32, #tpu.memory_space<vmem>> -> memref<64x16xf32, #tpu.memory_space<vmem>>
      %dma_wait3A_714 = arith.constant 0 : i32
      %dma_wait3A_715 = tpu.memref_slice %arg5[%dma_wait3A_710, %dma_wait3A_714] : memref<52x64xi32, #tpu.memory_space<vmem>> -> memref<1x64xi32, #tpu.memory_space<vmem>>
      %dma_wait3A_716 = tpu.memref_squeeze %dma_wait3A_715 : memref<1x64xi32, #tpu.memory_space<vmem>> -> memref<64xi32, #tpu.memory_space<vmem>>
      %dma_wait3A_717 = arith.constant 0 : i32
      %dma_wait3A_718 = arith.constant 0 : i32
      %dma_wait3A_719 = tpu.memref_slice %arg2[%dma_wait3A_717, %dma_wait3A_718] : memref<2600000x16xf32, #tpu.memory_space<hbm>> -> memref<2600000x16xf32, #tpu.memory_space<hbm>>
      tpu.wait_indirect_dma semaphore(%arg8 : memref<!tpu.dma_semaphore, #tpu.memory_space<semaphore_mem>>) src(%dma_wait3A_719 : memref<2600000x16xf32, #tpu.memory_space<hbm>>) dst(%dma_wait3A_713 : memref<64x16xf32, #tpu.memory_space<vmem>>)
      %dma_wait3A_720 = arith.constant 19 : i32
      %dma_wait3A_721 = arith.constant 1216 : i32
      %dma_wait3A_722 = arith.constant 0 : i32
      %dma_wait3A_723 = tpu.memref_slice %arg6[%dma_wait3A_721, %dma_wait3A_722] : memref<3328x16xf32, #tpu.memory_space<vmem>> -> memref<64x16xf32, #tpu.memory_space<vmem>>
      %dma_wait3A_724 = arith.constant 0 : i32
      %dma_wait3A_725 = tpu.memref_slice %arg5[%dma_wait3A_720, %dma_wait3A_724] : memref<52x64xi32, #tpu.memory_space<vmem>> -> memref<1x64xi32, #tpu.memory_space<vmem>>
      %dma_wait3A_726 = tpu.memref_squeeze %dma_wait3A_725 : memref<1x64xi32, #tpu.memory_space<vmem>> -> memref<64xi32, #tpu.memory_space<vmem>>
      %dma_wait3A_727 = arith.constant 0 : i32
      %dma_wait3A_728 = arith.constant 0 : i32
      %dma_wait3A_729 = tpu.memref_slice %arg2[%dma_wait3A_727, %dma_wait3A_728] : memref<2600000x16xf32, #tpu.memory_space<hbm>> -> memref<2600000x16xf32, #tpu.memory_space<hbm>>
      tpu.wait_indirect_dma semaphore(%arg8 : memref<!tpu.dma_semaphore, #tpu.memory_space<semaphore_mem>>) src(%dma_wait3A_729 : memref<2600000x16xf32, #tpu.memory_space<hbm>>) dst(%dma_wait3A_723 : memref<64x16xf32, #tpu.memory_space<vmem>>)
      %dma_wait3A_730 = arith.constant 20 : i32
      %dma_wait3A_731 = arith.constant 1280 : i32
      %dma_wait3A_732 = arith.constant 0 : i32
      %dma_wait3A_733 = tpu.memref_slice %arg6[%dma_wait3A_731, %dma_wait3A_732] : memref<3328x16xf32, #tpu.memory_space<vmem>> -> memref<64x16xf32, #tpu.memory_space<vmem>>
      %dma_wait3A_734 = arith.constant 0 : i32
      %dma_wait3A_735 = tpu.memref_slice %arg5[%dma_wait3A_730, %dma_wait3A_734] : memref<52x64xi32, #tpu.memory_space<vmem>> -> memref<1x64xi32, #tpu.memory_space<vmem>>
      %dma_wait3A_736 = tpu.memref_squeeze %dma_wait3A_735 : memref<1x64xi32, #tpu.memory_space<vmem>> -> memref<64xi32, #tpu.memory_space<vmem>>
      %dma_wait3A_737 = arith.constant 0 : i32
      %dma_wait3A_738 = arith.constant 0 : i32
      %dma_wait3A_739 = tpu.memref_slice %arg2[%dma_wait3A_737, %dma_wait3A_738] : memref<2600000x16xf32, #tpu.memory_space<hbm>> -> memref<2600000x16xf32, #tpu.memory_space<hbm>>
      tpu.wait_indirect_dma semaphore(%arg8 : memref<!tpu.dma_semaphore, #tpu.memory_space<semaphore_mem>>) src(%dma_wait3A_739 : memref<2600000x16xf32, #tpu.memory_space<hbm>>) dst(%dma_wait3A_733 : memref<64x16xf32, #tpu.memory_space<vmem>>)
      %dma_wait3A_740 = arith.constant 21 : i32
      %dma_wait3A_741 = arith.constant 1344 : i32
      %dma_wait3A_742 = arith.constant 0 : i32
      %dma_wait3A_743 = tpu.memref_slice %arg6[%dma_wait3A_741, %dma_wait3A_742] : memref<3328x16xf32, #tpu.memory_space<vmem>> -> memref<64x16xf32, #tpu.memory_space<vmem>>
      %dma_wait3A_744 = arith.constant 0 : i32
      %dma_wait3A_745 = tpu.memref_slice %arg5[%dma_wait3A_740, %dma_wait3A_744] : memref<52x64xi32, #tpu.memory_space<vmem>> -> memref<1x64xi32, #tpu.memory_space<vmem>>
      %dma_wait3A_746 = tpu.memref_squeeze %dma_wait3A_745 : memref<1x64xi32, #tpu.memory_space<vmem>> -> memref<64xi32, #tpu.memory_space<vmem>>
      %dma_wait3A_747 = arith.constant 0 : i32
      %dma_wait3A_748 = arith.constant 0 : i32
      %dma_wait3A_749 = tpu.memref_slice %arg2[%dma_wait3A_747, %dma_wait3A_748] : memref<2600000x16xf32, #tpu.memory_space<hbm>> -> memref<2600000x16xf32, #tpu.memory_space<hbm>>
      tpu.wait_indirect_dma semaphore(%arg8 : memref<!tpu.dma_semaphore, #tpu.memory_space<semaphore_mem>>) src(%dma_wait3A_749 : memref<2600000x16xf32, #tpu.memory_space<hbm>>) dst(%dma_wait3A_743 : memref<64x16xf32, #tpu.memory_space<vmem>>)
      %dma_wait3A_750 = arith.constant 22 : i32
      %dma_wait3A_751 = arith.constant 1408 : i32
      %dma_wait3A_752 = arith.constant 0 : i32
      %dma_wait3A_753 = tpu.memref_slice %arg6[%dma_wait3A_751, %dma_wait3A_752] : memref<3328x16xf32, #tpu.memory_space<vmem>> -> memref<64x16xf32, #tpu.memory_space<vmem>>
      %dma_wait3A_754 = arith.constant 0 : i32
      %dma_wait3A_755 = tpu.memref_slice %arg5[%dma_wait3A_750, %dma_wait3A_754] : memref<52x64xi32, #tpu.memory_space<vmem>> -> memref<1x64xi32, #tpu.memory_space<vmem>>
      %dma_wait3A_756 = tpu.memref_squeeze %dma_wait3A_755 : memref<1x64xi32, #tpu.memory_space<vmem>> -> memref<64xi32, #tpu.memory_space<vmem>>
      %dma_wait3A_757 = arith.constant 0 : i32
      %dma_wait3A_758 = arith.constant 0 : i32
      %dma_wait3A_759 = tpu.memref_slice %arg2[%dma_wait3A_757, %dma_wait3A_758] : memref<2600000x16xf32, #tpu.memory_space<hbm>> -> memref<2600000x16xf32, #tpu.memory_space<hbm>>
      tpu.wait_indirect_dma semaphore(%arg8 : memref<!tpu.dma_semaphore, #tpu.memory_space<semaphore_mem>>) src(%dma_wait3A_759 : memref<2600000x16xf32, #tpu.memory_space<hbm>>) dst(%dma_wait3A_753 : memref<64x16xf32, #tpu.memory_space<vmem>>)
      %dma_wait3A_760 = arith.constant 23 : i32
      %dma_wait3A_761 = arith.constant 1472 : i32
      %dma_wait3A_762 = arith.constant 0 : i32
      %dma_wait3A_763 = tpu.memref_slice %arg6[%dma_wait3A_761, %dma_wait3A_762] : memref<3328x16xf32, #tpu.memory_space<vmem>> -> memref<64x16xf32, #tpu.memory_space<vmem>>
      %dma_wait3A_764 = arith.constant 0 : i32
      %dma_wait3A_765 = tpu.memref_slice %arg5[%dma_wait3A_760, %dma_wait3A_764] : memref<52x64xi32, #tpu.memory_space<vmem>> -> memref<1x64xi32, #tpu.memory_space<vmem>>
      %dma_wait3A_766 = tpu.memref_squeeze %dma_wait3A_765 : memref<1x64xi32, #tpu.memory_space<vmem>> -> memref<64xi32, #tpu.memory_space<vmem>>
      %dma_wait3A_767 = arith.constant 0 : i32
      %dma_wait3A_768 = arith.constant 0 : i32
      %dma_wait3A_769 = tpu.memref_slice %arg2[%dma_wait3A_767, %dma_wait3A_768] : memref<2600000x16xf32, #tpu.memory_space<hbm>> -> memref<2600000x16xf32, #tpu.memory_space<hbm>>
      tpu.wait_indirect_dma semaphore(%arg8 : memref<!tpu.dma_semaphore, #tpu.memory_space<semaphore_mem>>) src(%dma_wait3A_769 : memref<2600000x16xf32, #tpu.memory_space<hbm>>) dst(%dma_wait3A_763 : memref<64x16xf32, #tpu.memory_space<vmem>>)
      %dma_wait3A_770 = arith.constant 24 : i32
      %dma_wait3A_771 = arith.constant 1536 : i32
      %dma_wait3A_772 = arith.constant 0 : i32
      %dma_wait3A_773 = tpu.memref_slice %arg6[%dma_wait3A_771, %dma_wait3A_772] : memref<3328x16xf32, #tpu.memory_space<vmem>> -> memref<64x16xf32, #tpu.memory_space<vmem>>
      %dma_wait3A_774 = arith.constant 0 : i32
      %dma_wait3A_775 = tpu.memref_slice %arg5[%dma_wait3A_770, %dma_wait3A_774] : memref<52x64xi32, #tpu.memory_space<vmem>> -> memref<1x64xi32, #tpu.memory_space<vmem>>
      %dma_wait3A_776 = tpu.memref_squeeze %dma_wait3A_775 : memref<1x64xi32, #tpu.memory_space<vmem>> -> memref<64xi32, #tpu.memory_space<vmem>>
      %dma_wait3A_777 = arith.constant 0 : i32
      %dma_wait3A_778 = arith.constant 0 : i32
      %dma_wait3A_779 = tpu.memref_slice %arg2[%dma_wait3A_777, %dma_wait3A_778] : memref<2600000x16xf32, #tpu.memory_space<hbm>> -> memref<2600000x16xf32, #tpu.memory_space<hbm>>
      tpu.wait_indirect_dma semaphore(%arg8 : memref<!tpu.dma_semaphore, #tpu.memory_space<semaphore_mem>>) src(%dma_wait3A_779 : memref<2600000x16xf32, #tpu.memory_space<hbm>>) dst(%dma_wait3A_773 : memref<64x16xf32, #tpu.memory_space<vmem>>)
      %dma_wait3A_780 = arith.constant 25 : i32
      %dma_wait3A_781 = arith.constant 1600 : i32
      %dma_wait3A_782 = arith.constant 0 : i32
      %dma_wait3A_783 = tpu.memref_slice %arg6[%dma_wait3A_781, %dma_wait3A_782] : memref<3328x16xf32, #tpu.memory_space<vmem>> -> memref<64x16xf32, #tpu.memory_space<vmem>>
      %dma_wait3A_784 = arith.constant 0 : i32
      %dma_wait3A_785 = tpu.memref_slice %arg5[%dma_wait3A_780, %dma_wait3A_784] : memref<52x64xi32, #tpu.memory_space<vmem>> -> memref<1x64xi32, #tpu.memory_space<vmem>>
      %dma_wait3A_786 = tpu.memref_squeeze %dma_wait3A_785 : memref<1x64xi32, #tpu.memory_space<vmem>> -> memref<64xi32, #tpu.memory_space<vmem>>
      %dma_wait3A_787 = arith.constant 0 : i32
      %dma_wait3A_788 = arith.constant 0 : i32
      %dma_wait3A_789 = tpu.memref_slice %arg2[%dma_wait3A_787, %dma_wait3A_788] : memref<2600000x16xf32, #tpu.memory_space<hbm>> -> memref<2600000x16xf32, #tpu.memory_space<hbm>>
      tpu.wait_indirect_dma semaphore(%arg8 : memref<!tpu.dma_semaphore, #tpu.memory_space<semaphore_mem>>) src(%dma_wait3A_789 : memref<2600000x16xf32, #tpu.memory_space<hbm>>) dst(%dma_wait3A_783 : memref<64x16xf32, #tpu.memory_space<vmem>>)
      %dma_wait3A_790 = arith.constant 26 : i32
      %dma_wait3A_791 = arith.constant 1664 : i32
      %dma_wait3A_792 = arith.constant 0 : i32
      %dma_wait3A_793 = tpu.memref_slice %arg6[%dma_wait3A_791, %dma_wait3A_792] : memref<3328x16xf32, #tpu.memory_space<vmem>> -> memref<64x16xf32, #tpu.memory_space<vmem>>
      %dma_wait3A_794 = arith.constant 0 : i32
      %dma_wait3A_795 = tpu.memref_slice %arg5[%dma_wait3A_790, %dma_wait3A_794] : memref<52x64xi32, #tpu.memory_space<vmem>> -> memref<1x64xi32, #tpu.memory_space<vmem>>
      %dma_wait3A_796 = tpu.memref_squeeze %dma_wait3A_795 : memref<1x64xi32, #tpu.memory_space<vmem>> -> memref<64xi32, #tpu.memory_space<vmem>>
      %dma_wait3A_797 = arith.constant 0 : i32
      %dma_wait3A_798 = arith.constant 0 : i32
      %dma_wait3A_799 = tpu.memref_slice %arg2[%dma_wait3A_797, %dma_wait3A_798] : memref<2600000x16xf32, #tpu.memory_space<hbm>> -> memref<2600000x16xf32, #tpu.memory_space<hbm>>
      tpu.wait_indirect_dma semaphore(%arg8 : memref<!tpu.dma_semaphore, #tpu.memory_space<semaphore_mem>>) src(%dma_wait3A_799 : memref<2600000x16xf32, #tpu.memory_space<hbm>>) dst(%dma_wait3A_793 : memref<64x16xf32, #tpu.memory_space<vmem>>)
      %dma_wait3A_800 = arith.constant 27 : i32
      %dma_wait3A_801 = arith.constant 1728 : i32
      %dma_wait3A_802 = arith.constant 0 : i32
      %dma_wait3A_803 = tpu.memref_slice %arg6[%dma_wait3A_801, %dma_wait3A_802] : memref<3328x16xf32, #tpu.memory_space<vmem>> -> memref<64x16xf32, #tpu.memory_space<vmem>>
      %dma_wait3A_804 = arith.constant 0 : i32
      %dma_wait3A_805 = tpu.memref_slice %arg5[%dma_wait3A_800, %dma_wait3A_804] : memref<52x64xi32, #tpu.memory_space<vmem>> -> memref<1x64xi32, #tpu.memory_space<vmem>>
      %dma_wait3A_806 = tpu.memref_squeeze %dma_wait3A_805 : memref<1x64xi32, #tpu.memory_space<vmem>> -> memref<64xi32, #tpu.memory_space<vmem>>
      %dma_wait3A_807 = arith.constant 0 : i32
      %dma_wait3A_808 = arith.constant 0 : i32
      %dma_wait3A_809 = tpu.memref_slice %arg2[%dma_wait3A_807, %dma_wait3A_808] : memref<2600000x16xf32, #tpu.memory_space<hbm>> -> memref<2600000x16xf32, #tpu.memory_space<hbm>>
      tpu.wait_indirect_dma semaphore(%arg8 : memref<!tpu.dma_semaphore, #tpu.memory_space<semaphore_mem>>) src(%dma_wait3A_809 : memref<2600000x16xf32, #tpu.memory_space<hbm>>) dst(%dma_wait3A_803 : memref<64x16xf32, #tpu.memory_space<vmem>>)
      %dma_wait3A_810 = arith.constant 28 : i32
      %dma_wait3A_811 = arith.constant 1792 : i32
      %dma_wait3A_812 = arith.constant 0 : i32
      %dma_wait3A_813 = tpu.memref_slice %arg6[%dma_wait3A_811, %dma_wait3A_812] : memref<3328x16xf32, #tpu.memory_space<vmem>> -> memref<64x16xf32, #tpu.memory_space<vmem>>
      %dma_wait3A_814 = arith.constant 0 : i32
      %dma_wait3A_815 = tpu.memref_slice %arg5[%dma_wait3A_810, %dma_wait3A_814] : memref<52x64xi32, #tpu.memory_space<vmem>> -> memref<1x64xi32, #tpu.memory_space<vmem>>
      %dma_wait3A_816 = tpu.memref_squeeze %dma_wait3A_815 : memref<1x64xi32, #tpu.memory_space<vmem>> -> memref<64xi32, #tpu.memory_space<vmem>>
      %dma_wait3A_817 = arith.constant 0 : i32
      %dma_wait3A_818 = arith.constant 0 : i32
      %dma_wait3A_819 = tpu.memref_slice %arg2[%dma_wait3A_817, %dma_wait3A_818] : memref<2600000x16xf32, #tpu.memory_space<hbm>> -> memref<2600000x16xf32, #tpu.memory_space<hbm>>
      tpu.wait_indirect_dma semaphore(%arg8 : memref<!tpu.dma_semaphore, #tpu.memory_space<semaphore_mem>>) src(%dma_wait3A_819 : memref<2600000x16xf32, #tpu.memory_space<hbm>>) dst(%dma_wait3A_813 : memref<64x16xf32, #tpu.memory_space<vmem>>)
      %dma_wait3A_820 = arith.constant 29 : i32
      %dma_wait3A_821 = arith.constant 1856 : i32
      %dma_wait3A_822 = arith.constant 0 : i32
      %dma_wait3A_823 = tpu.memref_slice %arg6[%dma_wait3A_821, %dma_wait3A_822] : memref<3328x16xf32, #tpu.memory_space<vmem>> -> memref<64x16xf32, #tpu.memory_space<vmem>>
      %dma_wait3A_824 = arith.constant 0 : i32
      %dma_wait3A_825 = tpu.memref_slice %arg5[%dma_wait3A_820, %dma_wait3A_824] : memref<52x64xi32, #tpu.memory_space<vmem>> -> memref<1x64xi32, #tpu.memory_space<vmem>>
      %dma_wait3A_826 = tpu.memref_squeeze %dma_wait3A_825 : memref<1x64xi32, #tpu.memory_space<vmem>> -> memref<64xi32, #tpu.memory_space<vmem>>
      %dma_wait3A_827 = arith.constant 0 : i32
      %dma_wait3A_828 = arith.constant 0 : i32
      %dma_wait3A_829 = tpu.memref_slice %arg2[%dma_wait3A_827, %dma_wait3A_828] : memref<2600000x16xf32, #tpu.memory_space<hbm>> -> memref<2600000x16xf32, #tpu.memory_space<hbm>>
      tpu.wait_indirect_dma semaphore(%arg8 : memref<!tpu.dma_semaphore, #tpu.memory_space<semaphore_mem>>) src(%dma_wait3A_829 : memref<2600000x16xf32, #tpu.memory_space<hbm>>) dst(%dma_wait3A_823 : memref<64x16xf32, #tpu.memory_space<vmem>>)
      %dma_wait3A_830 = arith.constant 30 : i32
      %dma_wait3A_831 = arith.constant 1920 : i32
      %dma_wait3A_832 = arith.constant 0 : i32
      %dma_wait3A_833 = tpu.memref_slice %arg6[%dma_wait3A_831, %dma_wait3A_832] : memref<3328x16xf32, #tpu.memory_space<vmem>> -> memref<64x16xf32, #tpu.memory_space<vmem>>
      %dma_wait3A_834 = arith.constant 0 : i32
      %dma_wait3A_835 = tpu.memref_slice %arg5[%dma_wait3A_830, %dma_wait3A_834] : memref<52x64xi32, #tpu.memory_space<vmem>> -> memref<1x64xi32, #tpu.memory_space<vmem>>
      %dma_wait3A_836 = tpu.memref_squeeze %dma_wait3A_835 : memref<1x64xi32, #tpu.memory_space<vmem>> -> memref<64xi32, #tpu.memory_space<vmem>>
      %dma_wait3A_837 = arith.constant 0 : i32
      %dma_wait3A_838 = arith.constant 0 : i32
      %dma_wait3A_839 = tpu.memref_slice %arg2[%dma_wait3A_837, %dma_wait3A_838] : memref<2600000x16xf32, #tpu.memory_space<hbm>> -> memref<2600000x16xf32, #tpu.memory_space<hbm>>
      tpu.wait_indirect_dma semaphore(%arg8 : memref<!tpu.dma_semaphore, #tpu.memory_space<semaphore_mem>>) src(%dma_wait3A_839 : memref<2600000x16xf32, #tpu.memory_space<hbm>>) dst(%dma_wait3A_833 : memref<64x16xf32, #tpu.memory_space<vmem>>)
      %dma_wait3A_840 = arith.constant 31 : i32
      %dma_wait3A_841 = arith.constant 1984 : i32
      %dma_wait3A_842 = arith.constant 0 : i32
      %dma_wait3A_843 = tpu.memref_slice %arg6[%dma_wait3A_841, %dma_wait3A_842] : memref<3328x16xf32, #tpu.memory_space<vmem>> -> memref<64x16xf32, #tpu.memory_space<vmem>>
      %dma_wait3A_844 = arith.constant 0 : i32
      %dma_wait3A_845 = tpu.memref_slice %arg5[%dma_wait3A_840, %dma_wait3A_844] : memref<52x64xi32, #tpu.memory_space<vmem>> -> memref<1x64xi32, #tpu.memory_space<vmem>>
      %dma_wait3A_846 = tpu.memref_squeeze %dma_wait3A_845 : memref<1x64xi32, #tpu.memory_space<vmem>> -> memref<64xi32, #tpu.memory_space<vmem>>
      %dma_wait3A_847 = arith.constant 0 : i32
      %dma_wait3A_848 = arith.constant 0 : i32
      %dma_wait3A_849 = tpu.memref_slice %arg2[%dma_wait3A_847, %dma_wait3A_848] : memref<2600000x16xf32, #tpu.memory_space<hbm>> -> memref<2600000x16xf32, #tpu.memory_space<hbm>>
      tpu.wait_indirect_dma semaphore(%arg8 : memref<!tpu.dma_semaphore, #tpu.memory_space<semaphore_mem>>) src(%dma_wait3A_849 : memref<2600000x16xf32, #tpu.memory_space<hbm>>) dst(%dma_wait3A_843 : memref<64x16xf32, #tpu.memory_space<vmem>>)
      %dma_wait3A_850 = arith.constant 32 : i32
      %dma_wait3A_851 = arith.constant 2048 : i32
      %dma_wait3A_852 = arith.constant 0 : i32
      %dma_wait3A_853 = tpu.memref_slice %arg6[%dma_wait3A_851, %dma_wait3A_852] : memref<3328x16xf32, #tpu.memory_space<vmem>> -> memref<64x16xf32, #tpu.memory_space<vmem>>
      %dma_wait3A_854 = arith.constant 0 : i32
      %dma_wait3A_855 = tpu.memref_slice %arg5[%dma_wait3A_850, %dma_wait3A_854] : memref<52x64xi32, #tpu.memory_space<vmem>> -> memref<1x64xi32, #tpu.memory_space<vmem>>
      %dma_wait3A_856 = tpu.memref_squeeze %dma_wait3A_855 : memref<1x64xi32, #tpu.memory_space<vmem>> -> memref<64xi32, #tpu.memory_space<vmem>>
      %dma_wait3A_857 = arith.constant 0 : i32
      %dma_wait3A_858 = arith.constant 0 : i32
      %dma_wait3A_859 = tpu.memref_slice %arg2[%dma_wait3A_857, %dma_wait3A_858] : memref<2600000x16xf32, #tpu.memory_space<hbm>> -> memref<2600000x16xf32, #tpu.memory_space<hbm>>
      tpu.wait_indirect_dma semaphore(%arg8 : memref<!tpu.dma_semaphore, #tpu.memory_space<semaphore_mem>>) src(%dma_wait3A_859 : memref<2600000x16xf32, #tpu.memory_space<hbm>>) dst(%dma_wait3A_853 : memref<64x16xf32, #tpu.memory_space<vmem>>)
      %dma_wait3A_860 = arith.constant 33 : i32
      %dma_wait3A_861 = arith.constant 2112 : i32
      %dma_wait3A_862 = arith.constant 0 : i32
      %dma_wait3A_863 = tpu.memref_slice %arg6[%dma_wait3A_861, %dma_wait3A_862] : memref<3328x16xf32, #tpu.memory_space<vmem>> -> memref<64x16xf32, #tpu.memory_space<vmem>>
      %dma_wait3A_864 = arith.constant 0 : i32
      %dma_wait3A_865 = tpu.memref_slice %arg5[%dma_wait3A_860, %dma_wait3A_864] : memref<52x64xi32, #tpu.memory_space<vmem>> -> memref<1x64xi32, #tpu.memory_space<vmem>>
      %dma_wait3A_866 = tpu.memref_squeeze %dma_wait3A_865 : memref<1x64xi32, #tpu.memory_space<vmem>> -> memref<64xi32, #tpu.memory_space<vmem>>
      %dma_wait3A_867 = arith.constant 0 : i32
      %dma_wait3A_868 = arith.constant 0 : i32
      %dma_wait3A_869 = tpu.memref_slice %arg2[%dma_wait3A_867, %dma_wait3A_868] : memref<2600000x16xf32, #tpu.memory_space<hbm>> -> memref<2600000x16xf32, #tpu.memory_space<hbm>>
      tpu.wait_indirect_dma semaphore(%arg8 : memref<!tpu.dma_semaphore, #tpu.memory_space<semaphore_mem>>) src(%dma_wait3A_869 : memref<2600000x16xf32, #tpu.memory_space<hbm>>) dst(%dma_wait3A_863 : memref<64x16xf32, #tpu.memory_space<vmem>>)
      %dma_wait3A_870 = arith.constant 34 : i32
      %dma_wait3A_871 = arith.constant 2176 : i32
      %dma_wait3A_872 = arith.constant 0 : i32
      %dma_wait3A_873 = tpu.memref_slice %arg6[%dma_wait3A_871, %dma_wait3A_872] : memref<3328x16xf32, #tpu.memory_space<vmem>> -> memref<64x16xf32, #tpu.memory_space<vmem>>
      %dma_wait3A_874 = arith.constant 0 : i32
      %dma_wait3A_875 = tpu.memref_slice %arg5[%dma_wait3A_870, %dma_wait3A_874] : memref<52x64xi32, #tpu.memory_space<vmem>> -> memref<1x64xi32, #tpu.memory_space<vmem>>
      %dma_wait3A_876 = tpu.memref_squeeze %dma_wait3A_875 : memref<1x64xi32, #tpu.memory_space<vmem>> -> memref<64xi32, #tpu.memory_space<vmem>>
      %dma_wait3A_877 = arith.constant 0 : i32
      %dma_wait3A_878 = arith.constant 0 : i32
      %dma_wait3A_879 = tpu.memref_slice %arg2[%dma_wait3A_877, %dma_wait3A_878] : memref<2600000x16xf32, #tpu.memory_space<hbm>> -> memref<2600000x16xf32, #tpu.memory_space<hbm>>
      tpu.wait_indirect_dma semaphore(%arg8 : memref<!tpu.dma_semaphore, #tpu.memory_space<semaphore_mem>>) src(%dma_wait3A_879 : memref<2600000x16xf32, #tpu.memory_space<hbm>>) dst(%dma_wait3A_873 : memref<64x16xf32, #tpu.memory_space<vmem>>)
      %dma_wait3A_880 = arith.constant 35 : i32
      %dma_wait3A_881 = arith.constant 2240 : i32
      %dma_wait3A_882 = arith.constant 0 : i32
      %dma_wait3A_883 = tpu.memref_slice %arg6[%dma_wait3A_881, %dma_wait3A_882] : memref<3328x16xf32, #tpu.memory_space<vmem>> -> memref<64x16xf32, #tpu.memory_space<vmem>>
      %dma_wait3A_884 = arith.constant 0 : i32
      %dma_wait3A_885 = tpu.memref_slice %arg5[%dma_wait3A_880, %dma_wait3A_884] : memref<52x64xi32, #tpu.memory_space<vmem>> -> memref<1x64xi32, #tpu.memory_space<vmem>>
      %dma_wait3A_886 = tpu.memref_squeeze %dma_wait3A_885 : memref<1x64xi32, #tpu.memory_space<vmem>> -> memref<64xi32, #tpu.memory_space<vmem>>
      %dma_wait3A_887 = arith.constant 0 : i32
      %dma_wait3A_888 = arith.constant 0 : i32
      %dma_wait3A_889 = tpu.memref_slice %arg2[%dma_wait3A_887, %dma_wait3A_888] : memref<2600000x16xf32, #tpu.memory_space<hbm>> -> memref<2600000x16xf32, #tpu.memory_space<hbm>>
      tpu.wait_indirect_dma semaphore(%arg8 : memref<!tpu.dma_semaphore, #tpu.memory_space<semaphore_mem>>) src(%dma_wait3A_889 : memref<2600000x16xf32, #tpu.memory_space<hbm>>) dst(%dma_wait3A_883 : memref<64x16xf32, #tpu.memory_space<vmem>>)
      %dma_wait3A_890 = arith.constant 36 : i32
      %dma_wait3A_891 = arith.constant 2304 : i32
      %dma_wait3A_892 = arith.constant 0 : i32
      %dma_wait3A_893 = tpu.memref_slice %arg6[%dma_wait3A_891, %dma_wait3A_892] : memref<3328x16xf32, #tpu.memory_space<vmem>> -> memref<64x16xf32, #tpu.memory_space<vmem>>
      %dma_wait3A_894 = arith.constant 0 : i32
      %dma_wait3A_895 = tpu.memref_slice %arg5[%dma_wait3A_890, %dma_wait3A_894] : memref<52x64xi32, #tpu.memory_space<vmem>> -> memref<1x64xi32, #tpu.memory_space<vmem>>
      %dma_wait3A_896 = tpu.memref_squeeze %dma_wait3A_895 : memref<1x64xi32, #tpu.memory_space<vmem>> -> memref<64xi32, #tpu.memory_space<vmem>>
      %dma_wait3A_897 = arith.constant 0 : i32
      %dma_wait3A_898 = arith.constant 0 : i32
      %dma_wait3A_899 = tpu.memref_slice %arg2[%dma_wait3A_897, %dma_wait3A_898] : memref<2600000x16xf32, #tpu.memory_space<hbm>> -> memref<2600000x16xf32, #tpu.memory_space<hbm>>
      tpu.wait_indirect_dma semaphore(%arg8 : memref<!tpu.dma_semaphore, #tpu.memory_space<semaphore_mem>>) src(%dma_wait3A_899 : memref<2600000x16xf32, #tpu.memory_space<hbm>>) dst(%dma_wait3A_893 : memref<64x16xf32, #tpu.memory_space<vmem>>)
      %dma_wait3A_900 = arith.constant 37 : i32
      %dma_wait3A_901 = arith.constant 2368 : i32
      %dma_wait3A_902 = arith.constant 0 : i32
      %dma_wait3A_903 = tpu.memref_slice %arg6[%dma_wait3A_901, %dma_wait3A_902] : memref<3328x16xf32, #tpu.memory_space<vmem>> -> memref<64x16xf32, #tpu.memory_space<vmem>>
      %dma_wait3A_904 = arith.constant 0 : i32
      %dma_wait3A_905 = tpu.memref_slice %arg5[%dma_wait3A_900, %dma_wait3A_904] : memref<52x64xi32, #tpu.memory_space<vmem>> -> memref<1x64xi32, #tpu.memory_space<vmem>>
      %dma_wait3A_906 = tpu.memref_squeeze %dma_wait3A_905 : memref<1x64xi32, #tpu.memory_space<vmem>> -> memref<64xi32, #tpu.memory_space<vmem>>
      %dma_wait3A_907 = arith.constant 0 : i32
      %dma_wait3A_908 = arith.constant 0 : i32
      %dma_wait3A_909 = tpu.memref_slice %arg2[%dma_wait3A_907, %dma_wait3A_908] : memref<2600000x16xf32, #tpu.memory_space<hbm>> -> memref<2600000x16xf32, #tpu.memory_space<hbm>>
      tpu.wait_indirect_dma semaphore(%arg8 : memref<!tpu.dma_semaphore, #tpu.memory_space<semaphore_mem>>) src(%dma_wait3A_909 : memref<2600000x16xf32, #tpu.memory_space<hbm>>) dst(%dma_wait3A_903 : memref<64x16xf32, #tpu.memory_space<vmem>>)
      %dma_wait3A_910 = arith.constant 38 : i32
      %dma_wait3A_911 = arith.constant 2432 : i32
      %dma_wait3A_912 = arith.constant 0 : i32
      %dma_wait3A_913 = tpu.memref_slice %arg6[%dma_wait3A_911, %dma_wait3A_912] : memref<3328x16xf32, #tpu.memory_space<vmem>> -> memref<64x16xf32, #tpu.memory_space<vmem>>
      %dma_wait3A_914 = arith.constant 0 : i32
      %dma_wait3A_915 = tpu.memref_slice %arg5[%dma_wait3A_910, %dma_wait3A_914] : memref<52x64xi32, #tpu.memory_space<vmem>> -> memref<1x64xi32, #tpu.memory_space<vmem>>
      %dma_wait3A_916 = tpu.memref_squeeze %dma_wait3A_915 : memref<1x64xi32, #tpu.memory_space<vmem>> -> memref<64xi32, #tpu.memory_space<vmem>>
      %dma_wait3A_917 = arith.constant 0 : i32
      %dma_wait3A_918 = arith.constant 0 : i32
      %dma_wait3A_919 = tpu.memref_slice %arg2[%dma_wait3A_917, %dma_wait3A_918] : memref<2600000x16xf32, #tpu.memory_space<hbm>> -> memref<2600000x16xf32, #tpu.memory_space<hbm>>
      tpu.wait_indirect_dma semaphore(%arg8 : memref<!tpu.dma_semaphore, #tpu.memory_space<semaphore_mem>>) src(%dma_wait3A_919 : memref<2600000x16xf32, #tpu.memory_space<hbm>>) dst(%dma_wait3A_913 : memref<64x16xf32, #tpu.memory_space<vmem>>)
      %dma_wait3A_920 = arith.constant 39 : i32
      %dma_wait3A_921 = arith.constant 2496 : i32
      %dma_wait3A_922 = arith.constant 0 : i32
      %dma_wait3A_923 = tpu.memref_slice %arg6[%dma_wait3A_921, %dma_wait3A_922] : memref<3328x16xf32, #tpu.memory_space<vmem>> -> memref<64x16xf32, #tpu.memory_space<vmem>>
      %dma_wait3A_924 = arith.constant 0 : i32
      %dma_wait3A_925 = tpu.memref_slice %arg5[%dma_wait3A_920, %dma_wait3A_924] : memref<52x64xi32, #tpu.memory_space<vmem>> -> memref<1x64xi32, #tpu.memory_space<vmem>>
      %dma_wait3A_926 = tpu.memref_squeeze %dma_wait3A_925 : memref<1x64xi32, #tpu.memory_space<vmem>> -> memref<64xi32, #tpu.memory_space<vmem>>
      %dma_wait3A_927 = arith.constant 0 : i32
      %dma_wait3A_928 = arith.constant 0 : i32
      %dma_wait3A_929 = tpu.memref_slice %arg2[%dma_wait3A_927, %dma_wait3A_928] : memref<2600000x16xf32, #tpu.memory_space<hbm>> -> memref<2600000x16xf32, #tpu.memory_space<hbm>>
      tpu.wait_indirect_dma semaphore(%arg8 : memref<!tpu.dma_semaphore, #tpu.memory_space<semaphore_mem>>) src(%dma_wait3A_929 : memref<2600000x16xf32, #tpu.memory_space<hbm>>) dst(%dma_wait3A_923 : memref<64x16xf32, #tpu.memory_space<vmem>>)
      %dma_wait3A_930 = arith.constant 40 : i32
      %dma_wait3A_931 = arith.constant 2560 : i32
      %dma_wait3A_932 = arith.constant 0 : i32
      %dma_wait3A_933 = tpu.memref_slice %arg6[%dma_wait3A_931, %dma_wait3A_932] : memref<3328x16xf32, #tpu.memory_space<vmem>> -> memref<64x16xf32, #tpu.memory_space<vmem>>
      %dma_wait3A_934 = arith.constant 0 : i32
      %dma_wait3A_935 = tpu.memref_slice %arg5[%dma_wait3A_930, %dma_wait3A_934] : memref<52x64xi32, #tpu.memory_space<vmem>> -> memref<1x64xi32, #tpu.memory_space<vmem>>
      %dma_wait3A_936 = tpu.memref_squeeze %dma_wait3A_935 : memref<1x64xi32, #tpu.memory_space<vmem>> -> memref<64xi32, #tpu.memory_space<vmem>>
      %dma_wait3A_937 = arith.constant 0 : i32
      %dma_wait3A_938 = arith.constant 0 : i32
      %dma_wait3A_939 = tpu.memref_slice %arg2[%dma_wait3A_937, %dma_wait3A_938] : memref<2600000x16xf32, #tpu.memory_space<hbm>> -> memref<2600000x16xf32, #tpu.memory_space<hbm>>
      tpu.wait_indirect_dma semaphore(%arg8 : memref<!tpu.dma_semaphore, #tpu.memory_space<semaphore_mem>>) src(%dma_wait3A_939 : memref<2600000x16xf32, #tpu.memory_space<hbm>>) dst(%dma_wait3A_933 : memref<64x16xf32, #tpu.memory_space<vmem>>)
      %dma_wait3A_940 = arith.constant 41 : i32
      %dma_wait3A_941 = arith.constant 2624 : i32
      %dma_wait3A_942 = arith.constant 0 : i32
      %dma_wait3A_943 = tpu.memref_slice %arg6[%dma_wait3A_941, %dma_wait3A_942] : memref<3328x16xf32, #tpu.memory_space<vmem>> -> memref<64x16xf32, #tpu.memory_space<vmem>>
      %dma_wait3A_944 = arith.constant 0 : i32
      %dma_wait3A_945 = tpu.memref_slice %arg5[%dma_wait3A_940, %dma_wait3A_944] : memref<52x64xi32, #tpu.memory_space<vmem>> -> memref<1x64xi32, #tpu.memory_space<vmem>>
      %dma_wait3A_946 = tpu.memref_squeeze %dma_wait3A_945 : memref<1x64xi32, #tpu.memory_space<vmem>> -> memref<64xi32, #tpu.memory_space<vmem>>
      %dma_wait3A_947 = arith.constant 0 : i32
      %dma_wait3A_948 = arith.constant 0 : i32
      %dma_wait3A_949 = tpu.memref_slice %arg2[%dma_wait3A_947, %dma_wait3A_948] : memref<2600000x16xf32, #tpu.memory_space<hbm>> -> memref<2600000x16xf32, #tpu.memory_space<hbm>>
      tpu.wait_indirect_dma semaphore(%arg8 : memref<!tpu.dma_semaphore, #tpu.memory_space<semaphore_mem>>) src(%dma_wait3A_949 : memref<2600000x16xf32, #tpu.memory_space<hbm>>) dst(%dma_wait3A_943 : memref<64x16xf32, #tpu.memory_space<vmem>>)
      %dma_wait3A_950 = arith.constant 42 : i32
      %dma_wait3A_951 = arith.constant 2688 : i32
      %dma_wait3A_952 = arith.constant 0 : i32
      %dma_wait3A_953 = tpu.memref_slice %arg6[%dma_wait3A_951, %dma_wait3A_952] : memref<3328x16xf32, #tpu.memory_space<vmem>> -> memref<64x16xf32, #tpu.memory_space<vmem>>
      %dma_wait3A_954 = arith.constant 0 : i32
      %dma_wait3A_955 = tpu.memref_slice %arg5[%dma_wait3A_950, %dma_wait3A_954] : memref<52x64xi32, #tpu.memory_space<vmem>> -> memref<1x64xi32, #tpu.memory_space<vmem>>
      %dma_wait3A_956 = tpu.memref_squeeze %dma_wait3A_955 : memref<1x64xi32, #tpu.memory_space<vmem>> -> memref<64xi32, #tpu.memory_space<vmem>>
      %dma_wait3A_957 = arith.constant 0 : i32
      %dma_wait3A_958 = arith.constant 0 : i32
      %dma_wait3A_959 = tpu.memref_slice %arg2[%dma_wait3A_957, %dma_wait3A_958] : memref<2600000x16xf32, #tpu.memory_space<hbm>> -> memref<2600000x16xf32, #tpu.memory_space<hbm>>
      tpu.wait_indirect_dma semaphore(%arg8 : memref<!tpu.dma_semaphore, #tpu.memory_space<semaphore_mem>>) src(%dma_wait3A_959 : memref<2600000x16xf32, #tpu.memory_space<hbm>>) dst(%dma_wait3A_953 : memref<64x16xf32, #tpu.memory_space<vmem>>)
      %dma_wait3A_960 = arith.constant 43 : i32
      %dma_wait3A_961 = arith.constant 2752 : i32
      %dma_wait3A_962 = arith.constant 0 : i32
      %dma_wait3A_963 = tpu.memref_slice %arg6[%dma_wait3A_961, %dma_wait3A_962] : memref<3328x16xf32, #tpu.memory_space<vmem>> -> memref<64x16xf32, #tpu.memory_space<vmem>>
      %dma_wait3A_964 = arith.constant 0 : i32
      %dma_wait3A_965 = tpu.memref_slice %arg5[%dma_wait3A_960, %dma_wait3A_964] : memref<52x64xi32, #tpu.memory_space<vmem>> -> memref<1x64xi32, #tpu.memory_space<vmem>>
      %dma_wait3A_966 = tpu.memref_squeeze %dma_wait3A_965 : memref<1x64xi32, #tpu.memory_space<vmem>> -> memref<64xi32, #tpu.memory_space<vmem>>
      %dma_wait3A_967 = arith.constant 0 : i32
      %dma_wait3A_968 = arith.constant 0 : i32
      %dma_wait3A_969 = tpu.memref_slice %arg2[%dma_wait3A_967, %dma_wait3A_968] : memref<2600000x16xf32, #tpu.memory_space<hbm>> -> memref<2600000x16xf32, #tpu.memory_space<hbm>>
      tpu.wait_indirect_dma semaphore(%arg8 : memref<!tpu.dma_semaphore, #tpu.memory_space<semaphore_mem>>) src(%dma_wait3A_969 : memref<2600000x16xf32, #tpu.memory_space<hbm>>) dst(%dma_wait3A_963 : memref<64x16xf32, #tpu.memory_space<vmem>>)
      %dma_wait3A_970 = arith.constant 44 : i32
      %dma_wait3A_971 = arith.constant 2816 : i32
      %dma_wait3A_972 = arith.constant 0 : i32
      %dma_wait3A_973 = tpu.memref_slice %arg6[%dma_wait3A_971, %dma_wait3A_972] : memref<3328x16xf32, #tpu.memory_space<vmem>> -> memref<64x16xf32, #tpu.memory_space<vmem>>
      %dma_wait3A_974 = arith.constant 0 : i32
      %dma_wait3A_975 = tpu.memref_slice %arg5[%dma_wait3A_970, %dma_wait3A_974] : memref<52x64xi32, #tpu.memory_space<vmem>> -> memref<1x64xi32, #tpu.memory_space<vmem>>
      %dma_wait3A_976 = tpu.memref_squeeze %dma_wait3A_975 : memref<1x64xi32, #tpu.memory_space<vmem>> -> memref<64xi32, #tpu.memory_space<vmem>>
      %dma_wait3A_977 = arith.constant 0 : i32
      %dma_wait3A_978 = arith.constant 0 : i32
      %dma_wait3A_979 = tpu.memref_slice %arg2[%dma_wait3A_977, %dma_wait3A_978] : memref<2600000x16xf32, #tpu.memory_space<hbm>> -> memref<2600000x16xf32, #tpu.memory_space<hbm>>
      tpu.wait_indirect_dma semaphore(%arg8 : memref<!tpu.dma_semaphore, #tpu.memory_space<semaphore_mem>>) src(%dma_wait3A_979 : memref<2600000x16xf32, #tpu.memory_space<hbm>>) dst(%dma_wait3A_973 : memref<64x16xf32, #tpu.memory_space<vmem>>)
      %dma_wait3A_980 = arith.constant 45 : i32
      %dma_wait3A_981 = arith.constant 2880 : i32
      %dma_wait3A_982 = arith.constant 0 : i32
      %dma_wait3A_983 = tpu.memref_slice %arg6[%dma_wait3A_981, %dma_wait3A_982] : memref<3328x16xf32, #tpu.memory_space<vmem>> -> memref<64x16xf32, #tpu.memory_space<vmem>>
      %dma_wait3A_984 = arith.constant 0 : i32
      %dma_wait3A_985 = tpu.memref_slice %arg5[%dma_wait3A_980, %dma_wait3A_984] : memref<52x64xi32, #tpu.memory_space<vmem>> -> memref<1x64xi32, #tpu.memory_space<vmem>>
      %dma_wait3A_986 = tpu.memref_squeeze %dma_wait3A_985 : memref<1x64xi32, #tpu.memory_space<vmem>> -> memref<64xi32, #tpu.memory_space<vmem>>
      %dma_wait3A_987 = arith.constant 0 : i32
      %dma_wait3A_988 = arith.constant 0 : i32
      %dma_wait3A_989 = tpu.memref_slice %arg2[%dma_wait3A_987, %dma_wait3A_988] : memref<2600000x16xf32, #tpu.memory_space<hbm>> -> memref<2600000x16xf32, #tpu.memory_space<hbm>>
      tpu.wait_indirect_dma semaphore(%arg8 : memref<!tpu.dma_semaphore, #tpu.memory_space<semaphore_mem>>) src(%dma_wait3A_989 : memref<2600000x16xf32, #tpu.memory_space<hbm>>) dst(%dma_wait3A_983 : memref<64x16xf32, #tpu.memory_space<vmem>>)
      %dma_wait3A_990 = arith.constant 46 : i32
      %dma_wait3A_991 = arith.constant 2944 : i32
      %dma_wait3A_992 = arith.constant 0 : i32
      %dma_wait3A_993 = tpu.memref_slice %arg6[%dma_wait3A_991, %dma_wait3A_992] : memref<3328x16xf32, #tpu.memory_space<vmem>> -> memref<64x16xf32, #tpu.memory_space<vmem>>
      %dma_wait3A_994 = arith.constant 0 : i32
      %dma_wait3A_995 = tpu.memref_slice %arg5[%dma_wait3A_990, %dma_wait3A_994] : memref<52x64xi32, #tpu.memory_space<vmem>> -> memref<1x64xi32, #tpu.memory_space<vmem>>
      %dma_wait3A_996 = tpu.memref_squeeze %dma_wait3A_995 : memref<1x64xi32, #tpu.memory_space<vmem>> -> memref<64xi32, #tpu.memory_space<vmem>>
      %dma_wait3A_997 = arith.constant 0 : i32
      %dma_wait3A_998 = arith.constant 0 : i32
      %dma_wait3A_999 = tpu.memref_slice %arg2[%dma_wait3A_997, %dma_wait3A_998] : memref<2600000x16xf32, #tpu.memory_space<hbm>> -> memref<2600000x16xf32, #tpu.memory_space<hbm>>
      tpu.wait_indirect_dma semaphore(%arg8 : memref<!tpu.dma_semaphore, #tpu.memory_space<semaphore_mem>>) src(%dma_wait3A_999 : memref<2600000x16xf32, #tpu.memory_space<hbm>>) dst(%dma_wait3A_993 : memref<64x16xf32, #tpu.memory_space<vmem>>)
      %dma_wait3A_1000 = arith.constant 47 : i32
      %dma_wait3A_1001 = arith.constant 3008 : i32
      %dma_wait3A_1002 = arith.constant 0 : i32
      %dma_wait3A_1003 = tpu.memref_slice %arg6[%dma_wait3A_1001, %dma_wait3A_1002] : memref<3328x16xf32, #tpu.memory_space<vmem>> -> memref<64x16xf32, #tpu.memory_space<vmem>>
      %dma_wait3A_1004 = arith.constant 0 : i32
      %dma_wait3A_1005 = tpu.memref_slice %arg5[%dma_wait3A_1000, %dma_wait3A_1004] : memref<52x64xi32, #tpu.memory_space<vmem>> -> memref<1x64xi32, #tpu.memory_space<vmem>>
      %dma_wait3A_1006 = tpu.memref_squeeze %dma_wait3A_1005 : memref<1x64xi32, #tpu.memory_space<vmem>> -> memref<64xi32, #tpu.memory_space<vmem>>
      %dma_wait3A_1007 = arith.constant 0 : i32
      %dma_wait3A_1008 = arith.constant 0 : i32
      %dma_wait3A_1009 = tpu.memref_slice %arg2[%dma_wait3A_1007, %dma_wait3A_1008] : memref<2600000x16xf32, #tpu.memory_space<hbm>> -> memref<2600000x16xf32, #tpu.memory_space<hbm>>
      tpu.wait_indirect_dma semaphore(%arg8 : memref<!tpu.dma_semaphore, #tpu.memory_space<semaphore_mem>>) src(%dma_wait3A_1009 : memref<2600000x16xf32, #tpu.memory_space<hbm>>) dst(%dma_wait3A_1003 : memref<64x16xf32, #tpu.memory_space<vmem>>)
      %dma_wait3A_1010 = arith.constant 48 : i32
      %dma_wait3A_1011 = arith.constant 3072 : i32
      %dma_wait3A_1012 = arith.constant 0 : i32
      %dma_wait3A_1013 = tpu.memref_slice %arg6[%dma_wait3A_1011, %dma_wait3A_1012] : memref<3328x16xf32, #tpu.memory_space<vmem>> -> memref<64x16xf32, #tpu.memory_space<vmem>>
      %dma_wait3A_1014 = arith.constant 0 : i32
      %dma_wait3A_1015 = tpu.memref_slice %arg5[%dma_wait3A_1010, %dma_wait3A_1014] : memref<52x64xi32, #tpu.memory_space<vmem>> -> memref<1x64xi32, #tpu.memory_space<vmem>>
      %dma_wait3A_1016 = tpu.memref_squeeze %dma_wait3A_1015 : memref<1x64xi32, #tpu.memory_space<vmem>> -> memref<64xi32, #tpu.memory_space<vmem>>
      %dma_wait3A_1017 = arith.constant 0 : i32
      %dma_wait3A_1018 = arith.constant 0 : i32
      %dma_wait3A_1019 = tpu.memref_slice %arg2[%dma_wait3A_1017, %dma_wait3A_1018] : memref<2600000x16xf32, #tpu.memory_space<hbm>> -> memref<2600000x16xf32, #tpu.memory_space<hbm>>
      tpu.wait_indirect_dma semaphore(%arg8 : memref<!tpu.dma_semaphore, #tpu.memory_space<semaphore_mem>>) src(%dma_wait3A_1019 : memref<2600000x16xf32, #tpu.memory_space<hbm>>) dst(%dma_wait3A_1013 : memref<64x16xf32, #tpu.memory_space<vmem>>)
      %dma_wait3A_1020 = arith.constant 49 : i32
      %dma_wait3A_1021 = arith.constant 3136 : i32
      %dma_wait3A_1022 = arith.constant 0 : i32
      %dma_wait3A_1023 = tpu.memref_slice %arg6[%dma_wait3A_1021, %dma_wait3A_1022] : memref<3328x16xf32, #tpu.memory_space<vmem>> -> memref<64x16xf32, #tpu.memory_space<vmem>>
      %dma_wait3A_1024 = arith.constant 0 : i32
      %dma_wait3A_1025 = tpu.memref_slice %arg5[%dma_wait3A_1020, %dma_wait3A_1024] : memref<52x64xi32, #tpu.memory_space<vmem>> -> memref<1x64xi32, #tpu.memory_space<vmem>>
      %dma_wait3A_1026 = tpu.memref_squeeze %dma_wait3A_1025 : memref<1x64xi32, #tpu.memory_space<vmem>> -> memref<64xi32, #tpu.memory_space<vmem>>
      %dma_wait3A_1027 = arith.constant 0 : i32
      %dma_wait3A_1028 = arith.constant 0 : i32
      %dma_wait3A_1029 = tpu.memref_slice %arg2[%dma_wait3A_1027, %dma_wait3A_1028] : memref<2600000x16xf32, #tpu.memory_space<hbm>> -> memref<2600000x16xf32, #tpu.memory_space<hbm>>
      tpu.wait_indirect_dma semaphore(%arg8 : memref<!tpu.dma_semaphore, #tpu.memory_space<semaphore_mem>>) src(%dma_wait3A_1029 : memref<2600000x16xf32, #tpu.memory_space<hbm>>) dst(%dma_wait3A_1023 : memref<64x16xf32, #tpu.memory_space<vmem>>)
      %dma_wait3A_1030 = arith.constant 50 : i32
      %dma_wait3A_1031 = arith.constant 3200 : i32
      %dma_wait3A_1032 = arith.constant 0 : i32
      %dma_wait3A_1033 = tpu.memref_slice %arg6[%dma_wait3A_1031, %dma_wait3A_1032] : memref<3328x16xf32, #tpu.memory_space<vmem>> -> memref<64x16xf32, #tpu.memory_space<vmem>>
      %dma_wait3A_1034 = arith.constant 0 : i32
      %dma_wait3A_1035 = tpu.memref_slice %arg5[%dma_wait3A_1030, %dma_wait3A_1034] : memref<52x64xi32, #tpu.memory_space<vmem>> -> memref<1x64xi32, #tpu.memory_space<vmem>>
      %dma_wait3A_1036 = tpu.memref_squeeze %dma_wait3A_1035 : memref<1x64xi32, #tpu.memory_space<vmem>> -> memref<64xi32, #tpu.memory_space<vmem>>
      %dma_wait3A_1037 = arith.constant 0 : i32
      %dma_wait3A_1038 = arith.constant 0 : i32
      %dma_wait3A_1039 = tpu.memref_slice %arg2[%dma_wait3A_1037, %dma_wait3A_1038] : memref<2600000x16xf32, #tpu.memory_space<hbm>> -> memref<2600000x16xf32, #tpu.memory_space<hbm>>
      tpu.wait_indirect_dma semaphore(%arg8 : memref<!tpu.dma_semaphore, #tpu.memory_space<semaphore_mem>>) src(%dma_wait3A_1039 : memref<2600000x16xf32, #tpu.memory_space<hbm>>) dst(%dma_wait3A_1033 : memref<64x16xf32, #tpu.memory_space<vmem>>)
      %dma_wait3A_1040 = arith.constant 51 : i32
      %dma_wait3A_1041 = arith.constant 3264 : i32
      %dma_wait3A_1042 = arith.constant 0 : i32
      %dma_wait3A_1043 = tpu.memref_slice %arg6[%dma_wait3A_1041, %dma_wait3A_1042] : memref<3328x16xf32, #tpu.memory_space<vmem>> -> memref<64x16xf32, #tpu.memory_space<vmem>>
      %dma_wait3A_1044 = arith.constant 0 : i32
      %dma_wait3A_1045 = tpu.memref_slice %arg5[%dma_wait3A_1040, %dma_wait3A_1044] : memref<52x64xi32, #tpu.memory_space<vmem>> -> memref<1x64xi32, #tpu.memory_space<vmem>>
      %dma_wait3A_1046 = tpu.memref_squeeze %dma_wait3A_1045 : memref<1x64xi32, #tpu.memory_space<vmem>> -> memref<64xi32, #tpu.memory_space<vmem>>
      %dma_wait3A_1047 = arith.constant 0 : i32
      %dma_wait3A_1048 = arith.constant 0 : i32
      %dma_wait3A_1049 = tpu.memref_slice %arg2[%dma_wait3A_1047, %dma_wait3A_1048] : memref<2600000x16xf32, #tpu.memory_space<hbm>> -> memref<2600000x16xf32, #tpu.memory_space<hbm>>
      tpu.wait_indirect_dma semaphore(%arg8 : memref<!tpu.dma_semaphore, #tpu.memory_space<semaphore_mem>>) src(%dma_wait3A_1049 : memref<2600000x16xf32, #tpu.memory_space<hbm>>) dst(%dma_wait3A_1043 : memref<64x16xf32, #tpu.memory_space<vmem>>)
      %scan3A_1050 = arith.constant 0 : i32
      %scan3A_1051 = arith.constant 0 : i32
      %scan3A_1052 = arith.constant 128 : i32
      %scan3A_1053 = arith.addi %scan3A_1051, %scan3A_1052 : i32
      %scan3A_1054 = arith.constant 1 : i32
      %scan3A_1055 = scf.for %scan3A_1063 = %scan3A_1051 to %scan3A_1053 step %scan3A_1054 iter_args(%scan3A_1064 = %scan3A_1050) -> (i32)  : i32 {
        %mul3A_1065 = arith.constant 26 : i32
        %mul3A_1066 = arith.muli %scan3A_1063, %mul3A_1065 : i32
        %get3A = arith.index_cast %mul3A_1066 : i32 to index
        %get3A_1067 = arith.constant 0 : index
        %get3A_1068 = tpu.vector_load %arg6[%get3A, %get3A_1067] {strides = array<i32>} : memref<3328x16xf32, #tpu.memory_space<vmem>>, vector<1x16xf32>,
        %get3A_1069 = vector.shape_cast %get3A_1068 : vector<1x16xf32> to vector<16xf32>
        %mul3A_1070 = arith.mulf %get3A_1069, %get3A_1069 : vector<16xf32>
        %mul3A_1071 = arith.constant 26 : i32
        %mul3A_1072 = arith.muli %scan3A_1063, %mul3A_1071 : i32
        %add3A_1073 = arith.constant 1 : i32
        %add3A_1074 = arith.addi %mul3A_1072, %add3A_1073 : i32
        %get3A_1075 = arith.index_cast %add3A_1074 : i32 to index
        %get3A_1076 = arith.constant 0 : index
        %get3A_1077 = tpu.vector_load %arg6[%get3A_1075, %get3A_1076] {strides = array<i32>} : memref<3328x16xf32, #tpu.memory_space<vmem>>, vector<1x16xf32>,
        %get3A_1078 = vector.shape_cast %get3A_1077 : vector<1x16xf32> to vector<16xf32>
        %add3A_1079 = arith.addf %get3A_1069, %get3A_1078 : vector<16xf32>
        %mul3A_1080 = arith.mulf %get3A_1078, %get3A_1078 : vector<16xf32>
        %add3A_1081 = arith.addf %mul3A_1070, %mul3A_1080 : vector<16xf32>
        %mul3A_1082 = arith.constant 26 : i32
        %mul3A_1083 = arith.muli %scan3A_1063, %mul3A_1082 : i32
        %add3A_1084 = arith.constant 2 : i32
        %add3A_1085 = arith.addi %mul3A_1083, %add3A_1084 : i32
        %get3A_1086 = arith.index_cast %add3A_1085 : i32 to index
        %get3A_1087 = arith.constant 0 : index
        %get3A_1088 = tpu.vector_load %arg6[%get3A_1086, %get3A_1087] {strides = array<i32>} : memref<3328x16xf32, #tpu.memory_space<vmem>>, vector<1x16xf32>,
        %get3A_1089 = vector.shape_cast %get3A_1088 : vector<1x16xf32> to vector<16xf32>
        %add3A_1090 = arith.addf %add3A_1079, %get3A_1089 : vector<16xf32>
        %mul3A_1091 = arith.mulf %get3A_1089, %get3A_1089 : vector<16xf32>
        %add3A_1092 = arith.addf %add3A_1081, %mul3A_1091 : vector<16xf32>
        %mul3A_1093 = arith.constant 26 : i32
        %mul3A_1094 = arith.muli %scan3A_1063, %mul3A_1093 : i32
        %add3A_1095 = arith.constant 3 : i32
        %add3A_1096 = arith.addi %mul3A_1094, %add3A_1095 : i32
        %get3A_1097 = arith.index_cast %add3A_1096 : i32 to index
        %get3A_1098 = arith.constant 0 : index
        %get3A_1099 = tpu.vector_load %arg6[%get3A_1097, %get3A_1098] {strides = array<i32>} : memref<3328x16xf32, #tpu.memory_space<vmem>>, vector<1x16xf32>,
        %get3A_1100 = vector.shape_cast %get3A_1099 : vector<1x16xf32> to vector<16xf32>
        %add3A_1101 = arith.addf %add3A_1090, %get3A_1100 : vector<16xf32>
        %mul3A_1102 = arith.mulf %get3A_1100, %get3A_1100 : vector<16xf32>
        %add3A_1103 = arith.addf %add3A_1092, %mul3A_1102 : vector<16xf32>
        %mul3A_1104 = arith.constant 26 : i32
        %mul3A_1105 = arith.muli %scan3A_1063, %mul3A_1104 : i32
        %add3A_1106 = arith.constant 4 : i32
        %add3A_1107 = arith.addi %mul3A_1105, %add3A_1106 : i32
        %get3A_1108 = arith.index_cast %add3A_1107 : i32 to index
        %get3A_1109 = arith.constant 0 : index
        %get3A_1110 = tpu.vector_load %arg6[%get3A_1108, %get3A_1109] {strides = array<i32>} : memref<3328x16xf32, #tpu.memory_space<vmem>>, vector<1x16xf32>,
        %get3A_1111 = vector.shape_cast %get3A_1110 : vector<1x16xf32> to vector<16xf32>
        %add3A_1112 = arith.addf %add3A_1101, %get3A_1111 : vector<16xf32>
        %mul3A_1113 = arith.mulf %get3A_1111, %get3A_1111 : vector<16xf32>
        %add3A_1114 = arith.addf %add3A_1103, %mul3A_1113 : vector<16xf32>
        %mul3A_1115 = arith.constant 26 : i32
        %mul3A_1116 = arith.muli %scan3A_1063, %mul3A_1115 : i32
        %add3A_1117 = arith.constant 5 : i32
        %add3A_1118 = arith.addi %mul3A_1116, %add3A_1117 : i32
        %get3A_1119 = arith.index_cast %add3A_1118 : i32 to index
        %get3A_1120 = arith.constant 0 : index
        %get3A_1121 = tpu.vector_load %arg6[%get3A_1119, %get3A_1120] {strides = array<i32>} : memref<3328x16xf32, #tpu.memory_space<vmem>>, vector<1x16xf32>,
        %get3A_1122 = vector.shape_cast %get3A_1121 : vector<1x16xf32> to vector<16xf32>
        %add3A_1123 = arith.addf %add3A_1112, %get3A_1122 : vector<16xf32>
        %mul3A_1124 = arith.mulf %get3A_1122, %get3A_1122 : vector<16xf32>
        %add3A_1125 = arith.addf %add3A_1114, %mul3A_1124 : vector<16xf32>
        %mul3A_1126 = arith.constant 26 : i32
        %mul3A_1127 = arith.muli %scan3A_1063, %mul3A_1126 : i32
        %add3A_1128 = arith.constant 6 : i32
        %add3A_1129 = arith.addi %mul3A_1127, %add3A_1128 : i32
        %get3A_1130 = arith.index_cast %add3A_1129 : i32 to index
        %get3A_1131 = arith.constant 0 : index
        %get3A_1132 = tpu.vector_load %arg6[%get3A_1130, %get3A_1131] {strides = array<i32>} : memref<3328x16xf32, #tpu.memory_space<vmem>>, vector<1x16xf32>,
        %get3A_1133 = vector.shape_cast %get3A_1132 : vector<1x16xf32> to vector<16xf32>
        %add3A_1134 = arith.addf %add3A_1123, %get3A_1133 : vector<16xf32>
        %mul3A_1135 = arith.mulf %get3A_1133, %get3A_1133 : vector<16xf32>
        %add3A_1136 = arith.addf %add3A_1125, %mul3A_1135 : vector<16xf32>
        %mul3A_1137 = arith.constant 26 : i32
        %mul3A_1138 = arith.muli %scan3A_1063, %mul3A_1137 : i32
        %add3A_1139 = arith.constant 7 : i32
        %add3A_1140 = arith.addi %mul3A_1138, %add3A_1139 : i32
        %get3A_1141 = arith.index_cast %add3A_1140 : i32 to index
        %get3A_1142 = arith.constant 0 : index
        %get3A_1143 = tpu.vector_load %arg6[%get3A_1141, %get3A_1142] {strides = array<i32>} : memref<3328x16xf32, #tpu.memory_space<vmem>>, vector<1x16xf32>,
        %get3A_1144 = vector.shape_cast %get3A_1143 : vector<1x16xf32> to vector<16xf32>
        %add3A_1145 = arith.addf %add3A_1134, %get3A_1144 : vector<16xf32>
        %mul3A_1146 = arith.mulf %get3A_1144, %get3A_1144 : vector<16xf32>
        %add3A_1147 = arith.addf %add3A_1136, %mul3A_1146 : vector<16xf32>
        %mul3A_1148 = arith.constant 26 : i32
        %mul3A_1149 = arith.muli %scan3A_1063, %mul3A_1148 : i32
        %add3A_1150 = arith.constant 8 : i32
        %add3A_1151 = arith.addi %mul3A_1149, %add3A_1150 : i32
        %get3A_1152 = arith.index_cast %add3A_1151 : i32 to index
        %get3A_1153 = arith.constant 0 : index
        %get3A_1154 = tpu.vector_load %arg6[%get3A_1152, %get3A_1153] {strides = array<i32>} : memref<3328x16xf32, #tpu.memory_space<vmem>>, vector<1x16xf32>,
        %get3A_1155 = vector.shape_cast %get3A_1154 : vector<1x16xf32> to vector<16xf32>
        %add3A_1156 = arith.addf %add3A_1145, %get3A_1155 : vector<16xf32>
        %mul3A_1157 = arith.mulf %get3A_1155, %get3A_1155 : vector<16xf32>
        %add3A_1158 = arith.addf %add3A_1147, %mul3A_1157 : vector<16xf32>
        %mul3A_1159 = arith.constant 26 : i32
        %mul3A_1160 = arith.muli %scan3A_1063, %mul3A_1159 : i32
        %add3A_1161 = arith.constant 9 : i32
        %add3A_1162 = arith.addi %mul3A_1160, %add3A_1161 : i32
        %get3A_1163 = arith.index_cast %add3A_1162 : i32 to index
        %get3A_1164 = arith.constant 0 : index
        %get3A_1165 = tpu.vector_load %arg6[%get3A_1163, %get3A_1164] {strides = array<i32>} : memref<3328x16xf32, #tpu.memory_space<vmem>>, vector<1x16xf32>,
        %get3A_1166 = vector.shape_cast %get3A_1165 : vector<1x16xf32> to vector<16xf32>
        %add3A_1167 = arith.addf %add3A_1156, %get3A_1166 : vector<16xf32>
        %mul3A_1168 = arith.mulf %get3A_1166, %get3A_1166 : vector<16xf32>
        %add3A_1169 = arith.addf %add3A_1158, %mul3A_1168 : vector<16xf32>
        %mul3A_1170 = arith.constant 26 : i32
        %mul3A_1171 = arith.muli %scan3A_1063, %mul3A_1170 : i32
        %add3A_1172 = arith.constant 10 : i32
        %add3A_1173 = arith.addi %mul3A_1171, %add3A_1172 : i32
        %get3A_1174 = arith.index_cast %add3A_1173 : i32 to index
        %get3A_1175 = arith.constant 0 : index
        %get3A_1176 = tpu.vector_load %arg6[%get3A_1174, %get3A_1175] {strides = array<i32>} : memref<3328x16xf32, #tpu.memory_space<vmem>>, vector<1x16xf32>,
        %get3A_1177 = vector.shape_cast %get3A_1176 : vector<1x16xf32> to vector<16xf32>
        %add3A_1178 = arith.addf %add3A_1167, %get3A_1177 : vector<16xf32>
        %mul3A_1179 = arith.mulf %get3A_1177, %get3A_1177 : vector<16xf32>
        %add3A_1180 = arith.addf %add3A_1169, %mul3A_1179 : vector<16xf32>
        %mul3A_1181 = arith.constant 26 : i32
        %mul3A_1182 = arith.muli %scan3A_1063, %mul3A_1181 : i32
        %add3A_1183 = arith.constant 11 : i32
        %add3A_1184 = arith.addi %mul3A_1182, %add3A_1183 : i32
        %get3A_1185 = arith.index_cast %add3A_1184 : i32 to index
        %get3A_1186 = arith.constant 0 : index
        %get3A_1187 = tpu.vector_load %arg6[%get3A_1185, %get3A_1186] {strides = array<i32>} : memref<3328x16xf32, #tpu.memory_space<vmem>>, vector<1x16xf32>,
        %get3A_1188 = vector.shape_cast %get3A_1187 : vector<1x16xf32> to vector<16xf32>
        %add3A_1189 = arith.addf %add3A_1178, %get3A_1188 : vector<16xf32>
        %mul3A_1190 = arith.mulf %get3A_1188, %get3A_1188 : vector<16xf32>
        %add3A_1191 = arith.addf %add3A_1180, %mul3A_1190 : vector<16xf32>
        %mul3A_1192 = arith.constant 26 : i32
        %mul3A_1193 = arith.muli %scan3A_1063, %mul3A_1192 : i32
        %add3A_1194 = arith.constant 12 : i32
        %add3A_1195 = arith.addi %mul3A_1193, %add3A_1194 : i32
        %get3A_1196 = arith.index_cast %add3A_1195 : i32 to index
        %get3A_1197 = arith.constant 0 : index
        %get3A_1198 = tpu.vector_load %arg6[%get3A_1196, %get3A_1197] {strides = array<i32>} : memref<3328x16xf32, #tpu.memory_space<vmem>>, vector<1x16xf32>,
        %get3A_1199 = vector.shape_cast %get3A_1198 : vector<1x16xf32> to vector<16xf32>
        %add3A_1200 = arith.addf %add3A_1189, %get3A_1199 : vector<16xf32>
        %mul3A_1201 = arith.mulf %get3A_1199, %get3A_1199 : vector<16xf32>
        %add3A_1202 = arith.addf %add3A_1191, %mul3A_1201 : vector<16xf32>
        %mul3A_1203 = arith.constant 26 : i32
        %mul3A_1204 = arith.muli %scan3A_1063, %mul3A_1203 : i32
        %add3A_1205 = arith.constant 13 : i32
        %add3A_1206 = arith.addi %mul3A_1204, %add3A_1205 : i32
        %get3A_1207 = arith.index_cast %add3A_1206 : i32 to index
        %get3A_1208 = arith.constant 0 : index
        %get3A_1209 = tpu.vector_load %arg6[%get3A_1207, %get3A_1208] {strides = array<i32>} : memref<3328x16xf32, #tpu.memory_space<vmem>>, vector<1x16xf32>,
        %get3A_1210 = vector.shape_cast %get3A_1209 : vector<1x16xf32> to vector<16xf32>
        %add3A_1211 = arith.addf %add3A_1200, %get3A_1210 : vector<16xf32>
        %mul3A_1212 = arith.mulf %get3A_1210, %get3A_1210 : vector<16xf32>
        %add3A_1213 = arith.addf %add3A_1202, %mul3A_1212 : vector<16xf32>
        %mul3A_1214 = arith.constant 26 : i32
        %mul3A_1215 = arith.muli %scan3A_1063, %mul3A_1214 : i32
        %add3A_1216 = arith.constant 14 : i32
        %add3A_1217 = arith.addi %mul3A_1215, %add3A_1216 : i32
        %get3A_1218 = arith.index_cast %add3A_1217 : i32 to index
        %get3A_1219 = arith.constant 0 : index
        %get3A_1220 = tpu.vector_load %arg6[%get3A_1218, %get3A_1219] {strides = array<i32>} : memref<3328x16xf32, #tpu.memory_space<vmem>>, vector<1x16xf32>,
        %get3A_1221 = vector.shape_cast %get3A_1220 : vector<1x16xf32> to vector<16xf32>
        %add3A_1222 = arith.addf %add3A_1211, %get3A_1221 : vector<16xf32>
        %mul3A_1223 = arith.mulf %get3A_1221, %get3A_1221 : vector<16xf32>
        %add3A_1224 = arith.addf %add3A_1213, %mul3A_1223 : vector<16xf32>
        %mul3A_1225 = arith.constant 26 : i32
        %mul3A_1226 = arith.muli %scan3A_1063, %mul3A_1225 : i32
        %add3A_1227 = arith.constant 15 : i32
        %add3A_1228 = arith.addi %mul3A_1226, %add3A_1227 : i32
        %get3A_1229 = arith.index_cast %add3A_1228 : i32 to index
        %get3A_1230 = arith.constant 0 : index
        %get3A_1231 = tpu.vector_load %arg6[%get3A_1229, %get3A_1230] {strides = array<i32>} : memref<3328x16xf32, #tpu.memory_space<vmem>>, vector<1x16xf32>,
        %get3A_1232 = vector.shape_cast %get3A_1231 : vector<1x16xf32> to vector<16xf32>
        %add3A_1233 = arith.addf %add3A_1222, %get3A_1232 : vector<16xf32>
        %mul3A_1234 = arith.mulf %get3A_1232, %get3A_1232 : vector<16xf32>
        %add3A_1235 = arith.addf %add3A_1224, %mul3A_1234 : vector<16xf32>
        %mul3A_1236 = arith.constant 26 : i32
        %mul3A_1237 = arith.muli %scan3A_1063, %mul3A_1236 : i32
        %add3A_1238 = arith.constant 16 : i32
        %add3A_1239 = arith.addi %mul3A_1237, %add3A_1238 : i32
        %get3A_1240 = arith.index_cast %add3A_1239 : i32 to index
        %get3A_1241 = arith.constant 0 : index
        %get3A_1242 = tpu.vector_load %arg6[%get3A_1240, %get3A_1241] {strides = array<i32>} : memref<3328x16xf32, #tpu.memory_space<vmem>>, vector<1x16xf32>,
        %get3A_1243 = vector.shape_cast %get3A_1242 : vector<1x16xf32> to vector<16xf32>
        %add3A_1244 = arith.addf %add3A_1233, %get3A_1243 : vector<16xf32>
        %mul3A_1245 = arith.mulf %get3A_1243, %get3A_1243 : vector<16xf32>
        %add3A_1246 = arith.addf %add3A_1235, %mul3A_1245 : vector<16xf32>
        %mul3A_1247 = arith.constant 26 : i32
        %mul3A_1248 = arith.muli %scan3A_1063, %mul3A_1247 : i32
        %add3A_1249 = arith.constant 17 : i32
        %add3A_1250 = arith.addi %mul3A_1248, %add3A_1249 : i32
        %get3A_1251 = arith.index_cast %add3A_1250 : i32 to index
        %get3A_1252 = arith.constant 0 : index
        %get3A_1253 = tpu.vector_load %arg6[%get3A_1251, %get3A_1252] {strides = array<i32>} : memref<3328x16xf32, #tpu.memory_space<vmem>>, vector<1x16xf32>,
        %get3A_1254 = vector.shape_cast %get3A_1253 : vector<1x16xf32> to vector<16xf32>
        %add3A_1255 = arith.addf %add3A_1244, %get3A_1254 : vector<16xf32>
        %mul3A_1256 = arith.mulf %get3A_1254, %get3A_1254 : vector<16xf32>
        %add3A_1257 = arith.addf %add3A_1246, %mul3A_1256 : vector<16xf32>
        %mul3A_1258 = arith.constant 26 : i32
        %mul3A_1259 = arith.muli %scan3A_1063, %mul3A_1258 : i32
        %add3A_1260 = arith.constant 18 : i32
        %add3A_1261 = arith.addi %mul3A_1259, %add3A_1260 : i32
        %get3A_1262 = arith.index_cast %add3A_1261 : i32 to index
        %get3A_1263 = arith.constant 0 : index
        %get3A_1264 = tpu.vector_load %arg6[%get3A_1262, %get3A_1263] {strides = array<i32>} : memref<3328x16xf32, #tpu.memory_space<vmem>>, vector<1x16xf32>,
        %get3A_1265 = vector.shape_cast %get3A_1264 : vector<1x16xf32> to vector<16xf32>
        %add3A_1266 = arith.addf %add3A_1255, %get3A_1265 : vector<16xf32>
        %mul3A_1267 = arith.mulf %get3A_1265, %get3A_1265 : vector<16xf32>
        %add3A_1268 = arith.addf %add3A_1257, %mul3A_1267 : vector<16xf32>
        %mul3A_1269 = arith.constant 26 : i32
        %mul3A_1270 = arith.muli %scan3A_1063, %mul3A_1269 : i32
        %add3A_1271 = arith.constant 19 : i32
        %add3A_1272 = arith.addi %mul3A_1270, %add3A_1271 : i32
        %get3A_1273 = arith.index_cast %add3A_1272 : i32 to index
        %get3A_1274 = arith.constant 0 : index
        %get3A_1275 = tpu.vector_load %arg6[%get3A_1273, %get3A_1274] {strides = array<i32>} : memref<3328x16xf32, #tpu.memory_space<vmem>>, vector<1x16xf32>,
        %get3A_1276 = vector.shape_cast %get3A_1275 : vector<1x16xf32> to vector<16xf32>
        %add3A_1277 = arith.addf %add3A_1266, %get3A_1276 : vector<16xf32>
        %mul3A_1278 = arith.mulf %get3A_1276, %get3A_1276 : vector<16xf32>
        %add3A_1279 = arith.addf %add3A_1268, %mul3A_1278 : vector<16xf32>
        %mul3A_1280 = arith.constant 26 : i32
        %mul3A_1281 = arith.muli %scan3A_1063, %mul3A_1280 : i32
        %add3A_1282 = arith.constant 20 : i32
        %add3A_1283 = arith.addi %mul3A_1281, %add3A_1282 : i32
        %get3A_1284 = arith.index_cast %add3A_1283 : i32 to index
        %get3A_1285 = arith.constant 0 : index
        %get3A_1286 = tpu.vector_load %arg6[%get3A_1284, %get3A_1285] {strides = array<i32>} : memref<3328x16xf32, #tpu.memory_space<vmem>>, vector<1x16xf32>,
        %get3A_1287 = vector.shape_cast %get3A_1286 : vector<1x16xf32> to vector<16xf32>
        %add3A_1288 = arith.addf %add3A_1277, %get3A_1287 : vector<16xf32>
        %mul3A_1289 = arith.mulf %get3A_1287, %get3A_1287 : vector<16xf32>
        %add3A_1290 = arith.addf %add3A_1279, %mul3A_1289 : vector<16xf32>
        %mul3A_1291 = arith.constant 26 : i32
        %mul3A_1292 = arith.muli %scan3A_1063, %mul3A_1291 : i32
        %add3A_1293 = arith.constant 21 : i32
        %add3A_1294 = arith.addi %mul3A_1292, %add3A_1293 : i32
        %get3A_1295 = arith.index_cast %add3A_1294 : i32 to index
        %get3A_1296 = arith.constant 0 : index
        %get3A_1297 = tpu.vector_load %arg6[%get3A_1295, %get3A_1296] {strides = array<i32>} : memref<3328x16xf32, #tpu.memory_space<vmem>>, vector<1x16xf32>,
        %get3A_1298 = vector.shape_cast %get3A_1297 : vector<1x16xf32> to vector<16xf32>
        %add3A_1299 = arith.addf %add3A_1288, %get3A_1298 : vector<16xf32>
        %mul3A_1300 = arith.mulf %get3A_1298, %get3A_1298 : vector<16xf32>
        %add3A_1301 = arith.addf %add3A_1290, %mul3A_1300 : vector<16xf32>
        %mul3A_1302 = arith.constant 26 : i32
        %mul3A_1303 = arith.muli %scan3A_1063, %mul3A_1302 : i32
        %add3A_1304 = arith.constant 22 : i32
        %add3A_1305 = arith.addi %mul3A_1303, %add3A_1304 : i32
        %get3A_1306 = arith.index_cast %add3A_1305 : i32 to index
        %get3A_1307 = arith.constant 0 : index
        %get3A_1308 = tpu.vector_load %arg6[%get3A_1306, %get3A_1307] {strides = array<i32>} : memref<3328x16xf32, #tpu.memory_space<vmem>>, vector<1x16xf32>,
        %get3A_1309 = vector.shape_cast %get3A_1308 : vector<1x16xf32> to vector<16xf32>
        %add3A_1310 = arith.addf %add3A_1299, %get3A_1309 : vector<16xf32>
        %mul3A_1311 = arith.mulf %get3A_1309, %get3A_1309 : vector<16xf32>
        %add3A_1312 = arith.addf %add3A_1301, %mul3A_1311 : vector<16xf32>
        %mul3A_1313 = arith.constant 26 : i32
        %mul3A_1314 = arith.muli %scan3A_1063, %mul3A_1313 : i32
        %add3A_1315 = arith.constant 23 : i32
        %add3A_1316 = arith.addi %mul3A_1314, %add3A_1315 : i32
        %get3A_1317 = arith.index_cast %add3A_1316 : i32 to index
        %get3A_1318 = arith.constant 0 : index
        %get3A_1319 = tpu.vector_load %arg6[%get3A_1317, %get3A_1318] {strides = array<i32>} : memref<3328x16xf32, #tpu.memory_space<vmem>>, vector<1x16xf32>,
        %get3A_1320 = vector.shape_cast %get3A_1319 : vector<1x16xf32> to vector<16xf32>
        %add3A_1321 = arith.addf %add3A_1310, %get3A_1320 : vector<16xf32>
        %mul3A_1322 = arith.mulf %get3A_1320, %get3A_1320 : vector<16xf32>
        %add3A_1323 = arith.addf %add3A_1312, %mul3A_1322 : vector<16xf32>
        %mul3A_1324 = arith.constant 26 : i32
        %mul3A_1325 = arith.muli %scan3A_1063, %mul3A_1324 : i32
        %add3A_1326 = arith.constant 24 : i32
        %add3A_1327 = arith.addi %mul3A_1325, %add3A_1326 : i32
        %get3A_1328 = arith.index_cast %add3A_1327 : i32 to index
        %get3A_1329 = arith.constant 0 : index
        %get3A_1330 = tpu.vector_load %arg6[%get3A_1328, %get3A_1329] {strides = array<i32>} : memref<3328x16xf32, #tpu.memory_space<vmem>>, vector<1x16xf32>,
        %get3A_1331 = vector.shape_cast %get3A_1330 : vector<1x16xf32> to vector<16xf32>
        %add3A_1332 = arith.addf %add3A_1321, %get3A_1331 : vector<16xf32>
        %mul3A_1333 = arith.mulf %get3A_1331, %get3A_1331 : vector<16xf32>
        %add3A_1334 = arith.addf %add3A_1323, %mul3A_1333 : vector<16xf32>
        %mul3A_1335 = arith.constant 26 : i32
        %mul3A_1336 = arith.muli %scan3A_1063, %mul3A_1335 : i32
        %add3A_1337 = arith.constant 25 : i32
        %add3A_1338 = arith.addi %mul3A_1336, %add3A_1337 : i32
        %get3A_1339 = arith.index_cast %add3A_1338 : i32 to index
        %get3A_1340 = arith.constant 0 : index
        %get3A_1341 = tpu.vector_load %arg6[%get3A_1339, %get3A_1340] {strides = array<i32>} : memref<3328x16xf32, #tpu.memory_space<vmem>>, vector<1x16xf32>,
        %get3A_1342 = vector.shape_cast %get3A_1341 : vector<1x16xf32> to vector<16xf32>
        %add3A_1343 = arith.addf %add3A_1332, %get3A_1342 : vector<16xf32>
        %mul3A_1344 = arith.mulf %get3A_1342, %get3A_1342 : vector<16xf32>
        %add3A_1345 = arith.addf %add3A_1334, %mul3A_1344 : vector<16xf32>
        %mul3A_1346 = arith.mulf %add3A_1343, %add3A_1343 : vector<16xf32>
        %sub3A = arith.subf %mul3A_1346, %add3A_1345 : vector<16xf32>
        %mul3A_1347 = arith.constant 5.000000e-01 : f32
        %mul3A_1348 = vector.broadcast %mul3A_1347 : f32 to vector<16xf32>
        %mul3A_1349 = arith.mulf %mul3A_1348, %sub3A : vector<16xf32>
        %swap3A = arith.index_cast %scan3A_1063 : i32 to index
        %swap3A_1350 = arith.constant 0 : index
        %swap3A_1351 = tpu.vector_load %arg7[%swap3A, %swap3A_1350] {strides = array<i32>} : memref<128x16xf32, #tpu.memory_space<vmem>>, vector<1x16xf32>,
        %swap3A_1352 = vector.shape_cast %swap3A_1351 : vector<1x16xf32> to vector<16xf32>
        %swap3A_1353 = vector.shape_cast %mul3A_1349 : vector<16xf32> to vector<1x16xf32>
        tpu.vector_store %arg7[%swap3A, %swap3A_1350], %swap3A_1353 {strides = array<i32>} : memref<128x16xf32, #tpu.memory_space<vmem>>, vector<1x16xf32>,
        %scan3A_1354 = arith.constant 0 : i32
        scf.yield %scan3A_1354 : i32
      }
      %scan3A_1056 = arith.constant 128 : i32
      %mul3A_1057 = arith.constant 4 : i32
      %mul3A_1058 = arith.muli %add3A, %mul3A_1057 : i32
      %add3A_1059 = arith.addi %mul3A_1058, %scan3A_7 : i32
      %mul3A_1060 = arith.constant 128 : i32
      %mul3A_1061 = arith.muli %add3A_1059, %mul3A_1060 : i32
      "tpu.region"() ({
        %run_scoped3A = tpu.sem_alloc : memref<!tpu.dma_semaphore, #tpu.memory_space<semaphore_mem>>
        %dma_start3A_1063 = arith.constant 0 : i32
        %dma_start3A_1064 = tpu.memref_slice %arg4[%mul3A_1061, %dma_start3A_1063] : memref<16384x16xf32, #tpu.memory_space<hbm>> -> memref<128x16xf32, #tpu.memory_space<hbm>>
        %dma_start3A_1065 = arith.constant 0 : i32
        %dma_start3A_1066 = tpu.memref_slice %arg4[%mul3A_1061, %dma_start3A_1065] : memref<16384x16xf32, #tpu.memory_space<hbm>> -> memref<128x16xf32, #tpu.memory_space<hbm>>
        tpu.enqueue_dma source(%arg7 : memref<128x16xf32, #tpu.memory_space<vmem>>) target(%dma_start3A_1066 : memref<128x16xf32, #tpu.memory_space<hbm>>) target_semaphore(%run_scoped3A : memref<!tpu.dma_semaphore, #tpu.memory_space<semaphore_mem>>)
        %dma_wait3A_1067 = arith.constant 0 : i32
        %dma_wait3A_1068 = tpu.memref_slice %arg4[%mul3A_1061, %dma_wait3A_1067] : memref<16384x16xf32, #tpu.memory_space<hbm>> -> memref<128x16xf32, #tpu.memory_space<hbm>>
        %dma_wait3A_1069 = arith.constant 0 : i32
        %dma_wait3A_1070 = tpu.memref_slice %arg4[%mul3A_1061, %dma_wait3A_1069] : memref<16384x16xf32, #tpu.memory_space<hbm>> -> memref<128x16xf32, #tpu.memory_space<hbm>>
        tpu.wait_dma2 semaphore(%run_scoped3A : memref<!tpu.dma_semaphore, #tpu.memory_space<semaphore_mem>>) src(%arg7 : memref<128x16xf32, #tpu.memory_space<vmem>>) dst(%dma_wait3A_1070 : memref<128x16xf32, #tpu.memory_space<hbm>>)
        tpu.yield
      }) : () -> ()
      %scan3A_1062 = arith.constant 0 : i32
      scf.yield %scan3A_1062 : i32
    }
    %scan3A_6 = arith.constant 4 : i32
    return
  }
}

module attributes {stable_mosaic.version = 14 : i64} {
  func.func @body(%arg0: i32, %arg1: memref<512x26xf32, #tpu.memory_space<vmem>>, %arg2: memref<512x16xf32, #tpu.memory_space<vmem>>, %arg3: memref<26x64xf32, #tpu.memory_space<vmem>>, %arg4: memref<1x64xf32, #tpu.memory_space<vmem>>, %arg5: memref<64x64xf32, #tpu.memory_space<vmem>>, %arg6: memref<1x64xf32, #tpu.memory_space<vmem>>, %arg7: memref<16x1000xf32, #tpu.memory_space<vmem>>, %arg8: memref<64x1000xf32, #tpu.memory_space<vmem>>, %arg9: memref<1x1000xf32, #tpu.memory_space<vmem>>, %arg10: memref<512x1000xf32, #tpu.memory_space<vmem>>) attributes {dimension_semantics = [#tpu.dimension_semantics<arbitrary>], iteration_bounds = array<i64: 32>, scalar_prefetch = 0 : i64, scratch_operands = 0 : i64, tpu.core_type = #tpu.core_type<tc>, window_params = [{transform_indices = @transform_0, window_bounds = array<i64: 512, 26>}, {transform_indices = @transform_1, window_bounds = array<i64: 512, 16>}, {pipeline_mode = #tpu.pipeline_mode<synchronous>, transform_indices = @transform_2, window_bounds = array<i64: 26, 64>}, {pipeline_mode = #tpu.pipeline_mode<synchronous>, transform_indices = @transform_3, window_bounds = array<i64: 1, 64>}, {pipeline_mode = #tpu.pipeline_mode<synchronous>, transform_indices = @transform_4, window_bounds = array<i64: 64, 64>}, {pipeline_mode = #tpu.pipeline_mode<synchronous>, transform_indices = @transform_5, window_bounds = array<i64: 1, 64>}, {pipeline_mode = #tpu.pipeline_mode<synchronous>, transform_indices = @transform_6, window_bounds = array<i64: 16, 1000>}, {pipeline_mode = #tpu.pipeline_mode<synchronous>, transform_indices = @transform_7, window_bounds = array<i64: 64, 1000>}, {pipeline_mode = #tpu.pipeline_mode<synchronous>, transform_indices = @transform_8, window_bounds = array<i64: 1, 1000>}, {transform_indices = @transform_9, window_bounds = array<i64: 512, 1000>}]} {
    %get3A = arith.constant 0 : index
    %get3A_0 = arith.constant 0 : index
    %get3A_1 = vector.load %arg1[%get3A, %get3A_0] : memref<512x26xf32, #tpu.memory_space<vmem>>, vector<512x26xf32>
    %get3A_2 = arith.constant 0 : index
    %get3A_3 = arith.constant 0 : index
    %get3A_4 = vector.load %arg3[%get3A_2, %get3A_3] : memref<26x64xf32, #tpu.memory_space<vmem>>, vector<26x64xf32>
    %dot_general3A = arith.constant dense<0.000000e+00> : vector<512x64xf32>
    %dot_general3A_5 = tpu.matmul %get3A_1, %get3A_4, %dot_general3A {dimension_numbers = #tpu.dot_dimension_numbers<[1], [0], [0], [1], [0, 0, 1, 1], [], []>, precision = #tpu.contract_precision<fp32>, transpose_lhs_hint = false} : vector<512x26xf32>, vector<26x64xf32>, vector<512x64xf32> -> vector<512x64xf32>
    %get3A_6 = arith.constant 0 : index
    %get3A_7 = arith.constant 0 : index
    %get3A_8 = vector.load %arg4[%get3A_6, %get3A_7] : memref<1x64xf32, #tpu.memory_space<vmem>>, vector<1x64xf32>
    %add3A = vector.broadcast %get3A_8 : vector<1x64xf32> to vector<512x64xf32>
    %add3A_9 = arith.addf %dot_general3A_5, %add3A : vector<512x64xf32>
    %max3A = arith.constant 0.000000e+00 : f32
    %max3A_10 = vector.broadcast %max3A : f32 to vector<512x64xf32>
    %max3A_11 = arith.maximumf %add3A_9, %max3A_10 : vector<512x64xf32>
    %get3A_12 = arith.constant 0 : index
    %get3A_13 = arith.constant 0 : index
    %get3A_14 = vector.load %arg5[%get3A_12, %get3A_13] : memref<64x64xf32, #tpu.memory_space<vmem>>, vector<64x64xf32>
    %dot_general3A_15 = arith.constant dense<0.000000e+00> : vector<512x64xf32>
    %dot_general3A_16 = tpu.matmul %max3A_11, %get3A_14, %dot_general3A_15 {dimension_numbers = #tpu.dot_dimension_numbers<[1], [0], [0], [1], [0, 0, 1, 1], [], []>, precision = #tpu.contract_precision<fp32>, transpose_lhs_hint = false} : vector<512x64xf32>, vector<64x64xf32>, vector<512x64xf32> -> vector<512x64xf32>
    %get3A_17 = arith.constant 0 : index
    %get3A_18 = arith.constant 0 : index
    %get3A_19 = vector.load %arg6[%get3A_17, %get3A_18] : memref<1x64xf32, #tpu.memory_space<vmem>>, vector<1x64xf32>
    %add3A_20 = vector.broadcast %get3A_19 : vector<1x64xf32> to vector<512x64xf32>
    %add3A_21 = arith.addf %dot_general3A_16, %add3A_20 : vector<512x64xf32>
    %max3A_22 = arith.constant 0.000000e+00 : f32
    %max3A_23 = vector.broadcast %max3A_22 : f32 to vector<512x64xf32>
    %max3A_24 = arith.maximumf %add3A_21, %max3A_23 : vector<512x64xf32>
    %get3A_25 = arith.constant 0 : index
    %get3A_26 = arith.constant 0 : index
    %get3A_27 = vector.load %arg2[%get3A_25, %get3A_26] : memref<512x16xf32, #tpu.memory_space<vmem>>, vector<512x16xf32>
    %get3A_28 = arith.constant 0 : index
    %get3A_29 = arith.constant 0 : index
    %get3A_30 = vector.load %arg7[%get3A_28, %get3A_29] : memref<16x1000xf32, #tpu.memory_space<vmem>>, vector<16x1000xf32>
    %dot_general3A_31 = arith.constant dense<0.000000e+00> : vector<512x1000xf32>
    %dot_general3A_32 = tpu.matmul %get3A_27, %get3A_30, %dot_general3A_31 {dimension_numbers = #tpu.dot_dimension_numbers<[1], [0], [0], [1], [0, 0, 1, 1], [], []>, precision = #tpu.contract_precision<fp32>, transpose_lhs_hint = false} : vector<512x16xf32>, vector<16x1000xf32>, vector<512x1000xf32> -> vector<512x1000xf32>
    %get3A_33 = arith.constant 0 : index
    %get3A_34 = arith.constant 0 : index
    %get3A_35 = vector.load %arg8[%get3A_33, %get3A_34] : memref<64x1000xf32, #tpu.memory_space<vmem>>, vector<64x1000xf32>
    %dot_general3A_36 = arith.constant dense<0.000000e+00> : vector<512x1000xf32>
    %dot_general3A_37 = tpu.matmul %max3A_24, %get3A_35, %dot_general3A_36 {dimension_numbers = #tpu.dot_dimension_numbers<[1], [0], [0], [1], [0, 0, 1, 1], [], []>, precision = #tpu.contract_precision<fp32>, transpose_lhs_hint = false} : vector<512x64xf32>, vector<64x1000xf32>, vector<512x1000xf32> -> vector<512x1000xf32>
    %add3A_38 = arith.addf %dot_general3A_32, %dot_general3A_37 : vector<512x1000xf32>
    %get3A_39 = arith.constant 0 : index
    %get3A_40 = arith.constant 0 : index
    %get3A_41 = vector.load %arg9[%get3A_39, %get3A_40] : memref<1x1000xf32, #tpu.memory_space<vmem>>, vector<1x1000xf32>
    %add3A_42 = vector.broadcast %get3A_41 : vector<1x1000xf32> to vector<512x1000xf32>
    %add3A_43 = arith.addf %add3A_38, %add3A_42 : vector<512x1000xf32>
    %swap3A = arith.constant 0 : index
    %swap3A_44 = arith.constant 0 : index
    %swap3A_45 = vector.load %arg10[%swap3A, %swap3A_44] : memref<512x1000xf32, #tpu.memory_space<vmem>>, vector<512x1000xf32>
    tpu.vector_store %arg10[%swap3A, %swap3A_44], %add3A_43 {strides = array<i32>} : memref<512x1000xf32, #tpu.memory_space<vmem>>, vector<512x1000xf32>,
    return
  }
  func.func @transform_0(%arg0: i32) -> (i32, i32) {
    %c0_i32 = arith.constant 0 : i32
    %c0_i32_0 = arith.constant 0 : i32
    return %arg0, %c0_i32 : i32, i32
  }
  func.func @transform_1(%arg0: i32) -> (i32, i32) {
    %c0_i32 = arith.constant 0 : i32
    %c0_i32_0 = arith.constant 0 : i32
    return %arg0, %c0_i32 : i32, i32
  }
  func.func @transform_2(%arg0: i32) -> (i32, i32) {
    %c0_i32 = arith.constant 0 : i32
    %c0_i32_0 = arith.constant 0 : i32
    %c0_i32_1 = arith.constant 0 : i32
    return %c0_i32, %c0_i32_0 : i32, i32
  }
  func.func @transform_3(%arg0: i32) -> (i32, i32) {
    %c0_i32 = arith.constant 0 : i32
    %c0_i32_0 = arith.constant 0 : i32
    %c0_i32_1 = arith.constant 0 : i32
    return %c0_i32, %c0_i32_0 : i32, i32
  }
  func.func @transform_4(%arg0: i32) -> (i32, i32) {
    %c0_i32 = arith.constant 0 : i32
    %c0_i32_0 = arith.constant 0 : i32
    %c0_i32_1 = arith.constant 0 : i32
    return %c0_i32, %c0_i32_0 : i32, i32
  }
  func.func @transform_5(%arg0: i32) -> (i32, i32) {
    %c0_i32 = arith.constant 0 : i32
    %c0_i32_0 = arith.constant 0 : i32
    %c0_i32_1 = arith.constant 0 : i32
    return %c0_i32, %c0_i32_0 : i32, i32
  }
  func.func @transform_6(%arg0: i32) -> (i32, i32) {
    %c0_i32 = arith.constant 0 : i32
    %c0_i32_0 = arith.constant 0 : i32
    %c0_i32_1 = arith.constant 0 : i32
    return %c0_i32, %c0_i32_0 : i32, i32
  }
  func.func @transform_7(%arg0: i32) -> (i32, i32) {
    %c0_i32 = arith.constant 0 : i32
    %c0_i32_0 = arith.constant 0 : i32
    %c0_i32_1 = arith.constant 0 : i32
    return %c0_i32, %c0_i32_0 : i32, i32
  }
  func.func @transform_8(%arg0: i32) -> (i32, i32) {
    %c0_i32 = arith.constant 0 : i32
    %c0_i32_0 = arith.constant 0 : i32
    %c0_i32_1 = arith.constant 0 : i32
    return %c0_i32, %c0_i32_0 : i32, i32
  }
  func.func @transform_9(%arg0: i32) -> (i32, i32) {
    %c0_i32 = arith.constant 0 : i32
    %c0_i32_0 = arith.constant 0 : i32
    return %arg0, %c0_i32 : i32, i32
  }
}

</mosaic_0001>

<sc_bundles>
// kernel: kernel.4.cloned.1.call-start
scs
__scs_entry_jumppad:
0x0: {  	(pc) =	sbr.rel $0x88, $3  }
0x1: {  	(tag) =	ssettag $0x0;
	lr =	simm.s32 $0x1  }
0x2: {  	[smem:$0x3F99] =	sst lr;
	_ =	strace $0xD0000000  }
0x3: {  	_ = 	snop  }
0x4: {  	_ = 	snop  }
0x5: {  	_ = 	snop  }
0x6: {  	_ = 	snop  }
0x7: {  	_ = 	snop  }
__scs_overlays_trampoline_lowered:
0x8: {  	[smem:$0x3FA8] =	sst s0  }
0x9: {  	[smem:$0x3FA9] =	sst s1  }
0xa: {  	[smem:$0x3FAA] =	sst s2  }
0xb: {  	[smem:$0x3FAB] =	sst s3  }
0xc: {  	[smem:$0x3FAC] =	sst s4  }
0xd: {  	[smem:$0x3FAD] =	sst s5  }
0xe: {  	[smem:$0x3FAE] =	sst s6  }
0xf: {  	[smem:$0x3FAF] =	sst s7  }
0x10: {  	[smem:$0x3FB0] =	sst s8  }
0x11: {  	[smem:$0x3FB1] =	sst s9;
	s0 =	simm.s32 @!p0 $0x0  }
0x12: {  	s1 =	sld [smem:$0x3F97];
	s0 =	simm.s32 @p0 $0x1  }
0x13: {  	[smem:$0x3FB2] =	sst s0;
	s0 =	simm.s32 @!p1 $0x0  }
0x14: {  	s2 =	sld [smem:$0x3F96];
	s0 =	simm.s32 @p1 $0x1  }
0x15: {  	[smem:$0x3FB3] =	sst s0;
	s0 =	simm.s32 @!p2 $0x0  }
0x16: {  	s3 =	sld [smem:$0x3FDB];
	s0 =	simm.s32 @p2 $0x1  }
0x17: {  	s4 =	simm.s32 $0x1BF5;
	[smem:$0x3FB5] =	sst s0  }
0x18: {  	s0 =	sld [smem:$0x3F98];
	_ =	swait.ge [sflag:s4], $0x0  }
0x19: {  	s7 =	sld [smem:$0x3F99]  }
0x1a: {  	s8 =	sadd.s32 $0xFFFFE003, lr  }
0x1b: {  	s9 =	sadd.s32 $0xFFFFFEF7, lr;
	s5 =	simm.s32 $0xFFFFFFFF;
	p2 =	slt.u32 s8, $0xFFFFF086  }
0x1c: {  	p1 =	slt.u32 s9, $0xF7A;
	s5 =	simm.s32 @!p2 $0x0  }
0x1d: {  	s5 =	simm.s32 @p1 $0x1;
	p0 =	seq.s32 s7, s2  }
0x1e: {  	s7 =	smul.u32 @!p0 $0xF7A, s2;
	p2 =	seq.s32 @!p0 s5, $0x0  }
0x1f: {  	s9 =	smul.u32 $0xF7A, s1;
	s8 =	simm.s32 @!p0 $0x1BF5;
	p2 =	por !p2, p0  }
0x20: {  	[sflag:s8] =	ssyncset.s32 @!p0 $0xFFFFF086;
	s6 =	sadd.s32 @!p0 s3, s7;
	s7 =	simm.s32 @!p0 $0x108  }
0x21: {  	s3 =	sadd.s32 s3, s9;
	s6 =	sadd.s32 @!p0 $0x88, s6;
	s7 =	simm.s32 @p2 $0x1082  }
0x22: {  	[simem:s7], [sflag:s8] =	dma.local @!p0 [hbm:s6], $0xF7A  }
0x23: {  	s9 =	sor.u32 $0xD0000000, s2;
	s6 =	simm.s32 $0x108;
	_ =	swait.ge @!p0 [sflag:s8], $0x0  }
0x24: {  	s3 =	sadd.s32 $0x88, s3;
	s6 =	simm.s32 @!p1 $0x1082;
	[sflag:s4] =	ssyncset.s32 $0xFFFFF086  }
0x25: {  	[simem:s6], [sflag:s4] =	dma.local [hbm:s3], $0xF7A  }
0x26: {  	[smem:$0x3F99] =	sst s1;
	(tag) =	ssettag s2;
	_ =	strace s9  }
0x27: {  	s1 =	sld [smem:$0x3FA9]  }
0x28: {  	s2 =	sld [smem:$0x3FAA]  }
0x29: {  	s4 =	sld [smem:$0x3FAC]  }
0x2a: {  	p0 =	seq.s32 s5, $0x0;
	s5 =	sld [smem:$0x3FAD]  }
0x2b: {  	s6 =	sld [smem:$0x3FAE]  }
0x2c: {  	s7 =	sld [smem:$0x3FAF]  }
0x2d: {  	s3 =	simm.s32 $0x108;
	s8 =	sld [smem:$0x3FB0]  }
0x2e: {  	s3 =	simm.s32 @!p0 $0x1082;
	s9 =	sld [smem:$0x3FB1]  }
0x2f: {  	lr =	sadd.s32 s0, s3;
	s0 =	sld [smem:$0x3FA8]  }
0x30: {  	s3 =	sld [smem:$0x3FAB]  }
0x31: {  	[smem:$0x3FB4] =	sst s10  }
0x32: {  	s10 =	sld [smem:$0x3FB2];
	_ =	sdelay $0x3  }
0x33: {  	p0 =	seq.s32 s10, $0x1;
	s10 =	sld [smem:$0x3FB4];
	_ =	sdelay $0x3  }
0x34: {  	[smem:$0x3FB4] =	sst s10  }
0x35: {  	s10 =	sld [smem:$0x3FB3];
	_ =	sdelay $0x3  }
0x36: {  	p1 =	seq.s32 s10, $0x1;
	s10 =	sld [smem:$0x3FB4];
	_ =	sdelay $0x3  }
0x37: {  	[smem:$0x3FB4] =	sst s10  }
0x38: {  	s10 =	sld [smem:$0x3FB5]  }
0x39: {  	_ = 	snop;
	(pc) =	sbr.ind lr, $3  }
0x3a: {  	_ = 	snop  }
0x3b: {  	_ = 	snop  }
0x3c: {  	p2 =	seq.s32 s10, $0x1;
	s10 =	sld [smem:$0x3FB4]  }
0x3d: {  	_ =	shalt  }
0x3e: {  	_ =	shalt  }
0x3f: {  	_ =	shalt  }
0x40: {  	_ =	shalt  }
0x41: {  	_ =	shalt  }
0x42: {  	_ =	shalt  }
0x43: {  	_ =	shalt  }
0x44: {  	_ =	shalt  }
0x45: {  	_ =	shalt  }
0x46: {  	_ =	shalt  }
0x47: {  	_ =	shalt  }
0x48: {  	_ =	shalt  }
0x49: {  	_ =	shalt  }
0x4a: {  	_ =	shalt  }
0x4b: {  	_ =	shalt  }
0x4c: {  	_ =	shalt  }
0x4d: {  	_ =	shalt  }
0x4e: {  	_ =	shalt  }
0x4f: {  	_ =	shalt  }
0x50: {  	_ =	shalt  }
0x51: {  	_ =	shalt  }
0x52: {  	_ =	shalt  }
0x53: {  	_ =	shalt  }
0x54: {  	_ =	shalt  }
0x55: {  	_ =	shalt  }
0x56: {  	_ =	shalt  }
0x57: {  	_ =	shalt  }
0x58: {  	_ =	shalt  }
0x59: {  	_ =	shalt  }
0x5a: {  	_ =	shalt  }
0x5b: {  	_ =	shalt  }
0x5c: {  	_ =	shalt  }
0x5d: {  	_ =	shalt  }
0x5e: {  	_ =	shalt  }
0x5f: {  	_ =	shalt  }
0x60: {  	_ =	shalt  }
0x61: {  	_ =	shalt  }
0x62: {  	_ =	shalt  }
0x63: {  	_ =	shalt  }
0x64: {  	_ =	shalt  }
0x65: {  	_ =	shalt  }
0x66: {  	_ =	shalt  }
0x67: {  	_ =	shalt  }
0x68: {  	_ =	shalt  }
0x69: {  	_ =	shalt  }
0x6a: {  	_ =	shalt  }
0x6b: {  	_ =	shalt  }
0x6c: {  	_ =	shalt  }
0x6d: {  	_ =	shalt  }
0x6e: {  	_ =	shalt  }
0x6f: {  	_ =	shalt  }
0x70: {  	_ =	shalt  }
0x71: {  	_ =	shalt  }
0x72: {  	_ =	shalt  }
0x73: {  	_ =	shalt  }
0x74: {  	_ =	shalt  }
0x75: {  	_ =	shalt  }
0x76: {  	_ =	shalt  }
0x77: {  	_ =	shalt  }
0x78: {  	_ =	shalt  }
0x79: {  	_ =	shalt  }
0x7a: {  	_ =	shalt  }
0x7b: {  	_ =	shalt  }
0x7c: {  	_ =	shalt  }
0x7d: {  	_ =	shalt  }
0x7e: {  	_ =	shalt  }
0x7f: {  	_ =	shalt  }
0x80: {  	_ =	shalt  }
0x81: {  	_ =	shalt  }
0x82: {  	_ =	shalt  }
0x83: {  	_ =	shalt  }
0x84: {  	_ =	shalt  }
0x85: {  	_ =	shalt  }
0x86: {  	_ =	shalt  }
0x87: {  	_ =	shalt  }
.Lfunc_end0:
.L_simem_size_0:
called_computation_lowered:
.L_overlay_start_0:
0x88: {  	s2 =	sld [smem:$0x3FD9]  }
0x89: {  	s3 =	sld [smem:$0x3FFE];
	_ =	sdelay $0x1  }
0x8a: {  	s1 =	srdreg.scid  }
0x8b: {  	s0 =	sand.u32 $0x1, s1  }
0x8c: {  	s17 =	sshll.u32 s0, $0xA;
	s2 =	sadd.s32 s3, s2  }
0x8d: {  	s2 =	sadd.s32 s2, s17  }
0x8e: {  	[smem:$0x3FC0] =	sst s2  }
0x8f: {  	_ = 	snop  }
0x90: {  	s2 =	sld [smem:$0x3FD0];
	(tm) =	ssettm $0x1  }
0x91: {  	s18 =	sld [smem:$0x3FFB];
	_ =	sdelay $0x3  }
0x92: {  	_ =	strace s18  }
0x93: {  	s3 =	sld [smem:$0x3FFC];
	_ =	sdelay $0x3  }
0x94: {  	_ =	strace s3  }
0x95: {  	s3 =	sld [smem:$0x3FFD];
	_ =	sdelay $0x3  }
0x96: {  	_ =	strace s3  }
0x97: {  	_ =	strace $0x8FFFFFFF  }
0x98: {  	s19 =	sld [smem:$0x3FDB];
	_ =	sdelay $0x1  }
0x99: {  	s4 =	simm.s32 $_scs_section_size  }
0x9a: {  	s5 =	simm.s32 $_size__tile_overlayer_lowered;
	s6 =	simm.s32 $_tile_overlayer_lowered  }
0x9b: {  	s22 =	simm.s32 $0x1BFF;
	s21 =	sshll.u32 s6, $0x1;
	s3 =	sadd.s32 s4, s19  }
0x9c: {  	s7 =	simm.s32 $0x0;
	s20 =	sshll.u32 s5, $0x1;
	s5 =	sadd.s32 s21, s3  }
0x9d: {  	[timem:s7], [sflag:s22] =	dma.local [hbm:s5], s20  }
0x9e: {  	_ =	swait.ge [sflag:s22], s20  }
0x9f: {  	s4 =	ssub.s32 $0x0, s20;
	[sflag:s22] =	ssyncset.done $0x0  }
0xa0: {  	[sflag:s22] =	ssyncadd.s32 s4;
	_ =	sdelay $0x1  }
0xa1: {  	s23 =	simm.s32 $0x1B8B  }
0xa2: {  	_ =	swait.ge [sflag:s23], $0x1  }
0xa3: {  	[sflag:s23] =	ssyncset.done $0x0  }
0xa4: {  	s25 =	simm.s32 $0x1B8E;
	s24 =	sld [smem:$0x3FFE];
	[sflag:s23] =	ssyncadd.s32 $0xFFFFFFFF  }
0xa5: {  	s26 =	simm.s32 $execute0_lowered;
	[smem:$0x3FD2] =	sst s25  }
0xa6: {  	s5 =	sshll.u32 s26, $0x1;
	_ =	strace $0x80000046;
	[dreg:$0x1] =	wrdreg $0xFFFFFFFF  }
0xa7: {  	s28 =	simm.s32 $_size_execute0_lowered;
	s3 =	sadd.s32 s3, s5;
	[dreg:$0x0] =	wrdreg $0x0  }
0xa8: {  	s5 =	sshll.u32 s28, $0x1;
	[dreg:$0x2] =	wrdreg s3  }
0xa9: {  	[dreg:$0x3] =	wrdreg s5  }
0xaa: {  	[dreg:$0x4] =	wrdreg $0xC0  }
0xab: {  	_ =	task [dreg:s7], $0x5FFFF  }
0xac: {  	[dreg:$0x1] =	wrdreg $0xFFFFFFFF  }
0xad: {  	[dreg:$0x0] =	wrdreg $0x60  }
0xae: {  	[dreg:$0x2] =	wrdreg s24  }
0xaf: {  	[dreg:$0x3] =	wrdreg s2  }
0xb0: {  	[dreg:$0x4] =	wrdreg $0x9  }
0xb1: {  	_ =	task.clear_ibuf [dreg:s7], $0x5FFFF;
	_ =	strace $0x90000046  }
0xb2: {  	s29 =	simm.s32 $0x9;
	_ =	strace $0x80000048  }
0xb3: {  	_ =	swait.ge [sflag:s29], $0x1  }
0xb4: {  	[sflag:s29] =	ssyncadd.s32 $0xFFFFFFFF  }
0xb5: {  	_ =	strace $0x90000048  }
0xb6: {  	_ =	sfence  }
0xb7: {  	s30 =	sld [smem:$0x0];
	_ =	sdelay $0x2  }
0xb8: {  	s31 =	sshll.u32 s1, $0xD;
	s1 =	sshrl.u32 s1, $0x2  }
0xb9: {  	s3 =	sand.u32 $0x4000, s31;
	s1 =	sadd.s32 s1, s30  }
0xba: {  	s0 =	sor.u32 s3, s0;
	s1 =	sshll.u32 s1, $0x11  }
0xbb: {  	s0 =	sor.u32 s1, s0  }
0xbc: {  	s0 =	sadd.s32 $0x8F2B, s0  }
0xbd: {  	[sflag:s0] =	ssyncadd.remote.s32 $0x1  }
0xbe: {  	_ =	sfence.sel $0xFFFF  }
0xbf: {  	[dreg:$0x0] =	wrdreg $0xFFFFFFFF;
	(pc) =	sbr.abs _section_cstart, $3  }
0xc0: {  	[dreg:$0x1] =	wrdreg $0xFFFFFFFF  }
0xc1: {  	_ =	task.clear_ibuf [dreg:s7], $0x2FFFF;
	_ =	strace $0x9FFFFFFF  }
0xc2: {  	(tm) =	ssettm $0x7FFFFFFF  }
0xc3: {  	_ =	shalt  }
tec
execute0_lowered:
.L_overlay_start_1:
0x0: {  	(tag) =	ssettag $0x1  }
0x1: {  	s0 =	rddreg [dreg:$0x0]  }
0x2: {  	s1 =	simm.s32 $0x0;
	s25 =	srdreg.scid;
	s5 =	stileid.u32  }
0x3: {  	s8 =	simm.s32 $0x2;
	s9 =	simm.s32 $0x40;
	s16 =	simm.s32 $0xAC0  }
0x4: {  	s17 =	simm.s32 $0xB900;
	s18 =	simm.s32 $0xB00;
	s19 =	simm.s32 $0xBD00  }
0x5: {  	s20 =	simm.s32 $0xB40;
	s21 =	simm.s32 $0xC100;
	s22 =	simm.s32 $0xB80  }
0x6: {  	s23 =	simm.s32 $0xC500;
	s24 =	simm.s32 $0xBC0;
	s28 =	simm.s32 $0xCD00  }
0x7: {  	s29 =	simm.s32 $0xC40;
	s30 =	simm.s32 $0xD100;
	s31 =	simm.s32 $0xC80  }
0x8: {  	s7 =	simm.s32 $0xD900;
	s11 =	simm.s32 $0x0;
	[smem:$0x7FF] =	sst s1  }
0x9: {  	s1 =	sand.u32 $0x1, s25;
	s4 =	sadd.s32 $0x27AD800, s0;
	s6 =	sshll.u32 s5, $0x3  }
0xa: {  	s5 =	sadd.s32 $0x1400, s0;
	s25 =	simm.s32 $0xC900;
	s2 =	ssub.s32 $0x2, s1  }
0xb: {  	_ =	strace $0x80000047;
	s1 =	sshll.u32 s1, $0x2;
	s3 =	sshrl.u32 s2, $0x1  }
0xc: {  	s6 =	sor.u32 s1, s6;
	s1 =	simm.s32 $0x1;
	s26 =	ssub.s32 s2, s3  }
0xd: {  	s3 =	simm.s32 $0xCC0;
	s2 =	simm.s32 $0xDD00;
	s0 =	smax.u32 s26, $0x1  }
0xe: {  	s26 =	simm.s32 $0xC00;
	[dreg:$0x3] =	wrdreg s0;
	s0 =	simm.s32 $0xD500  }
.LBB2_1:
0xf: {  	[dreg:$0x4] =	wrdreg s11;
	s10 =	simm.s32 $0x0  }
.LBB2_2:
0x10: {  	s11 =	sadd.s32 s6, s10  }
0x11: {  	s12 =	smul.u32 $0x1A0, s11  }
0x12: {  	s13 =	rddreg [dreg:$0x1]  }
0x13: {  	s13 =	sadd.s32 s13, s12;
	s12 =	simm.s32 $0x0  }
0x14: {  	[tilespmem:s12], [sflag:$0x2] =	stream.linear.gather [hbm4b:s13+s12], $0xD00, $0x38;
	[tilespmem:$0xE500] =	vst v63  }
0x15: {  	_ =	swait.ge [sflag:s8], $0xD00  }
0x16: {  	[sflag:s8] =	ssyncset.done $0x0  }
0x17: {  	s15 =	simm.s32 $0xD00;
	[sflag:s8] =	ssyncadd.s32 $0xFFFFF300  }
0x18: {  	[tilespmem:s15], [sflag:$0x1] =	stream.indirect.gather [hbm4b:s4+s9], $0x10, s12, s9, $0xb8;
	[tilespmem:$0xE500] =	vst v63  }
0x19: {  	s14 =	simm.s32 $0x1100  }
0x1a: {  	[tilespmem:s14], [sflag:$0x1] =	stream.indirect.gather [hbm4b:s4+s9], $0x10, s9, s9, $0xb8;
	[tilespmem:$0xE500] =	vst v63  }
0x1b: {  	s15 =	simm.s32 $0x80;
	s14 =	simm.s32 $0x1500  }
0x1c: {  	[tilespmem:s14], [sflag:$0x1] =	stream.indirect.gather [hbm4b:s4+s9], $0x10, s15, s9, $0xb8;
	[tilespmem:$0xE500] =	vst v63  }
0x1d: {  	s14 =	simm.s32 $0xC0;
	s15 =	simm.s32 $0x1900  }
0x1e: {  	[tilespmem:s15], [sflag:$0x1] =	stream.indirect.gather [hbm4b:s4+s9], $0x10, s14, s9, $0xb8;
	[tilespmem:$0xE500] =	vst v63  }
0x1f: {  	s14 =	simm.s32 $0x100;
	s15 =	simm.s32 $0x1D00  }
0x20: {  	[tilespmem:s15], [sflag:$0x1] =	stream.indirect.gather [hbm4b:s4+s9], $0x10, s14, s9, $0xb8;
	[tilespmem:$0xE500] =	vst v63  }
0x21: {  	s14 =	simm.s32 $0x140;
	s15 =	simm.s32 $0x2100  }
0x22: {  	[tilespmem:s15], [sflag:$0x1] =	stream.indirect.gather [hbm4b:s4+s9], $0x10, s14, s9, $0xb8;
	[tilespmem:$0xE500] =	vst v63  }
0x23: {  	s14 =	simm.s32 $0x180;
	s15 =	simm.s32 $0x2500  }
0x24: {  	[tilespmem:s15], [sflag:$0x1] =	stream.indirect.gather [hbm4b:s4+s9], $0x10, s14, s9, $0xb8;
	[tilespmem:$0xE500] =	vst v63  }
0x25: {  	s14 =	simm.s32 $0x1C0;
	s15 =	simm.s32 $0x2900  }
0x26: {  	[tilespmem:s15], [sflag:$0x1] =	stream.indirect.gather [hbm4b:s4+s9], $0x10, s14, s9, $0xb8;
	[tilespmem:$0xE500] =	vst v63  }
0x27: {  	s14 =	simm.s32 $0x200;
	s15 =	simm.s32 $0x2D00  }
0x28: {  	[tilespmem:s15], [sflag:$0x1] =	stream.indirect.gather [hbm4b:s4+s9], $0x10, s14, s9, $0xb8;
	[tilespmem:$0xE500] =	vst v63  }
0x29: {  	s14 =	simm.s32 $0x240;
	s15 =	simm.s32 $0x3100  }
0x2a: {  	[tilespmem:s15], [sflag:$0x1] =	stream.indirect.gather [hbm4b:s4+s9], $0x10, s14, s9, $0xb8;
	[tilespmem:$0xE500] =	vst v63  }
0x2b: {  	s14 =	simm.s32 $0x280;
	s15 =	simm.s32 $0x3500  }
0x2c: {  	[tilespmem:s15], [sflag:$0x1] =	stream.indirect.gather [hbm4b:s4+s9], $0x10, s14, s9, $0xb8;
	[tilespmem:$0xE500] =	vst v63  }
0x2d: {  	s14 =	simm.s32 $0x2C0;
	s15 =	simm.s32 $0x3900  }
0x2e: {  	[tilespmem:s15], [sflag:$0x1] =	stream.indirect.gather [hbm4b:s4+s9], $0x10, s14, s9, $0xb8;
	[tilespmem:$0xE500] =	vst v63  }
0x2f: {  	s14 =	simm.s32 $0x300;
	s15 =	simm.s32 $0x3D00  }
0x30: {  	[tilespmem:s15], [sflag:$0x1] =	stream.indirect.gather [hbm4b:s4+s9], $0x10, s14, s9, $0xb8;
	[tilespmem:$0xE500] =	vst v63  }
0x31: {  	s14 =	simm.s32 $0x340;
	s15 =	simm.s32 $0x4100  }
0x32: {  	[tilespmem:s15], [sflag:$0x1] =	stream.indirect.gather [hbm4b:s4+s9], $0x10, s14, s9, $0xb8;
	[tilespmem:$0xE500] =	vst v63  }
0x33: {  	s14 =	simm.s32 $0x380;
	s15 =	simm.s32 $0x4500  }
0x34: {  	[tilespmem:s15], [sflag:$0x1] =	stream.indirect.gather [hbm4b:s4+s9], $0x10, s14, s9, $0xb8;
	[tilespmem:$0xE500] =	vst v63  }
0x35: {  	s14 =	simm.s32 $0x3C0;
	s15 =	simm.s32 $0x4900  }
0x36: {  	[tilespmem:s15], [sflag:$0x1] =	stream.indirect.gather [hbm4b:s4+s9], $0x10, s14, s9, $0xb8;
	[tilespmem:$0xE500] =	vst v63  }
0x37: {  	s14 =	simm.s32 $0x400;
	s15 =	simm.s32 $0x4D00  }
0x38: {  	[tilespmem:s15], [sflag:$0x1] =	stream.indirect.gather [hbm4b:s4+s9], $0x10, s14, s9, $0xb8;
	[tilespmem:$0xE500] =	vst v63  }
0x39: {  	s14 =	simm.s32 $0x440;
	s15 =	simm.s32 $0x5100  }
0x3a: {  	[tilespmem:s15], [sflag:$0x1] =	stream.indirect.gather [hbm4b:s4+s9], $0x10, s14, s9, $0xb8;
	[tilespmem:$0xE500] =	vst v63  }
0x3b: {  	s14 =	simm.s32 $0x480;
	s15 =	simm.s32 $0x5500  }
0x3c: {  	[tilespmem:s15], [sflag:$0x1] =	stream.indirect.gather [hbm4b:s4+s9], $0x10, s14, s9, $0xb8;
	[tilespmem:$0xE500] =	vst v63  }
0x3d: {  	s14 =	simm.s32 $0x4C0;
	s15 =	simm.s32 $0x5900  }
0x3e: {  	[tilespmem:s15], [sflag:$0x1] =	stream.indirect.gather [hbm4b:s4+s9], $0x10, s14, s9, $0xb8;
	[tilespmem:$0xE500] =	vst v63  }
0x3f: {  	s14 =	simm.s32 $0x500;
	s15 =	simm.s32 $0x5D00  }
0x40: {  	[tilespmem:s15], [sflag:$0x1] =	stream.indirect.gather [hbm4b:s4+s9], $0x10, s14, s9, $0xb8;
	[tilespmem:$0xE500] =	vst v63  }
0x41: {  	s14 =	simm.s32 $0x540;
	s15 =	simm.s32 $0x6100  }
0x42: {  	[tilespmem:s15], [sflag:$0x1] =	stream.indirect.gather [hbm4b:s4+s9], $0x10, s14, s9, $0xb8;
	[tilespmem:$0xE500] =	vst v63  }
0x43: {  	s14 =	simm.s32 $0x580;
	s15 =	simm.s32 $0x6500  }
0x44: {  	[tilespmem:s15], [sflag:$0x1] =	stream.indirect.gather [hbm4b:s4+s9], $0x10, s14, s9, $0xb8;
	[tilespmem:$0xE500] =	vst v63  }
0x45: {  	s14 =	simm.s32 $0x5C0;
	s15 =	simm.s32 $0x6900  }
0x46: {  	[tilespmem:s15], [sflag:$0x1] =	stream.indirect.gather [hbm4b:s4+s9], $0x10, s14, s9, $0xb8;
	[tilespmem:$0xE500] =	vst v63  }
0x47: {  	s14 =	simm.s32 $0x600;
	s15 =	simm.s32 $0x6D00  }
0x48: {  	[tilespmem:s15], [sflag:$0x1] =	stream.indirect.gather [hbm4b:s4+s9], $0x10, s14, s9, $0xb8;
	[tilespmem:$0xE500] =	vst v63  }
0x49: {  	s14 =	simm.s32 $0x640;
	s15 =	simm.s32 $0x7100  }
0x4a: {  	[tilespmem:s15], [sflag:$0x1] =	stream.indirect.gather [hbm4b:s4+s9], $0x10, s14, s9, $0xb8;
	[tilespmem:$0xE500] =	vst v63  }
0x4b: {  	s14 =	simm.s32 $0x680;
	s15 =	simm.s32 $0x7500  }
0x4c: {  	[tilespmem:s15], [sflag:$0x1] =	stream.indirect.gather [hbm4b:s4+s9], $0x10, s14, s9, $0xb8;
	[tilespmem:$0xE500] =	vst v63  }
0x4d: {  	s14 =	simm.s32 $0x6C0;
	s15 =	simm.s32 $0x7900  }
0x4e: {  	[tilespmem:s15], [sflag:$0x1] =	stream.indirect.gather [hbm4b:s4+s9], $0x10, s14, s9, $0xb8;
	[tilespmem:$0xE500] =	vst v63  }
0x4f: {  	s14 =	simm.s32 $0x700;
	s15 =	simm.s32 $0x7D00  }
0x50: {  	[tilespmem:s15], [sflag:$0x1] =	stream.indirect.gather [hbm4b:s4+s9], $0x10, s14, s9, $0xb8;
	[tilespmem:$0xE500] =	vst v63  }
0x51: {  	s14 =	simm.s32 $0x740;
	s15 =	simm.s32 $0x8100  }
0x52: {  	[tilespmem:s15], [sflag:$0x1] =	stream.indirect.gather [hbm4b:s4+s9], $0x10, s14, s9, $0xb8;
	[tilespmem:$0xE500] =	vst v63  }
0x53: {  	s14 =	simm.s32 $0x780;
	s15 =	simm.s32 $0x8500  }
0x54: {  	[tilespmem:s15], [sflag:$0x1] =	stream.indirect.gather [hbm4b:s4+s9], $0x10, s14, s9, $0xb8;
	[tilespmem:$0xE500] =	vst v63  }
0x55: {  	s14 =	simm.s32 $0x7C0;
	s15 =	simm.s32 $0x8900  }
0x56: {  	[tilespmem:s15], [sflag:$0x1] =	stream.indirect.gather [hbm4b:s4+s9], $0x10, s14, s9, $0xb8;
	[tilespmem:$0xE500] =	vst v63  }
0x57: {  	s14 =	simm.s32 $0x800;
	s15 =	simm.s32 $0x8D00  }
0x58: {  	[tilespmem:s15], [sflag:$0x1] =	stream.indirect.gather [hbm4b:s4+s9], $0x10, s14, s9, $0xb8;
	[tilespmem:$0xE500] =	vst v63  }
0x59: {  	s14 =	simm.s32 $0x840;
	s15 =	simm.s32 $0x9100  }
0x5a: {  	[tilespmem:s15], [sflag:$0x1] =	stream.indirect.gather [hbm4b:s4+s9], $0x10, s14, s9, $0xb8;
	[tilespmem:$0xE500] =	vst v63  }
0x5b: {  	s14 =	simm.s32 $0x880;
	s15 =	simm.s32 $0x9500  }
0x5c: {  	[tilespmem:s15], [sflag:$0x1] =	stream.indirect.gather [hbm4b:s4+s9], $0x10, s14, s9, $0xb8;
	[tilespmem:$0xE500] =	vst v63  }
0x5d: {  	s14 =	simm.s32 $0x8C0;
	s15 =	simm.s32 $0x9900  }
0x5e: {  	[tilespmem:s15], [sflag:$0x1] =	stream.indirect.gather [hbm4b:s4+s9], $0x10, s14, s9, $0xb8;
	[tilespmem:$0xE500] =	vst v63  }
0x5f: {  	s14 =	simm.s32 $0x900;
	s15 =	simm.s32 $0x9D00  }
0x60: {  	[tilespmem:s15], [sflag:$0x1] =	stream.indirect.gather [hbm4b:s4+s9], $0x10, s14, s9, $0xb8;
	[tilespmem:$0xE500] =	vst v63  }
0x61: {  	s14 =	simm.s32 $0x940;
	s15 =	simm.s32 $0xA100  }
0x62: {  	[tilespmem:s15], [sflag:$0x1] =	stream.indirect.gather [hbm4b:s4+s9], $0x10, s14, s9, $0xb8;
	[tilespmem:$0xE500] =	vst v63  }
0x63: {  	s14 =	simm.s32 $0x980;
	s15 =	simm.s32 $0xA500  }
0x64: {  	[tilespmem:s15], [sflag:$0x1] =	stream.indirect.gather [hbm4b:s4+s9], $0x10, s14, s9, $0xb8;
	[tilespmem:$0xE500] =	vst v63  }
0x65: {  	s14 =	simm.s32 $0x9C0;
	s15 =	simm.s32 $0xA900  }
0x66: {  	[tilespmem:s15], [sflag:$0x1] =	stream.indirect.gather [hbm4b:s4+s9], $0x10, s14, s9, $0xb8;
	[tilespmem:$0xE500] =	vst v63  }
0x67: {  	s14 =	simm.s32 $0xA00;
	s15 =	simm.s32 $0xAD00  }
0x68: {  	[tilespmem:s15], [sflag:$0x1] =	stream.indirect.gather [hbm4b:s4+s9], $0x10, s14, s9, $0xb8;
	[tilespmem:$0xE500] =	vst v63  }
0x69: {  	s14 =	simm.s32 $0xA40;
	s15 =	simm.s32 $0xB100  }
0x6a: {  	[tilespmem:s15], [sflag:$0x1] =	stream.indirect.gather [hbm4b:s4+s9], $0x10, s14, s9, $0xb8;
	[tilespmem:$0xE500] =	vst v63  }
0x6b: {  	s14 =	simm.s32 $0xA80;
	s15 =	simm.s32 $0xB500  }
0x6c: {  	[tilespmem:s15], [sflag:$0x1] =	stream.indirect.gather [hbm4b:s4+s9], $0x10, s14, s9, $0xb8;
	[tilespmem:$0xE500] =	vst v63  }
0x6d: {  	_ = 	snop  }
0x6e: {  	[tilespmem:s17], [sflag:$0x1] =	stream.indirect.gather [hbm4b:s4+s9], $0x10, s16, s9, $0xb8;
	[tilespmem:$0xE500] =	vst v63  }
0x6f: {  	_ = 	snop  }
0x70: {  	[tilespmem:s19], [sflag:$0x1] =	stream.indirect.gather [hbm4b:s4+s9], $0x10, s18, s9, $0xb8;
	[tilespmem:$0xE500] =	vst v63  }
0x71: {  	_ = 	snop  }
0x72: {  	[tilespmem:s21], [sflag:$0x1] =	stream.indirect.gather [hbm4b:s4+s9], $0x10, s20, s9, $0xb8;
	[tilespmem:$0xE500] =	vst v63  }
0x73: {  	_ = 	snop  }
0x74: {  	[tilespmem:s23], [sflag:$0x1] =	stream.indirect.gather [hbm4b:s4+s9], $0x10, s22, s9, $0xb8;
	[tilespmem:$0xE500] =	vst v63  }
0x75: {  	_ = 	snop  }
0x76: {  	[tilespmem:s25], [sflag:$0x1] =	stream.indirect.gather [hbm4b:s4+s9], $0x10, s24, s9, $0xb8;
	[tilespmem:$0xE500] =	vst v63  }
0x77: {  	_ = 	snop  }
0x78: {  	[tilespmem:s28], [sflag:$0x1] =	stream.indirect.gather [hbm4b:s4+s9], $0x10, s26, s9, $0xb8;
	[tilespmem:$0xE500] =	vst v63  }
0x79: {  	_ = 	snop  }
0x7a: {  	[tilespmem:s30], [sflag:$0x1] =	stream.indirect.gather [hbm4b:s4+s9], $0x10, s29, s9, $0xb8;
	[tilespmem:$0xE500] =	vst v63  }
0x7b: {  	_ = 	snop  }
0x7c: {  	[tilespmem:s0], [sflag:$0x1] =	stream.indirect.gather [hbm4b:s4+s9], $0x10, s31, s9, $0xb8;
	[tilespmem:$0xE500] =	vst v63  }
0x7d: {  	_ = 	snop  }
0x7e: {  	[tilespmem:s7], [sflag:$0x1] =	stream.indirect.gather [hbm4b:s4+s9], $0x10, s3, s9, $0xb8;
	[tilespmem:$0xE500] =	vst v63  }
0x7f: {  	_ =	swait.ge [sflag:s1], $0x400  }
0x80: {  	[sflag:s1] =	ssyncset.done $0x0  }
0x81: {  	[sflag:s1] =	ssyncadd.s32 $0xFFFFFC00  }
0x82: {  	_ =	swait.ge [sflag:s1], $0x400  }
0x83: {  	[sflag:s1] =	ssyncset.done $0x0  }
0x84: {  	[sflag:s1] =	ssyncadd.s32 $0xFFFFFC00  }
0x85: {  	_ =	swait.ge [sflag:s1], $0x400  }
0x86: {  	[sflag:s1] =	ssyncset.done $0x0  }
0x87: {  	[sflag:s1] =	ssyncadd.s32 $0xFFFFFC00  }
0x88: {  	_ =	swait.ge [sflag:s1], $0x400  }
0x89: {  	[sflag:s1] =	ssyncset.done $0x0  }
0x8a: {  	[sflag:s1] =	ssyncadd.s32 $0xFFFFFC00  }
0x8b: {  	_ =	swait.ge [sflag:s1], $0x400  }
0x8c: {  	[sflag:s1] =	ssyncset.done $0x0  }
0x8d: {  	[sflag:s1] =	ssyncadd.s32 $0xFFFFFC00  }
0x8e: {  	_ =	swait.ge [sflag:s1], $0x400  }
0x8f: {  	[sflag:s1] =	ssyncset.done $0x0  }
0x90: {  	[sflag:s1] =	ssyncadd.s32 $0xFFFFFC00  }
0x91: {  	_ =	swait.ge [sflag:s1], $0x400  }
0x92: {  	[sflag:s1] =	ssyncset.done $0x0  }
0x93: {  	[sflag:s1] =	ssyncadd.s32 $0xFFFFFC00  }
0x94: {  	_ =	swait.ge [sflag:s1], $0x400  }
0x95: {  	[sflag:s1] =	ssyncset.done $0x0  }
0x96: {  	[sflag:s1] =	ssyncadd.s32 $0xFFFFFC00  }
0x97: {  	_ =	swait.ge [sflag:s1], $0x400  }
0x98: {  	[sflag:s1] =	ssyncset.done $0x0  }
0x99: {  	[sflag:s1] =	ssyncadd.s32 $0xFFFFFC00  }
0x9a: {  	_ =	swait.ge [sflag:s1], $0x400  }
0x9b: {  	[sflag:s1] =	ssyncset.done $0x0  }
0x9c: {  	[sflag:s1] =	ssyncadd.s32 $0xFFFFFC00  }
0x9d: {  	_ =	swait.ge [sflag:s1], $0x400  }
0x9e: {  	[sflag:s1] =	ssyncset.done $0x0  }
0x9f: {  	[sflag:s1] =	ssyncadd.s32 $0xFFFFFC00  }
0xa0: {  	_ =	swait.ge [sflag:s1], $0x400  }
0xa1: {  	[sflag:s1] =	ssyncset.done $0x0  }
0xa2: {  	[sflag:s1] =	ssyncadd.s32 $0xFFFFFC00  }
0xa3: {  	_ =	swait.ge [sflag:s1], $0x400  }
0xa4: {  	[sflag:s1] =	ssyncset.done $0x0  }
0xa5: {  	[sflag:s1] =	ssyncadd.s32 $0xFFFFFC00  }
0xa6: {  	_ =	swait.ge [sflag:s1], $0x400  }
0xa7: {  	[sflag:s1] =	ssyncset.done $0x0  }
0xa8: {  	[sflag:s1] =	ssyncadd.s32 $0xFFFFFC00  }
0xa9: {  	_ =	swait.ge [sflag:s1], $0x400  }
0xaa: {  	[sflag:s1] =	ssyncset.done $0x0  }
0xab: {  	[sflag:s1] =	ssyncadd.s32 $0xFFFFFC00  }
0xac: {  	_ =	swait.ge [sflag:s1], $0x400  }
0xad: {  	[sflag:s1] =	ssyncset.done $0x0  }
0xae: {  	[sflag:s1] =	ssyncadd.s32 $0xFFFFFC00  }
0xaf: {  	_ =	swait.ge [sflag:s1], $0x400  }
0xb0: {  	[sflag:s1] =	ssyncset.done $0x0  }
0xb1: {  	[sflag:s1] =	ssyncadd.s32 $0xFFFFFC00  }
0xb2: {  	_ =	swait.ge [sflag:s1], $0x400  }
0xb3: {  	[sflag:s1] =	ssyncset.done $0x0  }
0xb4: {  	[sflag:s1] =	ssyncadd.s32 $0xFFFFFC00  }
0xb5: {  	_ =	swait.ge [sflag:s1], $0x400  }
0xb6: {  	[sflag:s1] =	ssyncset.done $0x0  }
0xb7: {  	[sflag:s1] =	ssyncadd.s32 $0xFFFFFC00  }
0xb8: {  	_ =	swait.ge [sflag:s1], $0x400  }
0xb9: {  	[sflag:s1] =	ssyncset.done $0x0  }
0xba: {  	[sflag:s1] =	ssyncadd.s32 $0xFFFFFC00  }
0xbb: {  	_ =	swait.ge [sflag:s1], $0x400  }
0xbc: {  	[sflag:s1] =	ssyncset.done $0x0  }
0xbd: {  	[sflag:s1] =	ssyncadd.s32 $0xFFFFFC00  }
0xbe: {  	_ =	swait.ge [sflag:s1], $0x400  }
0xbf: {  	[sflag:s1] =	ssyncset.done $0x0  }
0xc0: {  	[sflag:s1] =	ssyncadd.s32 $0xFFFFFC00  }
0xc1: {  	_ =	swait.ge [sflag:s1], $0x400  }
0xc2: {  	[sflag:s1] =	ssyncset.done $0x0  }
0xc3: {  	[sflag:s1] =	ssyncadd.s32 $0xFFFFFC00  }
0xc4: {  	_ =	swait.ge [sflag:s1], $0x400  }
0xc5: {  	[sflag:s1] =	ssyncset.done $0x0  }
0xc6: {  	[sflag:s1] =	ssyncadd.s32 $0xFFFFFC00  }
0xc7: {  	_ =	swait.ge [sflag:s1], $0x400  }
0xc8: {  	[sflag:s1] =	ssyncset.done $0x0  }
0xc9: {  	[sflag:s1] =	ssyncadd.s32 $0xFFFFFC00  }
0xca: {  	_ =	swait.ge [sflag:s1], $0x400  }
0xcb: {  	[sflag:s1] =	ssyncset.done $0x0  }
0xcc: {  	[sflag:s1] =	ssyncadd.s32 $0xFFFFFC00  }
0xcd: {  	_ =	swait.ge [sflag:s1], $0x400  }
0xce: {  	[sflag:s1] =	ssyncset.done $0x0  }
0xcf: {  	[sflag:s1] =	ssyncadd.s32 $0xFFFFFC00  }
0xd0: {  	_ =	swait.ge [sflag:s1], $0x400  }
0xd1: {  	[sflag:s1] =	ssyncset.done $0x0  }
0xd2: {  	[sflag:s1] =	ssyncadd.s32 $0xFFFFFC00  }
0xd3: {  	_ =	swait.ge [sflag:s1], $0x400  }
0xd4: {  	[sflag:s1] =	ssyncset.done $0x0  }
0xd5: {  	[sflag:s1] =	ssyncadd.s32 $0xFFFFFC00  }
0xd6: {  	_ =	swait.ge [sflag:s1], $0x400  }
0xd7: {  	[sflag:s1] =	ssyncset.done $0x0  }
0xd8: {  	[sflag:s1] =	ssyncadd.s32 $0xFFFFFC00  }
0xd9: {  	_ =	swait.ge [sflag:s1], $0x400  }
0xda: {  	[sflag:s1] =	ssyncset.done $0x0  }
0xdb: {  	[sflag:s1] =	ssyncadd.s32 $0xFFFFFC00  }
0xdc: {  	_ =	swait.ge [sflag:s1], $0x400  }
0xdd: {  	[sflag:s1] =	ssyncset.done $0x0  }
0xde: {  	[sflag:s1] =	ssyncadd.s32 $0xFFFFFC00  }
0xdf: {  	_ =	swait.ge [sflag:s1], $0x400  }
0xe0: {  	[sflag:s1] =	ssyncset.done $0x0  }
0xe1: {  	[sflag:s1] =	ssyncadd.s32 $0xFFFFFC00  }
0xe2: {  	_ =	swait.ge [sflag:s1], $0x400  }
0xe3: {  	[sflag:s1] =	ssyncset.done $0x0  }
0xe4: {  	[sflag:s1] =	ssyncadd.s32 $0xFFFFFC00  }
0xe5: {  	_ =	swait.ge [sflag:s1], $0x400  }
0xe6: {  	[sflag:s1] =	ssyncset.done $0x0  }
0xe7: {  	[sflag:s1] =	ssyncadd.s32 $0xFFFFFC00  }
0xe8: {  	_ =	swait.ge [sflag:s1], $0x400  }
0xe9: {  	[sflag:s1] =	ssyncset.done $0x0  }
0xea: {  	[sflag:s1] =	ssyncadd.s32 $0xFFFFFC00  }
0xeb: {  	_ =	swait.ge [sflag:s1], $0x400  }
0xec: {  	[sflag:s1] =	ssyncset.done $0x0  }
0xed: {  	[sflag:s1] =	ssyncadd.s32 $0xFFFFFC00  }
0xee: {  	_ =	swait.ge [sflag:s1], $0x400  }
0xef: {  	[sflag:s1] =	ssyncset.done $0x0  }
0xf0: {  	[sflag:s1] =	ssyncadd.s32 $0xFFFFFC00  }
0xf1: {  	_ =	swait.ge [sflag:s1], $0x400  }
0xf2: {  	[sflag:s1] =	ssyncset.done $0x0  }
0xf3: {  	[sflag:s1] =	ssyncadd.s32 $0xFFFFFC00  }
0xf4: {  	_ =	swait.ge [sflag:s1], $0x400  }
0xf5: {  	[sflag:s1] =	ssyncset.done $0x0  }
0xf6: {  	[sflag:s1] =	ssyncadd.s32 $0xFFFFFC00  }
0xf7: {  	_ =	swait.ge [sflag:s1], $0x400  }
0xf8: {  	[sflag:s1] =	ssyncset.done $0x0  }
0xf9: {  	[sflag:s1] =	ssyncadd.s32 $0xFFFFFC00  }
0xfa: {  	_ =	swait.ge [sflag:s1], $0x400  }
0xfb: {  	[sflag:s1] =	ssyncset.done $0x0  }
0xfc: {  	[sflag:s1] =	ssyncadd.s32 $0xFFFFFC00  }
0xfd: {  	_ =	swait.ge [sflag:s1], $0x400  }
0xfe: {  	[sflag:s1] =	ssyncset.done $0x0  }
0xff: {  	[sflag:s1] =	ssyncadd.s32 $0xFFFFFC00  }
0x100: {  	_ =	swait.ge [sflag:s1], $0x400  }
0x101: {  	[sflag:s1] =	ssyncset.done $0x0  }
0x102: {  	[sflag:s1] =	ssyncadd.s32 $0xFFFFFC00  }
0x103: {  	_ =	swait.ge [sflag:s1], $0x400  }
0x104: {  	[sflag:s1] =	ssyncset.done $0x0  }
0x105: {  	[sflag:s1] =	ssyncadd.s32 $0xFFFFFC00  }
0x106: {  	_ =	swait.ge [sflag:s1], $0x400  }
0x107: {  	[sflag:s1] =	ssyncset.done $0x0  }
0x108: {  	[sflag:s1] =	ssyncadd.s32 $0xFFFFFC00  }
0x109: {  	_ =	swait.ge [sflag:s1], $0x400  }
0x10a: {  	[sflag:s1] =	ssyncset.done $0x0  }
0x10b: {  	[sflag:s1] =	ssyncadd.s32 $0xFFFFFC00  }
0x10c: {  	_ =	swait.ge [sflag:s1], $0x400  }
0x10d: {  	[sflag:s1] =	ssyncset.done $0x0  }
0x10e: {  	[sflag:s1] =	ssyncadd.s32 $0xFFFFFC00  }
0x10f: {  	_ =	swait.ge [sflag:s1], $0x400  }
0x110: {  	[sflag:s1] =	ssyncset.done $0x0  }
0x111: {  	[sflag:s1] =	ssyncadd.s32 $0xFFFFFC00  }
0x112: {  	_ =	swait.ge [sflag:s1], $0x400  }
0x113: {  	[sflag:s1] =	ssyncset.done $0x0  }
0x114: {  	[sflag:s1] =	ssyncadd.s32 $0xFFFFFC00  }
0x115: {  	_ =	swait.ge [sflag:s1], $0x400  }
0x116: {  	[sflag:s1] =	ssyncset.done $0x0  }
0x117: {  	[sflag:s1] =	ssyncadd.s32 $0xFFFFFC00  }
0x118: {  	_ =	swait.ge [sflag:s1], $0x400  }
0x119: {  	[sflag:s1] =	ssyncset.done $0x0  }
0x11a: {  	s13 =	simm.s32 $0xDD0;
	[sflag:s1] =	ssyncadd.s32 $0xFFFFFC00  }
0x11b: {  	v0 =	vld [tilespmem:s13+$0xFFFFFF30]  }
0x11c: {  	s14 =	simm.s32 $0x40;
	v1 =	vld [tilespmem:s13+$0xFFFFFF40]  }
.LBB2_3:
0x11d: {  	p0 =	sne.s32 s14, $0x1FC0  }
0x11e: {  	v2 =	vld [tilespmem:s13+$0xFFFFFF50];
	_ =	sdelay $0x1  }
0x11f: {  	v3 =	vld [tilespmem:s13+$0xFFFFFF60]  }
0x120: {  	v4 =	vmul.f32 v0, v0;
	v0 =	vadd.f32 v1, v0;
	v1 =	vmul.f32 v1, v1  }
0x121: {  	v5 =	vld [tilespmem:s13+$0xFFFFFF70]  }
0x122: {  	v1 =	vadd.f32 v1, v4;
	v0 =	vadd.f32 v2, v0;
	v2 =	vmul.f32 v2, v2  }
0x123: {  	v4 =	vld [tilespmem:s13+$0xFFFFFF80]  }
0x124: {  	v1 =	vadd.f32 v2, v1;
	v0 =	vadd.f32 v3, v0;
	v2 =	vmul.f32 v3, v3  }
0x125: {  	v3 =	vld [tilespmem:s13+$0xFFFFFF90]  }
0x126: {  	v1 =	vadd.f32 v2, v1;
	v0 =	vadd.f32 v5, v0;
	v2 =	vmul.f32 v5, v5  }
0x127: {  	v5 =	vld [tilespmem:s13+$0xFFFFFFA0]  }
0x128: {  	v1 =	vadd.f32 v2, v1;
	v0 =	vadd.f32 v4, v0;
	v2 =	vmul.f32 v4, v4  }
0x129: {  	v4 =	vld [tilespmem:s13+$0xFFFFFFB0]  }
0x12a: {  	v1 =	vadd.f32 v2, v1;
	v0 =	vadd.f32 v3, v0;
	v2 =	vmul.f32 v3, v3  }
0x12b: {  	v3 =	vld [tilespmem:s13+$0xFFFFFFC0]  }
0x12c: {  	v1 =	vadd.f32 v2, v1;
	v0 =	vadd.f32 v5, v0;
	v2 =	vmul.f32 v5, v5  }
0x12d: {  	v5 =	vld [tilespmem:s13+$0xFFFFFFD0]  }
0x12e: {  	v1 =	vadd.f32 v2, v1;
	v0 =	vadd.f32 v4, v0;
	v2 =	vmul.f32 v4, v4  }
0x12f: {  	v4 =	vld [tilespmem:s13+$0xFFFFFFE0]  }
0x130: {  	v1 =	vadd.f32 v2, v1;
	v0 =	vadd.f32 v3, v0;
	v2 =	vmul.f32 v3, v3  }
0x131: {  	v3 =	vld [tilespmem:s13+$0xFFFFFFF0]  }
0x132: {  	v1 =	vadd.f32 v2, v1;
	v0 =	vadd.f32 v5, v0;
	v2 =	vmul.f32 v5, v5  }
0x133: {  	v5 =	vld [tilespmem:s13+$0x0]  }
0x134: {  	v1 =	vadd.f32 v2, v1;
	v0 =	vadd.f32 v4, v0;
	v2 =	vmul.f32 v4, v4  }
0x135: {  	v4 =	vld [tilespmem:s13+$0x10]  }
0x136: {  	v1 =	vadd.f32 v2, v1;
	v0 =	vadd.f32 v3, v0;
	v2 =	vmul.f32 v3, v3  }
0x137: {  	v3 =	vld [tilespmem:s13+$0x20]  }
0x138: {  	v1 =	vadd.f32 v2, v1;
	v0 =	vadd.f32 v5, v0;
	v2 =	vmul.f32 v5, v5  }
0x139: {  	v5 =	vld [tilespmem:s13+$0x30]  }
0x13a: {  	v1 =	vadd.f32 v2, v1;
	v0 =	vadd.f32 v4, v0;
	v2 =	vmul.f32 v4, v4  }
0x13b: {  	v4 =	vld [tilespmem:s13+$0x40]  }
0x13c: {  	v1 =	vadd.f32 v2, v1;
	v0 =	vadd.f32 v3, v0;
	v2 =	vmul.f32 v3, v3  }
0x13d: {  	v3 =	vld [tilespmem:s13+$0x50]  }
0x13e: {  	v1 =	vadd.f32 v2, v1;
	v0 =	vadd.f32 v5, v0;
	v2 =	vmul.f32 v5, v5  }
0x13f: {  	v5 =	vld [tilespmem:s13+$0x60]  }
0x140: {  	v1 =	vadd.f32 v2, v1;
	v0 =	vadd.f32 v4, v0;
	v2 =	vmul.f32 v4, v4  }
0x141: {  	v4 =	vld [tilespmem:s13+$0x70]  }
0x142: {  	v1 =	vadd.f32 v2, v1;
	v0 =	vadd.f32 v3, v0;
	v2 =	vmul.f32 v3, v3  }
0x143: {  	v3 =	vld [tilespmem:s13+$0x80]  }
0x144: {  	v1 =	vadd.f32 v2, v1;
	v0 =	vadd.f32 v5, v0;
	v2 =	vmul.f32 v5, v5  }
0x145: {  	v5 =	vld [tilespmem:s13+$0x90]  }
0x146: {  	v1 =	vadd.f32 v2, v1;
	v0 =	vadd.f32 v4, v0;
	v2 =	vmul.f32 v4, v4  }
0x147: {  	v4 =	vld [tilespmem:s13+$0xA0]  }
0x148: {  	v1 =	vadd.f32 v2, v1;
	v0 =	vadd.f32 v3, v0;
	v2 =	vmul.f32 v3, v3  }
0x149: {  	v3 =	vld [tilespmem:s13+$0xB0]  }
0x14a: {  	v1 =	vadd.f32 v2, v1;
	v0 =	vadd.f32 v5, v0;
	v2 =	vmul.f32 v5, v5  }
0x14b: {  	v5 =	vld [tilespmem:s13+$0xC0]  }
0x14c: {  	v1 =	vadd.f32 v2, v1;
	v0 =	vadd.f32 v4, v0;
	v2 =	vmul.f32 v4, v4;
	_ =	sdelay $0x1  }
0x14d: {  	v1 =	vadd.f32 v2, v1;
	v0 =	vadd.f32 v3, v0;
	v2 =	vmul.f32 v3, v3;
	_ =	sdelay $0x1  }
0x14e: {  	v1 =	vadd.f32 v2, v1;
	v0 =	vadd.f32 v5, v0;
	v2 =	vmul.f32 v5, v5;
	_ =	sdelay $0x1  }
0x14f: {  	v1 =	vadd.f32 v2, v1;
	v0 =	vmul.f32 v0, v0;
	_ =	sdelay $0x1  }
0x150: {  	v0 =	vsub.f32 v0, v1;
	_ =	sdelay $0x1  }
.Ltmp0:
0x151: {  	v0 =	vmul.f32 $5.000000000e-01, v0;
	(pc) =	sbr.rel @p0 .LBB2_3-.Ltmp0, $4  }
0x152: {  	s15 =	sshra.s32 s12, $0x2;
	s12 =	smov.u32 s14  }
0x153: {  	s13 =	sadd.s32 $0x1A0, s13;
	[tilespmem:s15+$0xDD00] =	vst v0  }
0x154: {  	v0 =	vld [tilespmem:s13+$0xFFFFFF30]  }
0x155: {  	s14 =	sadd.s32 $0x40, s14;
	v1 =	vld [tilespmem:s13+$0xFFFFFF40]  }
0x156: {  	_ = 	snop  }
0x157: {  	v2 =	vld [tilespmem:s13+$0xFFFFFF50];
	_ =	sdelay $0x1  }
0x158: {  	v3 =	vld [tilespmem:s13+$0xFFFFFF60]  }
0x159: {  	v4 =	vmul.f32 v0, v0;
	v18 =	vadd.f32 v1, v0;
	v19 =	vmul.f32 v1, v1  }
0x15a: {  	v5 =	vld [tilespmem:s13+$0xFFFFFF70]  }
0x15b: {  	v1 =	vadd.f32 v19, v4;
	v0 =	vadd.f32 v2, v18;
	v2 =	vmul.f32 v2, v2  }
0x15c: {  	v20 =	vld [tilespmem:s13+$0xFFFFFF80]  }
0x15d: {  	v21 =	vmul.f32 v3, v3;
	v1 =	vadd.f32 v2, v1;
	v0 =	vadd.f32 v3, v0  }
0x15e: {  	v22 =	vld [tilespmem:s13+$0xFFFFFF90]  }
0x15f: {  	v23 =	vmul.f32 v5, v5;
	v1 =	vadd.f32 v21, v1;
	v0 =	vadd.f32 v5, v0  }
0x160: {  	v24 =	vld [tilespmem:s13+$0xFFFFFFA0]  }
0x161: {  	v25 =	vmul.f32 v20, v20;
	v1 =	vadd.f32 v23, v1;
	v0 =	vadd.f32 v20, v0  }
0x162: {  	v26 =	vld [tilespmem:s13+$0xFFFFFFB0]  }
0x163: {  	v27 =	vmul.f32 v22, v22;
	v1 =	vadd.f32 v25, v1;
	v0 =	vadd.f32 v22, v0  }
0x164: {  	v28 =	vld [tilespmem:s13+$0xFFFFFFC0]  }
0x165: {  	v29 =	vmul.f32 v24, v24;
	v1 =	vadd.f32 v27, v1;
	v0 =	vadd.f32 v24, v0  }
0x166: {  	v30 =	vld [tilespmem:s13+$0xFFFFFFD0]  }
0x167: {  	v31 =	vmul.f32 v26, v26;
	v1 =	vadd.f32 v29, v1;
	v0 =	vadd.f32 v26, v0  }
0x168: {  	v32 =	vld [tilespmem:s13+$0xFFFFFFE0]  }
0x169: {  	v33 =	vmul.f32 v28, v28;
	v1 =	vadd.f32 v31, v1;
	v0 =	vadd.f32 v28, v0  }
0x16a: {  	v34 =	vld [tilespmem:s13+$0xFFFFFFF0]  }
0x16b: {  	v35 =	vmul.f32 v30, v30;
	v1 =	vadd.f32 v33, v1;
	v0 =	vadd.f32 v30, v0  }
0x16c: {  	v36 =	vld [tilespmem:s13+$0x0]  }
0x16d: {  	v37 =	vmul.f32 v32, v32;
	v1 =	vadd.f32 v35, v1;
	v0 =	vadd.f32 v32, v0  }
0x16e: {  	v38 =	vld [tilespmem:s13+$0x10]  }
0x16f: {  	v39 =	vmul.f32 v34, v34;
	v1 =	vadd.f32 v37, v1;
	v0 =	vadd.f32 v34, v0  }
0x170: {  	v40 =	vld [tilespmem:s13+$0x20]  }
0x171: {  	v41 =	vmul.f32 v36, v36;
	v1 =	vadd.f32 v39, v1;
	v0 =	vadd.f32 v36, v0  }
0x172: {  	v42 =	vld [tilespmem:s13+$0x30]  }
0x173: {  	v43 =	vmul.f32 v38, v38;
	v1 =	vadd.f32 v41, v1;
	v0 =	vadd.f32 v38, v0  }
0x174: {  	v44 =	vld [tilespmem:s13+$0x40]  }
0x175: {  	v45 =	vmul.f32 v40, v40;
	v1 =	vadd.f32 v43, v1;
	v0 =	vadd.f32 v40, v0  }
0x176: {  	v46 =	vld [tilespmem:s13+$0x50]  }
0x177: {  	v47 =	vmul.f32 v42, v42;
	v1 =	vadd.f32 v45, v1;
	v0 =	vadd.f32 v42, v0  }
0x178: {  	v48 =	vld [tilespmem:s13+$0x60]  }
0x179: {  	v49 =	vmul.f32 v44, v44;
	v1 =	vadd.f32 v47, v1;
	v0 =	vadd.f32 v44, v0  }
0x17a: {  	v50 =	vld [tilespmem:s13+$0x70]  }
0x17b: {  	v51 =	vmul.f32 v46, v46;
	v1 =	vadd.f32 v49, v1;
	v0 =	vadd.f32 v46, v0  }
0x17c: {  	v52 =	vld [tilespmem:s13+$0x80]  }
0x17d: {  	v53 =	vmul.f32 v48, v48;
	v1 =	vadd.f32 v51, v1;
	v0 =	vadd.f32 v48, v0  }
0x17e: {  	v54 =	vld [tilespmem:s13+$0x90]  }
0x17f: {  	v55 =	vmul.f32 v50, v50;
	v1 =	vadd.f32 v53, v1;
	v0 =	vadd.f32 v50, v0  }
0x180: {  	v56 =	vld [tilespmem:s13+$0xA0]  }
0x181: {  	v57 =	vmul.f32 v52, v52;
	v1 =	vadd.f32 v55, v1;
	v0 =	vadd.f32 v52, v0  }
0x182: {  	v58 =	vld [tilespmem:s13+$0xB0]  }
0x183: {  	v59 =	vmul.f32 v54, v54;
	v1 =	vadd.f32 v57, v1;
	v0 =	vadd.f32 v54, v0  }
0x184: {  	v60 =	vld [tilespmem:s13+$0xC0]  }
0x185: {  	v61 =	vmul.f32 v56, v56;
	v1 =	vadd.f32 v59, v1;
	v0 =	vadd.f32 v56, v0;
	_ =	sdelay $0x1  }
0x186: {  	v62 =	vmul.f32 v58, v58;
	v1 =	vadd.f32 v61, v1;
	v0 =	vadd.f32 v58, v0;
	_ =	sdelay $0x1  }
0x187: {  	v63 =	vmul.f32 v60, v60;
	v1 =	vadd.f32 v62, v1;
	v0 =	vadd.f32 v60, v0;
	_ =	sdelay $0x1  }
0x188: {  	v1 =	vadd.f32 v63, v1;
	v0 =	vmul.f32 v0, v0;
	_ =	sdelay $0x1  }
0x189: {  	v0 =	vsub.f32 v0, v1;
	_ =	sdelay $0x1  }
0x18a: {  	s10 =	sadd.s32 $0x1, s10;
	v0 =	vmul.f32 $5.000000000e-01, v0  }
0x18b: {  	s12 =	sshra.s32 s12, $0x2;
	s11 =	sshll.u32 s11, $0x8;
	p0 =	sne.s32 s10, $0x4  }
.Ltmp1:
0x18c: {  	s15 =	simm.s32 $0x0;
	s11 =	sadd.s32 s5, s11;
	[tilespmem:s12+$0xDD00] =	vst v0;
	(pc) =	sbr.rel @p0 .LBB2_2-.Ltmp1, $4  }
0x18d: {  	[hbm4b:s11+s15] =	stream.linear.scatter [tilespmem:s2], [sflag:$0x2], $0x800, $0x38;
	[tilespmem:$0xE500] =	vst v63  }
0x18e: {  	_ =	swait.ge [sflag:s8], $0x800  }
0x18f: {  	[sflag:s8] =	ssyncset.done $0x0  }
0x190: {  	[sflag:s8] =	ssyncadd.s32 $0xFFFFF800  }
0x191: {  	s11 =	rddreg [dreg:$0x4]  }
0x192: {  	s10 =	rddreg [dreg:$0x3];
	s11 =	sadd.s32 $0x1, s11  }
0x193: {  	p0 =	sne.s32 s11, s10  }
.Ltmp2:
0x194: {  	_ = 	snop;
	(pc) =	sbr.rel @p0 .LBB2_1-.Ltmp2, $1  }
0x195: {  	_ =	sdelay $0x3  }
0x196: {  	_ =	sfence.sel $0x180000  }
0x197: {  	[bflag:$0x0] =	sbarrier.arrive $0xFFFF  }
0x198: {  	_ =	strace $0x90000047  }
0x199: {  	s0 =	stileid.u32;
	[bflag:$0x2] =	sbarrier.arrive $0xFFFF  }
0x19a: {  	p0 =	sne.s32 s0, $0x0;
	s0 =	rddreg [dreg:$0x2]  }
0x19b: {  	s0 =	sadd.s32 @!p0 $0x100000, s0  }
0x19c: {  	[sflag:s0] =	ssyncadd.tile.s32 @!p0 $0x1;
	_ =	shalt  }
.Lfunc_end2:
_tile_overlayer_lowered:
.L_overlay_start_2:
0x19d: {  	(tag) =	ssettag $0x2  }
0x19e: {  	s0 =	rddreg [dreg:$0x0];
	s2 =	stileid.u32  }
0x19f: {  	s1 =	rddreg [dreg:$0x1];
	p0 =	sne.s32 s2, $0x0  }
0x1a0: {  	s3 =	rddreg [dreg:$0x2];
	[bflag:$0x3] =	sbarrier.arrive $0xFFFF;
	s2 =	simm.s32 @!p0 $0x1C02  }
0x1a1: {  	[timem:s3], [sflag:s2] =	dma.local @!p0 [hbm:s0], s1  }
0x1a2: {  	s0 =	simm.s32 @!p0 $0x2  }
0x1a3: {  	_ =	swait.ge @!p0 [sflag:s0], s1  }
0x1a4: {  	s1 =	ssub.s32 @!p0 $0x0, s1;
	[sflag:s0] =	ssyncset.done @!p0 $0x0  }
0x1a5: {  	[sflag:s0] =	ssyncadd.s32 @!p0 s1  }
0x1a6: {  	[bflag:$0x3] =	sbarrier.arrive $0xFFFF  }
0x1a7: {  	_ =	shalt  }

</sc_bundles>
